<compile_context>
chip_gen: v7x
topology: tpu7x:2x2x1
jax: 0.10.2.dev20260603
libtpu: 0.0.44.dev20260713+nightly
codegen_flags: <defaults>
</compile_context>

<pallas_src>
import functools
import jax
import jax.numpy as jnp
from jax import lax
from jax.experimental import pallas as pl
from jax.experimental.pallas import tpu as pltpu, tpu_sc as plsc

B, L, D = 4096, 200, 64
DS = D + 1
V_TAB = 1000

_info = plsc.get_sparse_core_info()
NC, NS, LN = _info.num_cores, _info.num_subcores, _info.num_lanes
NW = NC * NS
PER_W = (B * L) // NW
ROWS_W = B // NW
GRP = ROWS_W // LN


def _body(mask_hbm, table_hbm, out_hbm, mask_v, tab_v, st0, st1, sw0, sw1):
    wid = lax.axis_index("s") * NC + lax.axis_index("c")
    flat0 = wid * PER_W
    lane0 = wid * ROWS_W

    pltpu.sync_copy(table_hbm, tab_v.at[pl.ds(0, V_TAB * D)])
    pltpu.sync_copy(mask_hbm.at[pl.ds(flat0, PER_W)], mask_v)

    def skew_body(i, _):
        p = (V_TAB - 1) - i
        vs = [tab_v[pl.ds(p * D + k * LN, LN)] for k in range(D // LN)]
        for k in range(D // LN):
            tab_v[pl.ds(p * DS + k * LN, LN)] = vs[k]
        return 0

    lax.fori_loop(0, V_TAB, skew_body, jnp.int32(0))

    iota_l = lax.iota(jnp.int32, LN) * L
    zeros = jnp.zeros((LN,), jnp.int32)

    @plsc.parallel_loop(0, L, unroll=4, carry=(zeros,) * GRP)
    def _(l, accs):
        new = []
        for g in range(GRP):
            idx = iota_l + (l + g * (LN * L))
            x = plsc.load_gather(mask_v, [idx])
            a = accs[g] + x
            plsc.store_scatter(mask_v, [idx], a * x)
            new.append(a)
        return tuple(new)

    def build(l, stage):
        for g in range(GRP):
            p = plsc.load_gather(mask_v, [iota_l + (l + g * (LN * L))])
            pf = jnp.minimum(p, V_TAB - 1) * DS

            @plsc.parallel_loop(0, D, unroll=8)
            def _(j):
                v = plsc.load_gather(tab_v, [pf + j])
                stage[j, pl.ds(g * LN, LN)] = v

    def wstart(l, stage, sem):
        pltpu.async_copy(
            stage, out_hbm.at[l, :, pl.ds(lane0, ROWS_W)], sem)

    def wwait(l, stage, sem):
        pltpu.make_async_copy(
            stage, out_hbm.at[l, :, pl.ds(lane0, ROWS_W)], sem).wait()

    build(0, st0)
    wstart(0, st0, sw0)

    def pair_body(i, _):
        l0 = 2 * i

        @pl.when(i > 0)
        def _():
            wwait(l0 - 1, st1, sw1)

        build(l0 + 1, st1)
        wstart(l0 + 1, st1, sw1)
        wwait(l0, st0, sw0)

        @pl.when(l0 + 2 < L)
        def _():
            build(l0 + 2, st0)
            wstart(l0 + 2, st0, sw0)

        return 0

    lax.fori_loop(0, L // 2, pair_body, jnp.int32(0))
    wwait(L - 1, st1, sw1)


@functools.partial(jax.jit, donate_argnums=())
def _run(mask_flat, table_flat):
    kern = pl.kernel(
        _body,
        out_type=jax.ShapeDtypeStruct((L, D, B), jnp.float32),
        mesh=plsc.VectorSubcoreMesh(core_axis_name="c", subcore_axis_name="s"),
        scratch_types=[
            pltpu.VMEM((PER_W,), jnp.int32),
            pltpu.VMEM((V_TAB * DS,), jnp.float32),
            pltpu.VMEM((D, ROWS_W), jnp.float32),
            pltpu.VMEM((D, ROWS_W), jnp.float32),
            pltpu.SemaphoreType.DMA,
            pltpu.SemaphoreType.DMA,
        ],
        compiler_params=pltpu.CompilerParams(
            needs_layout_passes=False, disable_bounds_checks=True
        ),
    )
    return kern(mask_flat, table_flat)


def kernel(input, mask, table):
    del input
    out = _run(mask.reshape(-1).astype(jnp.int32), table.reshape(-1))
    return jnp.transpose(out, (2, 0, 1))

# --- scband reference (transcript-rebuilt; emitter-appended) ---
"""Pipeline reference for scband-learned-positional-embedding-34909494181945 (READ-ONLY COPY).

The authoritative reference and input builder live on the scoring server;
editing this copy changes nothing except your own understanding.
"""

import jax, jax.numpy as jnp
import numpy as np


def setup_inputs(seed: int = 0) -> dict:
    key = jax.random.key(seed)
    k1, k2, k3 = jax.random.split(key, 3)
    inp = jax.random.normal(k1, (4096, 200, 64), dtype=jnp.float32)
    mask = jax.random.randint(k2, (4096, 200), 0, 2).astype(jnp.int32)
    table = jax.random.normal(k3, (1000, 64), dtype=jnp.float32) * 0.02
    return {"input": inp, "mask": mask, "table": table}


def reference(input, mask, table):
    # _make_positions: cumsum of mask along seq dim, zeroed at padded positions
    m = mask.astype(jnp.int32)
    positions = jnp.cumsum(m, axis=1) * m  # (B, L), values in [0, L] < max_positions
    # embedding lookup (gather)
    out = jnp.take(table, positions, axis=0)  # (B, L, embedding_dim)
    return out

if __name__ == "__main__":
    import jax
    _d = setup_inputs()
    print(jax.jit(kernel)(*tuple(_d.values())))

</pallas_src>

<mosaic_0001>
#map = affine_map<(d0, d1) -> (0)>
#map1 = affine_map<(d0, d1) -> (0, 0, 0)>
module attributes {stable_mosaic.version = 14 : i64} {
  func.func @_body(%arg0: i32, %arg1: i32, %arg2: memref<819200xi32, #tpu.memory_space<hbm>>, %arg3: memref<64000xf32, #tpu.memory_space<hbm>>, %arg4: memref<200x64x4096xf32, #tpu.memory_space<hbm>>, %arg5: memref<25600xi32, #tpu.memory_space<vmem>>, %arg6: memref<65000xf32, #tpu.memory_space<vmem>>, %arg7: memref<64x128xf32, #tpu.memory_space<vmem>>, %arg8: memref<64x128xf32, #tpu.memory_space<vmem>>, %arg9: memref<!tpu.dma_semaphore, #tpu.memory_space<semaphore_mem>>, %arg10: memref<!tpu.dma_semaphore, #tpu.memory_space<semaphore_mem>>) attributes {dimension_semantics = [#tpu.dimension_semantics<core_parallel>, #tpu.dimension_semantics<subcore_parallel>], iteration_bounds = array<i64: 2, 16>, scalar_prefetch = 0 : i64, scratch_operands = 6 : i64, tpu.core_type = #tpu.core_type<sc_vector_subcore>, window_params = [{transform_indices = #map}, {transform_indices = #map}, {transform_indices = #map1}]} {
    %mul3A = arith.constant 2 : i32
    %mul3A_0 = arith.muli %arg1, %mul3A : i32
    %add3A = arith.addi %mul3A_0, %arg0 : i32
    %mul3A_1 = arith.constant 25600 : i32
    %mul3A_2 = arith.muli %add3A, %mul3A_1 : i32
    %mul3A_3 = arith.constant 128 : i32
    %mul3A_4 = arith.muli %add3A, %mul3A_3 : i32
    "tpu.region"() ({
      %run_scoped3A = tpu.sem_alloc : memref<!tpu.dma_semaphore, #tpu.memory_space<semaphore_mem>>
      %dma_start3A_139 = arith.constant 0 : i32
      %dma_start3A_140 = tpu.memref_slice %arg6[%dma_start3A_139] : memref<65000xf32, #tpu.memory_space<vmem>> -> memref<64000xf32, #tpu.memory_space<vmem>>
      %dma_start3A_141 = arith.constant 0 : i32
      %dma_start3A_142 = tpu.memref_slice %arg6[%dma_start3A_141] : memref<65000xf32, #tpu.memory_space<vmem>> -> memref<64000xf32, #tpu.memory_space<vmem>>
      tpu.enqueue_dma source(%arg3 : memref<64000xf32, #tpu.memory_space<hbm>>) target(%dma_start3A_142 : memref<64000xf32, #tpu.memory_space<vmem>>) target_semaphore(%run_scoped3A : memref<!tpu.dma_semaphore, #tpu.memory_space<semaphore_mem>>)
      %dma_wait3A_143 = arith.constant 0 : i32
      %dma_wait3A_144 = tpu.memref_slice %arg6[%dma_wait3A_143] : memref<65000xf32, #tpu.memory_space<vmem>> -> memref<64000xf32, #tpu.memory_space<vmem>>
      %dma_wait3A_145 = arith.constant 0 : i32
      %dma_wait3A_146 = tpu.memref_slice %arg6[%dma_wait3A_145] : memref<65000xf32, #tpu.memory_space<vmem>> -> memref<64000xf32, #tpu.memory_space<vmem>>
      tpu.wait_dma2 semaphore(%run_scoped3A : memref<!tpu.dma_semaphore, #tpu.memory_space<semaphore_mem>>) src(%arg3 : memref<64000xf32, #tpu.memory_space<hbm>>) dst(%dma_wait3A_146 : memref<64000xf32, #tpu.memory_space<vmem>>)
      tpu.yield
    }) : () -> ()
    "tpu.region"() ({
      %run_scoped3A = tpu.sem_alloc : memref<!tpu.dma_semaphore, #tpu.memory_space<semaphore_mem>>
      %dma_start3A_139 = tpu.memref_slice %arg2[%mul3A_2] : memref<819200xi32, #tpu.memory_space<hbm>> -> memref<25600xi32, #tpu.memory_space<hbm>>
      %dma_start3A_140 = tpu.memref_slice %arg2[%mul3A_2] : memref<819200xi32, #tpu.memory_space<hbm>> -> memref<25600xi32, #tpu.memory_space<hbm>>
      tpu.enqueue_dma source(%dma_start3A_140 : memref<25600xi32, #tpu.memory_space<hbm>>) target(%arg5 : memref<25600xi32, #tpu.memory_space<vmem>>) target_semaphore(%run_scoped3A : memref<!tpu.dma_semaphore, #tpu.memory_space<semaphore_mem>>)
      %dma_wait3A_141 = tpu.memref_slice %arg2[%mul3A_2] : memref<819200xi32, #tpu.memory_space<hbm>> -> memref<25600xi32, #tpu.memory_space<hbm>>
      %dma_wait3A_142 = tpu.memref_slice %arg2[%mul3A_2] : memref<819200xi32, #tpu.memory_space<hbm>> -> memref<25600xi32, #tpu.memory_space<hbm>>
      tpu.wait_dma2 semaphore(%run_scoped3A : memref<!tpu.dma_semaphore, #tpu.memory_space<semaphore_mem>>) src(%dma_wait3A_142 : memref<25600xi32, #tpu.memory_space<hbm>>) dst(%arg5 : memref<25600xi32, #tpu.memory_space<vmem>>)
      tpu.yield
    }) : () -> ()
    %scan3A = arith.constant 0 : i32
    %scan3A_5 = arith.constant 0 : i32
    %scan3A_6 = arith.constant 1000 : i32
    %scan3A_7 = arith.addi %scan3A_5, %scan3A_6 : i32
    %scan3A_8 = arith.constant 1 : i32
    %scan3A_9 = scf.for %scan3A_139 = %scan3A_5 to %scan3A_7 step %scan3A_8 iter_args(%scan3A_140 = %scan3A) -> (i32)  : i32 {
      %sub3A = arith.constant 999 : i32
      %sub3A_141 = arith.subi %sub3A, %scan3A_139 : i32
      %mul3A_142 = arith.constant 64 : i32
      %mul3A_143 = arith.muli %sub3A_141, %mul3A_142 : i32
      %add3A_144 = arith.constant 0 : i32
      %add3A_145 = arith.addi %mul3A_143, %add3A_144 : i32
      %get3A = arith.index_cast %add3A_145 : i32 to index
      %get3A_146 = tpu.vector_load %arg6[%get3A] {strides = array<i32>} : memref<65000xf32, #tpu.memory_space<vmem>>, vector<16xf32>,
      %mul3A_147 = arith.constant 64 : i32
      %mul3A_148 = arith.muli %sub3A_141, %mul3A_147 : i32
      %add3A_149 = arith.constant 16 : i32
      %add3A_150 = arith.addi %mul3A_148, %add3A_149 : i32
      %get3A_151 = arith.index_cast %add3A_150 : i32 to index
      %get3A_152 = tpu.vector_load %arg6[%get3A_151] {strides = array<i32>} : memref<65000xf32, #tpu.memory_space<vmem>>, vector<16xf32>,
      %mul3A_153 = arith.constant 64 : i32
      %mul3A_154 = arith.muli %sub3A_141, %mul3A_153 : i32
      %add3A_155 = arith.constant 32 : i32
      %add3A_156 = arith.addi %mul3A_154, %add3A_155 : i32
      %get3A_157 = arith.index_cast %add3A_156 : i32 to index
      %get3A_158 = tpu.vector_load %arg6[%get3A_157] {strides = array<i32>} : memref<65000xf32, #tpu.memory_space<vmem>>, vector<16xf32>,
      %mul3A_159 = arith.constant 64 : i32
      %mul3A_160 = arith.muli %sub3A_141, %mul3A_159 : i32
      %add3A_161 = arith.constant 48 : i32
      %add3A_162 = arith.addi %mul3A_160, %add3A_161 : i32
      %get3A_163 = arith.index_cast %add3A_162 : i32 to index
      %get3A_164 = tpu.vector_load %arg6[%get3A_163] {strides = array<i32>} : memref<65000xf32, #tpu.memory_space<vmem>>, vector<16xf32>,
      %mul3A_165 = arith.constant 65 : i32
      %mul3A_166 = arith.muli %sub3A_141, %mul3A_165 : i32
      %add3A_167 = arith.constant 0 : i32
      %add3A_168 = arith.addi %mul3A_166, %add3A_167 : i32
      %swap3A = arith.index_cast %add3A_168 : i32 to index
      %swap3A_169 = tpu.vector_load %arg6[%swap3A] {strides = array<i32>} : memref<65000xf32, #tpu.memory_space<vmem>>, vector<16xf32>,
      tpu.vector_store %arg6[%swap3A], %get3A_146 {strides = array<i32>} : memref<65000xf32, #tpu.memory_space<vmem>>, vector<16xf32>,
      %mul3A_170 = arith.constant 65 : i32
      %mul3A_171 = arith.muli %sub3A_141, %mul3A_170 : i32
      %add3A_172 = arith.constant 16 : i32
      %add3A_173 = arith.addi %mul3A_171, %add3A_172 : i32
      %swap3A_174 = arith.index_cast %add3A_173 : i32 to index
      %swap3A_175 = tpu.vector_load %arg6[%swap3A_174] {strides = array<i32>} : memref<65000xf32, #tpu.memory_space<vmem>>, vector<16xf32>,
      tpu.vector_store %arg6[%swap3A_174], %get3A_152 {strides = array<i32>} : memref<65000xf32, #tpu.memory_space<vmem>>, vector<16xf32>,
      %mul3A_176 = arith.constant 65 : i32
      %mul3A_177 = arith.muli %sub3A_141, %mul3A_176 : i32
      %add3A_178 = arith.constant 32 : i32
      %add3A_179 = arith.addi %mul3A_177, %add3A_178 : i32
      %swap3A_180 = arith.index_cast %add3A_179 : i32 to index
      %swap3A_181 = tpu.vector_load %arg6[%swap3A_180] {strides = array<i32>} : memref<65000xf32, #tpu.memory_space<vmem>>, vector<16xf32>,
      tpu.vector_store %arg6[%swap3A_180], %get3A_158 {strides = array<i32>} : memref<65000xf32, #tpu.memory_space<vmem>>, vector<16xf32>,
      %mul3A_182 = arith.constant 65 : i32
      %mul3A_183 = arith.muli %sub3A_141, %mul3A_182 : i32
      %add3A_184 = arith.constant 48 : i32
      %add3A_185 = arith.addi %mul3A_183, %add3A_184 : i32
      %swap3A_186 = arith.index_cast %add3A_185 : i32 to index
      %swap3A_187 = tpu.vector_load %arg6[%swap3A_186] {strides = array<i32>} : memref<65000xf32, #tpu.memory_space<vmem>>, vector<16xf32>,
      tpu.vector_store %arg6[%swap3A_186], %get3A_164 {strides = array<i32>} : memref<65000xf32, #tpu.memory_space<vmem>>, vector<16xf32>,
      %scan3A_188 = arith.constant 0 : i32
      scf.yield %scan3A_188 : i32
    }
    %scan3A_10 = arith.constant 1000 : i32
    %iota3A = tpu.iota {dimensions = array<i32: 0>} : vector<16xi32>
    %mul3A_11 = arith.constant 200 : i32
    %mul3A_12 = vector.broadcast %mul3A_11 : i32 to vector<16xi32>
    %mul3A_13 = arith.muli %iota3A, %mul3A_12 : vector<16xi32>
    %broadcast_in_dim3A = arith.constant 0 : i32
    %broadcast_in_dim3A_14 = vector.broadcast %broadcast_in_dim3A : i32 to vector<16xi32>
    %parallel_loop3A = arith.constant 0 : i32
    %parallel_loop3A_15 = arith.constant 200 : i32
    %parallel_loop3A_16 = arith.constant 1 : i32
    %parallel_loop3A_17:8 = scf.for %parallel_loop3A_139 = %parallel_loop3A to %parallel_loop3A_15 step %parallel_loop3A_16 iter_args(%parallel_loop3A_140 = %broadcast_in_dim3A_14, %parallel_loop3A_141 = %broadcast_in_dim3A_14, %parallel_loop3A_142 = %broadcast_in_dim3A_14, %parallel_loop3A_143 = %broadcast_in_dim3A_14, %parallel_loop3A_144 = %broadcast_in_dim3A_14, %parallel_loop3A_145 = %broadcast_in_dim3A_14, %parallel_loop3A_146 = %broadcast_in_dim3A_14, %parallel_loop3A_147 = %broadcast_in_dim3A_14) -> (vector<16xi32>, vector<16xi32>, vector<16xi32>, vector<16xi32>, vector<16xi32>, vector<16xi32>, vector<16xi32>, vector<16xi32>)  : i32 {
      %parallel_loop3A_148 = arith.constant 0 : i32
      %parallel_loop3A_149 = arith.addi %parallel_loop3A_139, %parallel_loop3A_148 : i32
      %parallel_loop3A_150 = vector.broadcast %parallel_loop3A_149 : i32 to vector<16xi32>
      %parallel_loop3A_151 = arith.addi %mul3A_13, %parallel_loop3A_150 : vector<16xi32>
      %parallel_loop3A_152 = tpu.vector_load_idx %arg5[%parallel_loop3A_151] : memref<25600xi32, #tpu.memory_space<vmem>>[vector<16xi32>], vector<16xi32>,
      %parallel_loop3A_153 = arith.addi %parallel_loop3A_140, %parallel_loop3A_152 : vector<16xi32>
      %parallel_loop3A_154 = arith.muli %parallel_loop3A_153, %parallel_loop3A_152 : vector<16xi32>
      tpu.vector_store_idx %arg5[%parallel_loop3A_151], %parallel_loop3A_154 : memref<25600xi32, #tpu.memory_space<vmem>>[vector<16xi32>], vector<16xi32>,
      %parallel_loop3A_155 = arith.constant 3200 : i32
      %parallel_loop3A_156 = arith.addi %parallel_loop3A_139, %parallel_loop3A_155 : i32
      %parallel_loop3A_157 = vector.broadcast %parallel_loop3A_156 : i32 to vector<16xi32>
      %parallel_loop3A_158 = arith.addi %mul3A_13, %parallel_loop3A_157 : vector<16xi32>
      %parallel_loop3A_159 = tpu.vector_load_idx %arg5[%parallel_loop3A_158] : memref<25600xi32, #tpu.memory_space<vmem>>[vector<16xi32>], vector<16xi32>,
      %parallel_loop3A_160 = arith.addi %parallel_loop3A_141, %parallel_loop3A_159 : vector<16xi32>
      %parallel_loop3A_161 = arith.muli %parallel_loop3A_160, %parallel_loop3A_159 : vector<16xi32>
      tpu.vector_store_idx %arg5[%parallel_loop3A_158], %parallel_loop3A_161 : memref<25600xi32, #tpu.memory_space<vmem>>[vector<16xi32>], vector<16xi32>,
      %parallel_loop3A_162 = arith.constant 6400 : i32
      %parallel_loop3A_163 = arith.addi %parallel_loop3A_139, %parallel_loop3A_162 : i32
      %parallel_loop3A_164 = vector.broadcast %parallel_loop3A_163 : i32 to vector<16xi32>
      %parallel_loop3A_165 = arith.addi %mul3A_13, %parallel_loop3A_164 : vector<16xi32>
      %parallel_loop3A_166 = tpu.vector_load_idx %arg5[%parallel_loop3A_165] : memref<25600xi32, #tpu.memory_space<vmem>>[vector<16xi32>], vector<16xi32>,
      %parallel_loop3A_167 = arith.addi %parallel_loop3A_142, %parallel_loop3A_166 : vector<16xi32>
      %parallel_loop3A_168 = arith.muli %parallel_loop3A_167, %parallel_loop3A_166 : vector<16xi32>
      tpu.vector_store_idx %arg5[%parallel_loop3A_165], %parallel_loop3A_168 : memref<25600xi32, #tpu.memory_space<vmem>>[vector<16xi32>], vector<16xi32>,
      %parallel_loop3A_169 = arith.constant 9600 : i32
      %parallel_loop3A_170 = arith.addi %parallel_loop3A_139, %parallel_loop3A_169 : i32
      %parallel_loop3A_171 = vector.broadcast %parallel_loop3A_170 : i32 to vector<16xi32>
      %parallel_loop3A_172 = arith.addi %mul3A_13, %parallel_loop3A_171 : vector<16xi32>
      %parallel_loop3A_173 = tpu.vector_load_idx %arg5[%parallel_loop3A_172] : memref<25600xi32, #tpu.memory_space<vmem>>[vector<16xi32>], vector<16xi32>,
      %parallel_loop3A_174 = arith.addi %parallel_loop3A_143, %parallel_loop3A_173 : vector<16xi32>
      %parallel_loop3A_175 = arith.muli %parallel_loop3A_174, %parallel_loop3A_173 : vector<16xi32>
      tpu.vector_store_idx %arg5[%parallel_loop3A_172], %parallel_loop3A_175 : memref<25600xi32, #tpu.memory_space<vmem>>[vector<16xi32>], vector<16xi32>,
      %parallel_loop3A_176 = arith.constant 12800 : i32
      %parallel_loop3A_177 = arith.addi %parallel_loop3A_139, %parallel_loop3A_176 : i32
      %parallel_loop3A_178 = vector.broadcast %parallel_loop3A_177 : i32 to vector<16xi32>
      %parallel_loop3A_179 = arith.addi %mul3A_13, %parallel_loop3A_178 : vector<16xi32>
      %parallel_loop3A_180 = tpu.vector_load_idx %arg5[%parallel_loop3A_179] : memref<25600xi32, #tpu.memory_space<vmem>>[vector<16xi32>], vector<16xi32>,
      %parallel_loop3A_181 = arith.addi %parallel_loop3A_144, %parallel_loop3A_180 : vector<16xi32>
      %parallel_loop3A_182 = arith.muli %parallel_loop3A_181, %parallel_loop3A_180 : vector<16xi32>
      tpu.vector_store_idx %arg5[%parallel_loop3A_179], %parallel_loop3A_182 : memref<25600xi32, #tpu.memory_space<vmem>>[vector<16xi32>], vector<16xi32>,
      %parallel_loop3A_183 = arith.constant 16000 : i32
      %parallel_loop3A_184 = arith.addi %parallel_loop3A_139, %parallel_loop3A_183 : i32
      %parallel_loop3A_185 = vector.broadcast %parallel_loop3A_184 : i32 to vector<16xi32>
      %parallel_loop3A_186 = arith.addi %mul3A_13, %parallel_loop3A_185 : vector<16xi32>
      %parallel_loop3A_187 = tpu.vector_load_idx %arg5[%parallel_loop3A_186] : memref<25600xi32, #tpu.memory_space<vmem>>[vector<16xi32>], vector<16xi32>,
      %parallel_loop3A_188 = arith.addi %parallel_loop3A_145, %parallel_loop3A_187 : vector<16xi32>
      %parallel_loop3A_189 = arith.muli %parallel_loop3A_188, %parallel_loop3A_187 : vector<16xi32>
      tpu.vector_store_idx %arg5[%parallel_loop3A_186], %parallel_loop3A_189 : memref<25600xi32, #tpu.memory_space<vmem>>[vector<16xi32>], vector<16xi32>,
      %parallel_loop3A_190 = arith.constant 19200 : i32
      %parallel_loop3A_191 = arith.addi %parallel_loop3A_139, %parallel_loop3A_190 : i32
      %parallel_loop3A_192 = vector.broadcast %parallel_loop3A_191 : i32 to vector<16xi32>
      %parallel_loop3A_193 = arith.addi %mul3A_13, %parallel_loop3A_192 : vector<16xi32>
      %parallel_loop3A_194 = tpu.vector_load_idx %arg5[%parallel_loop3A_193] : memref<25600xi32, #tpu.memory_space<vmem>>[vector<16xi32>], vector<16xi32>,
      %parallel_loop3A_195 = arith.addi %parallel_loop3A_146, %parallel_loop3A_194 : vector<16xi32>
      %parallel_loop3A_196 = arith.muli %parallel_loop3A_195, %parallel_loop3A_194 : vector<16xi32>
      tpu.vector_store_idx %arg5[%parallel_loop3A_193], %parallel_loop3A_196 : memref<25600xi32, #tpu.memory_space<vmem>>[vector<16xi32>], vector<16xi32>,
      %parallel_loop3A_197 = arith.constant 22400 : i32
      %parallel_loop3A_198 = arith.addi %parallel_loop3A_139, %parallel_loop3A_197 : i32
      %parallel_loop3A_199 = vector.broadcast %parallel_loop3A_198 : i32 to vector<16xi32>
      %parallel_loop3A_200 = arith.addi %mul3A_13, %parallel_loop3A_199 : vector<16xi32>
      %parallel_loop3A_201 = tpu.vector_load_idx %arg5[%parallel_loop3A_200] : memref<25600xi32, #tpu.memory_space<vmem>>[vector<16xi32>], vector<16xi32>,
      %parallel_loop3A_202 = arith.addi %parallel_loop3A_147, %parallel_loop3A_201 : vector<16xi32>
      %parallel_loop3A_203 = arith.muli %parallel_loop3A_202, %parallel_loop3A_201 : vector<16xi32>
      tpu.vector_store_idx %arg5[%parallel_loop3A_200], %parallel_loop3A_203 : memref<25600xi32, #tpu.memory_space<vmem>>[vector<16xi32>], vector<16xi32>,
      scf.yield %parallel_loop3A_153, %parallel_loop3A_160, %parallel_loop3A_167, %parallel_loop3A_174, %parallel_loop3A_181, %parallel_loop3A_188, %parallel_loop3A_195, %parallel_loop3A_202 : vector<16xi32>, vector<16xi32>, vector<16xi32>, vector<16xi32>, vector<16xi32>, vector<16xi32>, vector<16xi32>, vector<16xi32>
    } {sc.loop_unroll_factor = 4 : i64, sc.parallel_access}
    %add3A_18 = arith.constant 0 : i32
    %add3A_19 = vector.broadcast %add3A_18 : i32 to vector<16xi32>
    %add3A_20 = arith.addi %mul3A_13, %add3A_19 : vector<16xi32>
    %gather3A = tpu.vector_load_idx %arg5[%add3A_20] : memref<25600xi32, #tpu.memory_space<vmem>>[vector<16xi32>], vector<16xi32>,
    %min3A = arith.constant 999 : i32
    %min3A_21 = vector.broadcast %min3A : i32 to vector<16xi32>
    %min3A_22 = arith.minsi %gather3A, %min3A_21 : vector<16xi32>
    %mul3A_23 = arith.constant 65 : i32
    %mul3A_24 = vector.broadcast %mul3A_23 : i32 to vector<16xi32>
    %mul3A_25 = arith.muli %min3A_22, %mul3A_24 : vector<16xi32>
    %parallel_loop3A_26 = arith.constant 0 : i32
    %parallel_loop3A_27 = arith.constant 64 : i32
    %parallel_loop3A_28 = arith.constant 1 : i32
    scf.for %parallel_loop3A_139 = %parallel_loop3A_26 to %parallel_loop3A_27 step %parallel_loop3A_28  : i32 {
      %parallel_loop3A_140 = vector.broadcast %parallel_loop3A_139 : i32 to vector<16xi32>
      %parallel_loop3A_141 = arith.addi %mul3A_25, %parallel_loop3A_140 : vector<16xi32>
      %parallel_loop3A_142 = tpu.vector_load_idx %arg6[%parallel_loop3A_141] : memref<65000xf32, #tpu.memory_space<vmem>>[vector<16xi32>], vector<16xf32>,
      %parallel_loop3A_143 = arith.index_cast %parallel_loop3A_139 : i32 to index
      %parallel_loop3A_144 = arith.constant 0 : index
      %parallel_loop3A_145 = tpu.vector_load %arg7[%parallel_loop3A_143, %parallel_loop3A_144] {strides = array<i32>} : memref<64x128xf32, #tpu.memory_space<vmem>>, vector<16xf32>,
      tpu.vector_store %arg7[%parallel_loop3A_143, %parallel_loop3A_144], %parallel_loop3A_142 {strides = array<i32>} : memref<64x128xf32, #tpu.memory_space<vmem>>, vector<16xf32>,
    } {sc.loop_unroll_factor = 8 : i64, sc.parallel_access}
    %add3A_29 = arith.constant 3200 : i32
    %add3A_30 = vector.broadcast %add3A_29 : i32 to vector<16xi32>
    %add3A_31 = arith.addi %mul3A_13, %add3A_30 : vector<16xi32>
    %gather3A_32 = tpu.vector_load_idx %arg5[%add3A_31] : memref<25600xi32, #tpu.memory_space<vmem>>[vector<16xi32>], vector<16xi32>,
    %min3A_33 = arith.constant 999 : i32
    %min3A_34 = vector.broadcast %min3A_33 : i32 to vector<16xi32>
    %min3A_35 = arith.minsi %gather3A_32, %min3A_34 : vector<16xi32>
    %mul3A_36 = arith.constant 65 : i32
    %mul3A_37 = vector.broadcast %mul3A_36 : i32 to vector<16xi32>
    %mul3A_38 = arith.muli %min3A_35, %mul3A_37 : vector<16xi32>
    %parallel_loop3A_39 = arith.constant 0 : i32
    %parallel_loop3A_40 = arith.constant 64 : i32
    %parallel_loop3A_41 = arith.constant 1 : i32
    scf.for %parallel_loop3A_139 = %parallel_loop3A_39 to %parallel_loop3A_40 step %parallel_loop3A_41  : i32 {
      %parallel_loop3A_140 = vector.broadcast %parallel_loop3A_139 : i32 to vector<16xi32>
      %parallel_loop3A_141 = arith.addi %mul3A_38, %parallel_loop3A_140 : vector<16xi32>
      %parallel_loop3A_142 = tpu.vector_load_idx %arg6[%parallel_loop3A_141] : memref<65000xf32, #tpu.memory_space<vmem>>[vector<16xi32>], vector<16xf32>,
      %parallel_loop3A_143 = arith.index_cast %parallel_loop3A_139 : i32 to index
      %parallel_loop3A_144 = arith.constant 16 : index
      %parallel_loop3A_145 = tpu.vector_load %arg7[%parallel_loop3A_143, %parallel_loop3A_144] {strides = array<i32>} : memref<64x128xf32, #tpu.memory_space<vmem>>, vector<16xf32>,
      tpu.vector_store %arg7[%parallel_loop3A_143, %parallel_loop3A_144], %parallel_loop3A_142 {strides = array<i32>} : memref<64x128xf32, #tpu.memory_space<vmem>>, vector<16xf32>,
    } {sc.loop_unroll_factor = 8 : i64, sc.parallel_access}
    %add3A_42 = arith.constant 6400 : i32
    %add3A_43 = vector.broadcast %add3A_42 : i32 to vector<16xi32>
    %add3A_44 = arith.addi %mul3A_13, %add3A_43 : vector<16xi32>
    %gather3A_45 = tpu.vector_load_idx %arg5[%add3A_44] : memref<25600xi32, #tpu.memory_space<vmem>>[vector<16xi32>], vector<16xi32>,
    %min3A_46 = arith.constant 999 : i32
    %min3A_47 = vector.broadcast %min3A_46 : i32 to vector<16xi32>
    %min3A_48 = arith.minsi %gather3A_45, %min3A_47 : vector<16xi32>
    %mul3A_49 = arith.constant 65 : i32
    %mul3A_50 = vector.broadcast %mul3A_49 : i32 to vector<16xi32>
    %mul3A_51 = arith.muli %min3A_48, %mul3A_50 : vector<16xi32>
    %parallel_loop3A_52 = arith.constant 0 : i32
    %parallel_loop3A_53 = arith.constant 64 : i32
    %parallel_loop3A_54 = arith.constant 1 : i32
    scf.for %parallel_loop3A_139 = %parallel_loop3A_52 to %parallel_loop3A_53 step %parallel_loop3A_54  : i32 {
      %parallel_loop3A_140 = vector.broadcast %parallel_loop3A_139 : i32 to vector<16xi32>
      %parallel_loop3A_141 = arith.addi %mul3A_51, %parallel_loop3A_140 : vector<16xi32>
      %parallel_loop3A_142 = tpu.vector_load_idx %arg6[%parallel_loop3A_141] : memref<65000xf32, #tpu.memory_space<vmem>>[vector<16xi32>], vector<16xf32>,
      %parallel_loop3A_143 = arith.index_cast %parallel_loop3A_139 : i32 to index
      %parallel_loop3A_144 = arith.constant 32 : index
      %parallel_loop3A_145 = tpu.vector_load %arg7[%parallel_loop3A_143, %parallel_loop3A_144] {strides = array<i32>} : memref<64x128xf32, #tpu.memory_space<vmem>>, vector<16xf32>,
      tpu.vector_store %arg7[%parallel_loop3A_143, %parallel_loop3A_144], %parallel_loop3A_142 {strides = array<i32>} : memref<64x128xf32, #tpu.memory_space<vmem>>, vector<16xf32>,
    } {sc.loop_unroll_factor = 8 : i64, sc.parallel_access}
    %add3A_55 = arith.constant 9600 : i32
    %add3A_56 = vector.broadcast %add3A_55 : i32 to vector<16xi32>
    %add3A_57 = arith.addi %mul3A_13, %add3A_56 : vector<16xi32>
    %gather3A_58 = tpu.vector_load_idx %arg5[%add3A_57] : memref<25600xi32, #tpu.memory_space<vmem>>[vector<16xi32>], vector<16xi32>,
    %min3A_59 = arith.constant 999 : i32
    %min3A_60 = vector.broadcast %min3A_59 : i32 to vector<16xi32>
    %min3A_61 = arith.minsi %gather3A_58, %min3A_60 : vector<16xi32>
    %mul3A_62 = arith.constant 65 : i32
    %mul3A_63 = vector.broadcast %mul3A_62 : i32 to vector<16xi32>
    %mul3A_64 = arith.muli %min3A_61, %mul3A_63 : vector<16xi32>
    %parallel_loop3A_65 = arith.constant 0 : i32
    %parallel_loop3A_66 = arith.constant 64 : i32
    %parallel_loop3A_67 = arith.constant 1 : i32
    scf.for %parallel_loop3A_139 = %parallel_loop3A_65 to %parallel_loop3A_66 step %parallel_loop3A_67  : i32 {
      %parallel_loop3A_140 = vector.broadcast %parallel_loop3A_139 : i32 to vector<16xi32>
      %parallel_loop3A_141 = arith.addi %mul3A_64, %parallel_loop3A_140 : vector<16xi32>
      %parallel_loop3A_142 = tpu.vector_load_idx %arg6[%parallel_loop3A_141] : memref<65000xf32, #tpu.memory_space<vmem>>[vector<16xi32>], vector<16xf32>,
      %parallel_loop3A_143 = arith.index_cast %parallel_loop3A_139 : i32 to index
      %parallel_loop3A_144 = arith.constant 48 : index
      %parallel_loop3A_145 = tpu.vector_load %arg7[%parallel_loop3A_143, %parallel_loop3A_144] {strides = array<i32>} : memref<64x128xf32, #tpu.memory_space<vmem>>, vector<16xf32>,
      tpu.vector_store %arg7[%parallel_loop3A_143, %parallel_loop3A_144], %parallel_loop3A_142 {strides = array<i32>} : memref<64x128xf32, #tpu.memory_space<vmem>>, vector<16xf32>,
    } {sc.loop_unroll_factor = 8 : i64, sc.parallel_access}
    %add3A_68 = arith.constant 12800 : i32
    %add3A_69 = vector.broadcast %add3A_68 : i32 to vector<16xi32>
    %add3A_70 = arith.addi %mul3A_13, %add3A_69 : vector<16xi32>
    %gather3A_71 = tpu.vector_load_idx %arg5[%add3A_70] : memref<25600xi32, #tpu.memory_space<vmem>>[vector<16xi32>], vector<16xi32>,
    %min3A_72 = arith.constant 999 : i32
    %min3A_73 = vector.broadcast %min3A_72 : i32 to vector<16xi32>
    %min3A_74 = arith.minsi %gather3A_71, %min3A_73 : vector<16xi32>
    %mul3A_75 = arith.constant 65 : i32
    %mul3A_76 = vector.broadcast %mul3A_75 : i32 to vector<16xi32>
    %mul3A_77 = arith.muli %min3A_74, %mul3A_76 : vector<16xi32>
    %parallel_loop3A_78 = arith.constant 0 : i32
    %parallel_loop3A_79 = arith.constant 64 : i32
    %parallel_loop3A_80 = arith.constant 1 : i32
    scf.for %parallel_loop3A_139 = %parallel_loop3A_78 to %parallel_loop3A_79 step %parallel_loop3A_80  : i32 {
      %parallel_loop3A_140 = vector.broadcast %parallel_loop3A_139 : i32 to vector<16xi32>
      %parallel_loop3A_141 = arith.addi %mul3A_77, %parallel_loop3A_140 : vector<16xi32>
      %parallel_loop3A_142 = tpu.vector_load_idx %arg6[%parallel_loop3A_141] : memref<65000xf32, #tpu.memory_space<vmem>>[vector<16xi32>], vector<16xf32>,
      %parallel_loop3A_143 = arith.index_cast %parallel_loop3A_139 : i32 to index
      %parallel_loop3A_144 = arith.constant 64 : index
      %parallel_loop3A_145 = tpu.vector_load %arg7[%parallel_loop3A_143, %parallel_loop3A_144] {strides = array<i32>} : memref<64x128xf32, #tpu.memory_space<vmem>>, vector<16xf32>,
      tpu.vector_store %arg7[%parallel_loop3A_143, %parallel_loop3A_144], %parallel_loop3A_142 {strides = array<i32>} : memref<64x128xf32, #tpu.memory_space<vmem>>, vector<16xf32>,
    } {sc.loop_unroll_factor = 8 : i64, sc.parallel_access}
    %add3A_81 = arith.constant 16000 : i32
    %add3A_82 = vector.broadcast %add3A_81 : i32 to vector<16xi32>
    %add3A_83 = arith.addi %mul3A_13, %add3A_82 : vector<16xi32>
    %gather3A_84 = tpu.vector_load_idx %arg5[%add3A_83] : memref<25600xi32, #tpu.memory_space<vmem>>[vector<16xi32>], vector<16xi32>,
    %min3A_85 = arith.constant 999 : i32
    %min3A_86 = vector.broadcast %min3A_85 : i32 to vector<16xi32>
    %min3A_87 = arith.minsi %gather3A_84, %min3A_86 : vector<16xi32>
    %mul3A_88 = arith.constant 65 : i32
    %mul3A_89 = vector.broadcast %mul3A_88 : i32 to vector<16xi32>
    %mul3A_90 = arith.muli %min3A_87, %mul3A_89 : vector<16xi32>
    %parallel_loop3A_91 = arith.constant 0 : i32
    %parallel_loop3A_92 = arith.constant 64 : i32
    %parallel_loop3A_93 = arith.constant 1 : i32
    scf.for %parallel_loop3A_139 = %parallel_loop3A_91 to %parallel_loop3A_92 step %parallel_loop3A_93  : i32 {
      %parallel_loop3A_140 = vector.broadcast %parallel_loop3A_139 : i32 to vector<16xi32>
      %parallel_loop3A_141 = arith.addi %mul3A_90, %parallel_loop3A_140 : vector<16xi32>
      %parallel_loop3A_142 = tpu.vector_load_idx %arg6[%parallel_loop3A_141] : memref<65000xf32, #tpu.memory_space<vmem>>[vector<16xi32>], vector<16xf32>,
      %parallel_loop3A_143 = arith.index_cast %parallel_loop3A_139 : i32 to index
      %parallel_loop3A_144 = arith.constant 80 : index
      %parallel_loop3A_145 = tpu.vector_load %arg7[%parallel_loop3A_143, %parallel_loop3A_144] {strides = array<i32>} : memref<64x128xf32, #tpu.memory_space<vmem>>, vector<16xf32>,
      tpu.vector_store %arg7[%parallel_loop3A_143, %parallel_loop3A_144], %parallel_loop3A_142 {strides = array<i32>} : memref<64x128xf32, #tpu.memory_space<vmem>>, vector<16xf32>,
    } {sc.loop_unroll_factor = 8 : i64, sc.parallel_access}
    %add3A_94 = arith.constant 19200 : i32
    %add3A_95 = vector.broadcast %add3A_94 : i32 to vector<16xi32>
    %add3A_96 = arith.addi %mul3A_13, %add3A_95 : vector<16xi32>
    %gather3A_97 = tpu.vector_load_idx %arg5[%add3A_96] : memref<25600xi32, #tpu.memory_space<vmem>>[vector<16xi32>], vector<16xi32>,
    %min3A_98 = arith.constant 999 : i32
    %min3A_99 = vector.broadcast %min3A_98 : i32 to vector<16xi32>
    %min3A_100 = arith.minsi %gather3A_97, %min3A_99 : vector<16xi32>
    %mul3A_101 = arith.constant 65 : i32
    %mul3A_102 = vector.broadcast %mul3A_101 : i32 to vector<16xi32>
    %mul3A_103 = arith.muli %min3A_100, %mul3A_102 : vector<16xi32>
    %parallel_loop3A_104 = arith.constant 0 : i32
    %parallel_loop3A_105 = arith.constant 64 : i32
    %parallel_loop3A_106 = arith.constant 1 : i32
    scf.for %parallel_loop3A_139 = %parallel_loop3A_104 to %parallel_loop3A_105 step %parallel_loop3A_106  : i32 {
      %parallel_loop3A_140 = vector.broadcast %parallel_loop3A_139 : i32 to vector<16xi32>
      %parallel_loop3A_141 = arith.addi %mul3A_103, %parallel_loop3A_140 : vector<16xi32>
      %parallel_loop3A_142 = tpu.vector_load_idx %arg6[%parallel_loop3A_141] : memref<65000xf32, #tpu.memory_space<vmem>>[vector<16xi32>], vector<16xf32>,
      %parallel_loop3A_143 = arith.index_cast %parallel_loop3A_139 : i32 to index
      %parallel_loop3A_144 = arith.constant 96 : index
      %parallel_loop3A_145 = tpu.vector_load %arg7[%parallel_loop3A_143, %parallel_loop3A_144] {strides = array<i32>} : memref<64x128xf32, #tpu.memory_space<vmem>>, vector<16xf32>,
      tpu.vector_store %arg7[%parallel_loop3A_143, %parallel_loop3A_144], %parallel_loop3A_142 {strides = array<i32>} : memref<64x128xf32, #tpu.memory_space<vmem>>, vector<16xf32>,
    } {sc.loop_unroll_factor = 8 : i64, sc.parallel_access}
    %add3A_107 = arith.constant 22400 : i32
    %add3A_108 = vector.broadcast %add3A_107 : i32 to vector<16xi32>
    %add3A_109 = arith.addi %mul3A_13, %add3A_108 : vector<16xi32>
    %gather3A_110 = tpu.vector_load_idx %arg5[%add3A_109] : memref<25600xi32, #tpu.memory_space<vmem>>[vector<16xi32>], vector<16xi32>,
    %min3A_111 = arith.constant 999 : i32
    %min3A_112 = vector.broadcast %min3A_111 : i32 to vector<16xi32>
    %min3A_113 = arith.minsi %gather3A_110, %min3A_112 : vector<16xi32>
    %mul3A_114 = arith.constant 65 : i32
    %mul3A_115 = vector.broadcast %mul3A_114 : i32 to vector<16xi32>
    %mul3A_116 = arith.muli %min3A_113, %mul3A_115 : vector<16xi32>
    %parallel_loop3A_117 = arith.constant 0 : i32
    %parallel_loop3A_118 = arith.constant 64 : i32
    %parallel_loop3A_119 = arith.constant 1 : i32
    scf.for %parallel_loop3A_139 = %parallel_loop3A_117 to %parallel_loop3A_118 step %parallel_loop3A_119  : i32 {
      %parallel_loop3A_140 = vector.broadcast %parallel_loop3A_139 : i32 to vector<16xi32>
      %parallel_loop3A_141 = arith.addi %mul3A_116, %parallel_loop3A_140 : vector<16xi32>
      %parallel_loop3A_142 = tpu.vector_load_idx %arg6[%parallel_loop3A_141] : memref<65000xf32, #tpu.memory_space<vmem>>[vector<16xi32>], vector<16xf32>,
      %parallel_loop3A_143 = arith.index_cast %parallel_loop3A_139 : i32 to index
      %parallel_loop3A_144 = arith.constant 112 : index
      %parallel_loop3A_145 = tpu.vector_load %arg7[%parallel_loop3A_143, %parallel_loop3A_144] {strides = array<i32>} : memref<64x128xf32, #tpu.memory_space<vmem>>, vector<16xf32>,
      tpu.vector_store %arg7[%parallel_loop3A_143, %parallel_loop3A_144], %parallel_loop3A_142 {strides = array<i32>} : memref<64x128xf32, #tpu.memory_space<vmem>>, vector<16xf32>,
    } {sc.loop_unroll_factor = 8 : i64, sc.parallel_access}
    %dma_start3A = arith.constant 0 : i32
    %dma_start3A_120 = arith.constant 0 : i32
    %dma_start3A_121 = tpu.memref_slice %arg4[%dma_start3A, %dma_start3A_120, %mul3A_4] : memref<200x64x4096xf32, #tpu.memory_space<hbm>> -> memref<1x64x128xf32, #tpu.memory_space<hbm>>
    %dma_start3A_122 = tpu.memref_squeeze %dma_start3A_121 : memref<1x64x128xf32, #tpu.memory_space<hbm>> -> memref<64x128xf32, #tpu.memory_space<hbm>>
    %dma_start3A_123 = arith.constant 0 : i32
    %dma_start3A_124 = tpu.memref_slice %arg4[%dma_start3A, %dma_start3A_123, %mul3A_4] : memref<200x64x4096xf32, #tpu.memory_space<hbm>> -> memref<1x64x128xf32, #tpu.memory_space<hbm>>
    %dma_start3A_125 = tpu.memref_squeeze %dma_start3A_124 : memref<1x64x128xf32, #tpu.memory_space<hbm>> -> memref<64x128xf32, #tpu.memory_space<hbm>>
    tpu.enqueue_dma source(%arg7 : memref<64x128xf32, #tpu.memory_space<vmem>>) target(%dma_start3A_125 : memref<64x128xf32, #tpu.memory_space<hbm>>) target_semaphore(%arg9 : memref<!tpu.dma_semaphore, #tpu.memory_space<semaphore_mem>>)
    %scan3A_126 = arith.constant 0 : i32
    %scan3A_127 = arith.constant 0 : i32
    %scan3A_128 = arith.constant 100 : i32
    %scan3A_129 = arith.addi %scan3A_127, %scan3A_128 : i32
    %scan3A_130 = arith.constant 1 : i32
    %scan3A_131 = scf.for %scan3A_139 = %scan3A_127 to %scan3A_129 step %scan3A_130 iter_args(%scan3A_140 = %scan3A_126) -> (i32)  : i32 {
      %mul3A_141 = arith.constant 2 : i32
      %mul3A_142 = arith.muli %mul3A_141, %scan3A_139 : i32
      %gt3A = arith.constant 0 : i32
      %gt3A_143 = arith.cmpi sgt, %scan3A_139, %gt3A : i32
      %convert_element_type3A = arith.extui %gt3A_143 : i1 to i32
      %cond3A = arith.constant 0 : i32
      %cond3A_144 = arith.cmpi ne, %convert_element_type3A, %cond3A : i32
      scf.if %cond3A_144 {
        %sub3A = arith.constant 1 : i32
        %sub3A_280 = arith.subi %mul3A_142, %sub3A : i32
        %dma_wait3A_281 = arith.constant 0 : i32
        %dma_wait3A_282 = tpu.memref_slice %arg4[%sub3A_280, %dma_wait3A_281, %mul3A_4] : memref<200x64x4096xf32, #tpu.memory_space<hbm>> -> memref<1x64x128xf32, #tpu.memory_space<hbm>>
        %dma_wait3A_283 = tpu.memref_squeeze %dma_wait3A_282 : memref<1x64x128xf32, #tpu.memory_space<hbm>> -> memref<64x128xf32, #tpu.memory_space<hbm>>
        %dma_wait3A_284 = arith.constant 0 : i32
        %dma_wait3A_285 = tpu.memref_slice %arg4[%sub3A_280, %dma_wait3A_284, %mul3A_4] : memref<200x64x4096xf32, #tpu.memory_space<hbm>> -> memref<1x64x128xf32, #tpu.memory_space<hbm>>
        %dma_wait3A_286 = tpu.memref_squeeze %dma_wait3A_285 : memref<1x64x128xf32, #tpu.memory_space<hbm>> -> memref<64x128xf32, #tpu.memory_space<hbm>>
        tpu.wait_dma2 semaphore(%arg10 : memref<!tpu.dma_semaphore, #tpu.memory_space<semaphore_mem>>) src(%arg8 : memref<64x128xf32, #tpu.memory_space<vmem>>) dst(%dma_wait3A_286 : memref<64x128xf32, #tpu.memory_space<hbm>>)
      } else {
      }
      %add3A_145 = arith.constant 1 : i32
      %add3A_146 = arith.addi %mul3A_142, %add3A_145 : i32
      %add3A_147 = arith.constant 0 : i32
      %add3A_148 = arith.addi %add3A_146, %add3A_147 : i32
      %add3A_149 = vector.broadcast %add3A_148 : i32 to vector<16xi32>
      %add3A_150 = arith.addi %mul3A_13, %add3A_149 : vector<16xi32>
      %gather3A_151 = tpu.vector_load_idx %arg5[%add3A_150] : memref<25600xi32, #tpu.memory_space<vmem>>[vector<16xi32>], vector<16xi32>,
      %min3A_152 = arith.constant 999 : i32
      %min3A_153 = vector.broadcast %min3A_152 : i32 to vector<16xi32>
      %min3A_154 = arith.minsi %gather3A_151, %min3A_153 : vector<16xi32>
      %mul3A_155 = arith.constant 65 : i32
      %mul3A_156 = vector.broadcast %mul3A_155 : i32 to vector<16xi32>
      %mul3A_157 = arith.muli %min3A_154, %mul3A_156 : vector<16xi32>
      %parallel_loop3A_158 = arith.constant 0 : i32
      %parallel_loop3A_159 = arith.constant 64 : i32
      %parallel_loop3A_160 = arith.constant 1 : i32
      scf.for %parallel_loop3A_280 = %parallel_loop3A_158 to %parallel_loop3A_159 step %parallel_loop3A_160  : i32 {
        %parallel_loop3A_281 = vector.broadcast %parallel_loop3A_280 : i32 to vector<16xi32>
        %parallel_loop3A_282 = arith.addi %mul3A_157, %parallel_loop3A_281 : vector<16xi32>
        %parallel_loop3A_283 = tpu.vector_load_idx %arg6[%parallel_loop3A_282] : memref<65000xf32, #tpu.memory_space<vmem>>[vector<16xi32>], vector<16xf32>,
        %parallel_loop3A_284 = arith.index_cast %parallel_loop3A_280 : i32 to index
        %parallel_loop3A_285 = arith.constant 0 : index
        %parallel_loop3A_286 = tpu.vector_load %arg8[%parallel_loop3A_284, %parallel_loop3A_285] {strides = array<i32>} : memref<64x128xf32, #tpu.memory_space<vmem>>, vector<16xf32>,
        tpu.vector_store %arg8[%parallel_loop3A_284, %parallel_loop3A_285], %parallel_loop3A_283 {strides = array<i32>} : memref<64x128xf32, #tpu.memory_space<vmem>>, vector<16xf32>,
      } {sc.loop_unroll_factor = 8 : i64, sc.parallel_access}
      %add3A_161 = arith.constant 3200 : i32
      %add3A_162 = arith.addi %add3A_146, %add3A_161 : i32
      %add3A_163 = vector.broadcast %add3A_162 : i32 to vector<16xi32>
      %add3A_164 = arith.addi %mul3A_13, %add3A_163 : vector<16xi32>
      %gather3A_165 = tpu.vector_load_idx %arg5[%add3A_164] : memref<25600xi32, #tpu.memory_space<vmem>>[vector<16xi32>], vector<16xi32>,
      %min3A_166 = arith.constant 999 : i32
      %min3A_167 = vector.broadcast %min3A_166 : i32 to vector<16xi32>
      %min3A_168 = arith.minsi %gather3A_165, %min3A_167 : vector<16xi32>
      %mul3A_169 = arith.constant 65 : i32
      %mul3A_170 = vector.broadcast %mul3A_169 : i32 to vector<16xi32>
      %mul3A_171 = arith.muli %min3A_168, %mul3A_170 : vector<16xi32>
      %parallel_loop3A_172 = arith.constant 0 : i32
      %parallel_loop3A_173 = arith.constant 64 : i32
      %parallel_loop3A_174 = arith.constant 1 : i32
      scf.for %parallel_loop3A_280 = %parallel_loop3A_172 to %parallel_loop3A_173 step %parallel_loop3A_174  : i32 {
        %parallel_loop3A_281 = vector.broadcast %parallel_loop3A_280 : i32 to vector<16xi32>
        %parallel_loop3A_282 = arith.addi %mul3A_171, %parallel_loop3A_281 : vector<16xi32>
        %parallel_loop3A_283 = tpu.vector_load_idx %arg6[%parallel_loop3A_282] : memref<65000xf32, #tpu.memory_space<vmem>>[vector<16xi32>], vector<16xf32>,
        %parallel_loop3A_284 = arith.index_cast %parallel_loop3A_280 : i32 to index
        %parallel_loop3A_285 = arith.constant 16 : index
        %parallel_loop3A_286 = tpu.vector_load %arg8[%parallel_loop3A_284, %parallel_loop3A_285] {strides = array<i32>} : memref<64x128xf32, #tpu.memory_space<vmem>>, vector<16xf32>,
        tpu.vector_store %arg8[%parallel_loop3A_284, %parallel_loop3A_285], %parallel_loop3A_283 {strides = array<i32>} : memref<64x128xf32, #tpu.memory_space<vmem>>, vector<16xf32>,
      } {sc.loop_unroll_factor = 8 : i64, sc.parallel_access}
      %add3A_175 = arith.constant 6400 : i32
      %add3A_176 = arith.addi %add3A_146, %add3A_175 : i32
      %add3A_177 = vector.broadcast %add3A_176 : i32 to vector<16xi32>
      %add3A_178 = arith.addi %mul3A_13, %add3A_177 : vector<16xi32>
      %gather3A_179 = tpu.vector_load_idx %arg5[%add3A_178] : memref<25600xi32, #tpu.memory_space<vmem>>[vector<16xi32>], vector<16xi32>,
      %min3A_180 = arith.constant 999 : i32
      %min3A_181 = vector.broadcast %min3A_180 : i32 to vector<16xi32>
      %min3A_182 = arith.minsi %gather3A_179, %min3A_181 : vector<16xi32>
      %mul3A_183 = arith.constant 65 : i32
      %mul3A_184 = vector.broadcast %mul3A_183 : i32 to vector<16xi32>
      %mul3A_185 = arith.muli %min3A_182, %mul3A_184 : vector<16xi32>
      %parallel_loop3A_186 = arith.constant 0 : i32
      %parallel_loop3A_187 = arith.constant 64 : i32
      %parallel_loop3A_188 = arith.constant 1 : i32
      scf.for %parallel_loop3A_280 = %parallel_loop3A_186 to %parallel_loop3A_187 step %parallel_loop3A_188  : i32 {
        %parallel_loop3A_281 = vector.broadcast %parallel_loop3A_280 : i32 to vector<16xi32>
        %parallel_loop3A_282 = arith.addi %mul3A_185, %parallel_loop3A_281 : vector<16xi32>
        %parallel_loop3A_283 = tpu.vector_load_idx %arg6[%parallel_loop3A_282] : memref<65000xf32, #tpu.memory_space<vmem>>[vector<16xi32>], vector<16xf32>,
        %parallel_loop3A_284 = arith.index_cast %parallel_loop3A_280 : i32 to index
        %parallel_loop3A_285 = arith.constant 32 : index
        %parallel_loop3A_286 = tpu.vector_load %arg8[%parallel_loop3A_284, %parallel_loop3A_285] {strides = array<i32>} : memref<64x128xf32, #tpu.memory_space<vmem>>, vector<16xf32>,
        tpu.vector_store %arg8[%parallel_loop3A_284, %parallel_loop3A_285], %parallel_loop3A_283 {strides = array<i32>} : memref<64x128xf32, #tpu.memory_space<vmem>>, vector<16xf32>,
      } {sc.loop_unroll_factor = 8 : i64, sc.parallel_access}
      %add3A_189 = arith.constant 9600 : i32
      %add3A_190 = arith.addi %add3A_146, %add3A_189 : i32
      %add3A_191 = vector.broadcast %add3A_190 : i32 to vector<16xi32>
      %add3A_192 = arith.addi %mul3A_13, %add3A_191 : vector<16xi32>
      %gather3A_193 = tpu.vector_load_idx %arg5[%add3A_192] : memref<25600xi32, #tpu.memory_space<vmem>>[vector<16xi32>], vector<16xi32>,
      %min3A_194 = arith.constant 999 : i32
      %min3A_195 = vector.broadcast %min3A_194 : i32 to vector<16xi32>
      %min3A_196 = arith.minsi %gather3A_193, %min3A_195 : vector<16xi32>
      %mul3A_197 = arith.constant 65 : i32
      %mul3A_198 = vector.broadcast %mul3A_197 : i32 to vector<16xi32>
      %mul3A_199 = arith.muli %min3A_196, %mul3A_198 : vector<16xi32>
      %parallel_loop3A_200 = arith.constant 0 : i32
      %parallel_loop3A_201 = arith.constant 64 : i32
      %parallel_loop3A_202 = arith.constant 1 : i32
      scf.for %parallel_loop3A_280 = %parallel_loop3A_200 to %parallel_loop3A_201 step %parallel_loop3A_202  : i32 {
        %parallel_loop3A_281 = vector.broadcast %parallel_loop3A_280 : i32 to vector<16xi32>
        %parallel_loop3A_282 = arith.addi %mul3A_199, %parallel_loop3A_281 : vector<16xi32>
        %parallel_loop3A_283 = tpu.vector_load_idx %arg6[%parallel_loop3A_282] : memref<65000xf32, #tpu.memory_space<vmem>>[vector<16xi32>], vector<16xf32>,
        %parallel_loop3A_284 = arith.index_cast %parallel_loop3A_280 : i32 to index
        %parallel_loop3A_285 = arith.constant 48 : index
        %parallel_loop3A_286 = tpu.vector_load %arg8[%parallel_loop3A_284, %parallel_loop3A_285] {strides = array<i32>} : memref<64x128xf32, #tpu.memory_space<vmem>>, vector<16xf32>,
        tpu.vector_store %arg8[%parallel_loop3A_284, %parallel_loop3A_285], %parallel_loop3A_283 {strides = array<i32>} : memref<64x128xf32, #tpu.memory_space<vmem>>, vector<16xf32>,
      } {sc.loop_unroll_factor = 8 : i64, sc.parallel_access}
      %add3A_203 = arith.constant 12800 : i32
      %add3A_204 = arith.addi %add3A_146, %add3A_203 : i32
      %add3A_205 = vector.broadcast %add3A_204 : i32 to vector<16xi32>
      %add3A_206 = arith.addi %mul3A_13, %add3A_205 : vector<16xi32>
      %gather3A_207 = tpu.vector_load_idx %arg5[%add3A_206] : memref<25600xi32, #tpu.memory_space<vmem>>[vector<16xi32>], vector<16xi32>,
      %min3A_208 = arith.constant 999 : i32
      %min3A_209 = vector.broadcast %min3A_208 : i32 to vector<16xi32>
      %min3A_210 = arith.minsi %gather3A_207, %min3A_209 : vector<16xi32>
      %mul3A_211 = arith.constant 65 : i32
      %mul3A_212 = vector.broadcast %mul3A_211 : i32 to vector<16xi32>
      %mul3A_213 = arith.muli %min3A_210, %mul3A_212 : vector<16xi32>
      %parallel_loop3A_214 = arith.constant 0 : i32
      %parallel_loop3A_215 = arith.constant 64 : i32
      %parallel_loop3A_216 = arith.constant 1 : i32
      scf.for %parallel_loop3A_280 = %parallel_loop3A_214 to %parallel_loop3A_215 step %parallel_loop3A_216  : i32 {
        %parallel_loop3A_281 = vector.broadcast %parallel_loop3A_280 : i32 to vector<16xi32>
        %parallel_loop3A_282 = arith.addi %mul3A_213, %parallel_loop3A_281 : vector<16xi32>
        %parallel_loop3A_283 = tpu.vector_load_idx %arg6[%parallel_loop3A_282] : memref<65000xf32, #tpu.memory_space<vmem>>[vector<16xi32>], vector<16xf32>,
        %parallel_loop3A_284 = arith.index_cast %parallel_loop3A_280 : i32 to index
        %parallel_loop3A_285 = arith.constant 64 : index
        %parallel_loop3A_286 = tpu.vector_load %arg8[%parallel_loop3A_284, %parallel_loop3A_285] {strides = array<i32>} : memref<64x128xf32, #tpu.memory_space<vmem>>, vector<16xf32>,
        tpu.vector_store %arg8[%parallel_loop3A_284, %parallel_loop3A_285], %parallel_loop3A_283 {strides = array<i32>} : memref<64x128xf32, #tpu.memory_space<vmem>>, vector<16xf32>,
      } {sc.loop_unroll_factor = 8 : i64, sc.parallel_access}
      %add3A_217 = arith.constant 16000 : i32
      %add3A_218 = arith.addi %add3A_146, %add3A_217 : i32
      %add3A_219 = vector.broadcast %add3A_218 : i32 to vector<16xi32>
      %add3A_220 = arith.addi %mul3A_13, %add3A_219 : vector<16xi32>
      %gather3A_221 = tpu.vector_load_idx %arg5[%add3A_220] : memref<25600xi32, #tpu.memory_space<vmem>>[vector<16xi32>], vector<16xi32>,
      %min3A_222 = arith.constant 999 : i32
      %min3A_223 = vector.broadcast %min3A_222 : i32 to vector<16xi32>
      %min3A_224 = arith.minsi %gather3A_221, %min3A_223 : vector<16xi32>
      %mul3A_225 = arith.constant 65 : i32
      %mul3A_226 = vector.broadcast %mul3A_225 : i32 to vector<16xi32>
      %mul3A_227 = arith.muli %min3A_224, %mul3A_226 : vector<16xi32>
      %parallel_loop3A_228 = arith.constant 0 : i32
      %parallel_loop3A_229 = arith.constant 64 : i32
      %parallel_loop3A_230 = arith.constant 1 : i32
      scf.for %parallel_loop3A_280 = %parallel_loop3A_228 to %parallel_loop3A_229 step %parallel_loop3A_230  : i32 {
        %parallel_loop3A_281 = vector.broadcast %parallel_loop3A_280 : i32 to vector<16xi32>
        %parallel_loop3A_282 = arith.addi %mul3A_227, %parallel_loop3A_281 : vector<16xi32>
        %parallel_loop3A_283 = tpu.vector_load_idx %arg6[%parallel_loop3A_282] : memref<65000xf32, #tpu.memory_space<vmem>>[vector<16xi32>], vector<16xf32>,
        %parallel_loop3A_284 = arith.index_cast %parallel_loop3A_280 : i32 to index
        %parallel_loop3A_285 = arith.constant 80 : index
        %parallel_loop3A_286 = tpu.vector_load %arg8[%parallel_loop3A_284, %parallel_loop3A_285] {strides = array<i32>} : memref<64x128xf32, #tpu.memory_space<vmem>>, vector<16xf32>,
        tpu.vector_store %arg8[%parallel_loop3A_284, %parallel_loop3A_285], %parallel_loop3A_283 {strides = array<i32>} : memref<64x128xf32, #tpu.memory_space<vmem>>, vector<16xf32>,
      } {sc.loop_unroll_factor = 8 : i64, sc.parallel_access}
      %add3A_231 = arith.constant 19200 : i32
      %add3A_232 = arith.addi %add3A_146, %add3A_231 : i32
      %add3A_233 = vector.broadcast %add3A_232 : i32 to vector<16xi32>
      %add3A_234 = arith.addi %mul3A_13, %add3A_233 : vector<16xi32>
      %gather3A_235 = tpu.vector_load_idx %arg5[%add3A_234] : memref<25600xi32, #tpu.memory_space<vmem>>[vector<16xi32>], vector<16xi32>,
      %min3A_236 = arith.constant 999 : i32
      %min3A_237 = vector.broadcast %min3A_236 : i32 to vector<16xi32>
      %min3A_238 = arith.minsi %gather3A_235, %min3A_237 : vector<16xi32>
      %mul3A_239 = arith.constant 65 : i32
      %mul3A_240 = vector.broadcast %mul3A_239 : i32 to vector<16xi32>
      %mul3A_241 = arith.muli %min3A_238, %mul3A_240 : vector<16xi32>
      %parallel_loop3A_242 = arith.constant 0 : i32
      %parallel_loop3A_243 = arith.constant 64 : i32
      %parallel_loop3A_244 = arith.constant 1 : i32
      scf.for %parallel_loop3A_280 = %parallel_loop3A_242 to %parallel_loop3A_243 step %parallel_loop3A_244  : i32 {
        %parallel_loop3A_281 = vector.broadcast %parallel_loop3A_280 : i32 to vector<16xi32>
        %parallel_loop3A_282 = arith.addi %mul3A_241, %parallel_loop3A_281 : vector<16xi32>
        %parallel_loop3A_283 = tpu.vector_load_idx %arg6[%parallel_loop3A_282] : memref<65000xf32, #tpu.memory_space<vmem>>[vector<16xi32>], vector<16xf32>,
        %parallel_loop3A_284 = arith.index_cast %parallel_loop3A_280 : i32 to index
        %parallel_loop3A_285 = arith.constant 96 : index
        %parallel_loop3A_286 = tpu.vector_load %arg8[%parallel_loop3A_284, %parallel_loop3A_285] {strides = array<i32>} : memref<64x128xf32, #tpu.memory_space<vmem>>, vector<16xf32>,
        tpu.vector_store %arg8[%parallel_loop3A_284, %parallel_loop3A_285], %parallel_loop3A_283 {strides = array<i32>} : memref<64x128xf32, #tpu.memory_space<vmem>>, vector<16xf32>,
      } {sc.loop_unroll_factor = 8 : i64, sc.parallel_access}
      %add3A_245 = arith.constant 22400 : i32
      %add3A_246 = arith.addi %add3A_146, %add3A_245 : i32
      %add3A_247 = vector.broadcast %add3A_246 : i32 to vector<16xi32>
      %add3A_248 = arith.addi %mul3A_13, %add3A_247 : vector<16xi32>
      %gather3A_249 = tpu.vector_load_idx %arg5[%add3A_248] : memref<25600xi32, #tpu.memory_space<vmem>>[vector<16xi32>], vector<16xi32>,
      %min3A_250 = arith.constant 999 : i32
      %min3A_251 = vector.broadcast %min3A_250 : i32 to vector<16xi32>
      %min3A_252 = arith.minsi %gather3A_249, %min3A_251 : vector<16xi32>
      %mul3A_253 = arith.constant 65 : i32
      %mul3A_254 = vector.broadcast %mul3A_253 : i32 to vector<16xi32>
      %mul3A_255 = arith.muli %min3A_252, %mul3A_254 : vector<16xi32>
      %parallel_loop3A_256 = arith.constant 0 : i32
      %parallel_loop3A_257 = arith.constant 64 : i32
      %parallel_loop3A_258 = arith.constant 1 : i32
      scf.for %parallel_loop3A_280 = %parallel_loop3A_256 to %parallel_loop3A_257 step %parallel_loop3A_258  : i32 {
        %parallel_loop3A_281 = vector.broadcast %parallel_loop3A_280 : i32 to vector<16xi32>
        %parallel_loop3A_282 = arith.addi %mul3A_255, %parallel_loop3A_281 : vector<16xi32>
        %parallel_loop3A_283 = tpu.vector_load_idx %arg6[%parallel_loop3A_282] : memref<65000xf32, #tpu.memory_space<vmem>>[vector<16xi32>], vector<16xf32>,
        %parallel_loop3A_284 = arith.index_cast %parallel_loop3A_280 : i32 to index
        %parallel_loop3A_285 = arith.constant 112 : index
        %parallel_loop3A_286 = tpu.vector_load %arg8[%parallel_loop3A_284, %parallel_loop3A_285] {strides = array<i32>} : memref<64x128xf32, #tpu.memory_space<vmem>>, vector<16xf32>,
        tpu.vector_store %arg8[%parallel_loop3A_284, %parallel_loop3A_285], %parallel_loop3A_283 {strides = array<i32>} : memref<64x128xf32, #tpu.memory_space<vmem>>, vector<16xf32>,
      } {sc.loop_unroll_factor = 8 : i64, sc.parallel_access}
      %add3A_259 = arith.constant 1 : i32
      %add3A_260 = arith.addi %mul3A_142, %add3A_259 : i32
      %dma_start3A_261 = arith.constant 0 : i32
      %dma_start3A_262 = tpu.memref_slice %arg4[%add3A_260, %dma_start3A_261, %mul3A_4] : memref<200x64x4096xf32, #tpu.memory_space<hbm>> -> memref<1x64x128xf32, #tpu.memory_space<hbm>>
      %dma_start3A_263 = tpu.memref_squeeze %dma_start3A_262 : memref<1x64x128xf32, #tpu.memory_space<hbm>> -> memref<64x128xf32, #tpu.memory_space<hbm>>
      %dma_start3A_264 = arith.constant 0 : i32
      %dma_start3A_265 = tpu.memref_slice %arg4[%add3A_260, %dma_start3A_264, %mul3A_4] : memref<200x64x4096xf32, #tpu.memory_space<hbm>> -> memref<1x64x128xf32, #tpu.memory_space<hbm>>
      %dma_start3A_266 = tpu.memref_squeeze %dma_start3A_265 : memref<1x64x128xf32, #tpu.memory_space<hbm>> -> memref<64x128xf32, #tpu.memory_space<hbm>>
      tpu.enqueue_dma source(%arg8 : memref<64x128xf32, #tpu.memory_space<vmem>>) target(%dma_start3A_266 : memref<64x128xf32, #tpu.memory_space<hbm>>) target_semaphore(%arg10 : memref<!tpu.dma_semaphore, #tpu.memory_space<semaphore_mem>>)
      %dma_wait3A_267 = arith.constant 0 : i32
      %dma_wait3A_268 = tpu.memref_slice %arg4[%mul3A_142, %dma_wait3A_267, %mul3A_4] : memref<200x64x4096xf32, #tpu.memory_space<hbm>> -> memref<1x64x128xf32, #tpu.memory_space<hbm>>
      %dma_wait3A_269 = tpu.memref_squeeze %dma_wait3A_268 : memref<1x64x128xf32, #tpu.memory_space<hbm>> -> memref<64x128xf32, #tpu.memory_space<hbm>>
      %dma_wait3A_270 = arith.constant 0 : i32
      %dma_wait3A_271 = tpu.memref_slice %arg4[%mul3A_142, %dma_wait3A_270, %mul3A_4] : memref<200x64x4096xf32, #tpu.memory_space<hbm>> -> memref<1x64x128xf32, #tpu.memory_space<hbm>>
      %dma_wait3A_272 = tpu.memref_squeeze %dma_wait3A_271 : memref<1x64x128xf32, #tpu.memory_space<hbm>> -> memref<64x128xf32, #tpu.memory_space<hbm>>
      tpu.wait_dma2 semaphore(%arg9 : memref<!tpu.dma_semaphore, #tpu.memory_space<semaphore_mem>>) src(%arg7 : memref<64x128xf32, #tpu.memory_space<vmem>>) dst(%dma_wait3A_272 : memref<64x128xf32, #tpu.memory_space<hbm>>)
      %add3A_273 = arith.constant 2 : i32
      %add3A_274 = arith.addi %mul3A_142, %add3A_273 : i32
      %lt3A = arith.constant 200 : i32
      %lt3A_275 = arith.cmpi slt, %add3A_274, %lt3A : i32
      %convert_element_type3A_276 = arith.extui %lt3A_275 : i1 to i32
      %cond3A_277 = arith.constant 0 : i32
      %cond3A_278 = arith.cmpi ne, %convert_element_type3A_276, %cond3A_277 : i32
      scf.if %cond3A_278 {
        %add3A_280 = arith.constant 2 : i32
        %add3A_281 = arith.addi %mul3A_142, %add3A_280 : i32
        %add3A_282 = arith.constant 0 : i32
        %add3A_283 = arith.addi %add3A_281, %add3A_282 : i32
        %add3A_284 = vector.broadcast %add3A_283 : i32 to vector<16xi32>
        %add3A_285 = arith.addi %mul3A_13, %add3A_284 : vector<16xi32>
        %gather3A_286 = tpu.vector_load_idx %arg5[%add3A_285] : memref<25600xi32, #tpu.memory_space<vmem>>[vector<16xi32>], vector<16xi32>,
        %min3A_287 = arith.constant 999 : i32
        %min3A_288 = vector.broadcast %min3A_287 : i32 to vector<16xi32>
        %min3A_289 = arith.minsi %gather3A_286, %min3A_288 : vector<16xi32>
        %mul3A_290 = arith.constant 65 : i32
        %mul3A_291 = vector.broadcast %mul3A_290 : i32 to vector<16xi32>
        %mul3A_292 = arith.muli %min3A_289, %mul3A_291 : vector<16xi32>
        %parallel_loop3A_293 = arith.constant 0 : i32
        %parallel_loop3A_294 = arith.constant 64 : i32
        %parallel_loop3A_295 = arith.constant 1 : i32
        scf.for %parallel_loop3A_402 = %parallel_loop3A_293 to %parallel_loop3A_294 step %parallel_loop3A_295  : i32 {
          %parallel_loop3A_403 = vector.broadcast %parallel_loop3A_402 : i32 to vector<16xi32>
          %parallel_loop3A_404 = arith.addi %mul3A_292, %parallel_loop3A_403 : vector<16xi32>
          %parallel_loop3A_405 = tpu.vector_load_idx %arg6[%parallel_loop3A_404] : memref<65000xf32, #tpu.memory_space<vmem>>[vector<16xi32>], vector<16xf32>,
          %parallel_loop3A_406 = arith.index_cast %parallel_loop3A_402 : i32 to index
          %parallel_loop3A_407 = arith.constant 0 : index
          %parallel_loop3A_408 = tpu.vector_load %arg7[%parallel_loop3A_406, %parallel_loop3A_407] {strides = array<i32>} : memref<64x128xf32, #tpu.memory_space<vmem>>, vector<16xf32>,
          tpu.vector_store %arg7[%parallel_loop3A_406, %parallel_loop3A_407], %parallel_loop3A_405 {strides = array<i32>} : memref<64x128xf32, #tpu.memory_space<vmem>>, vector<16xf32>,
        } {sc.loop_unroll_factor = 8 : i64, sc.parallel_access}
        %add3A_296 = arith.constant 3200 : i32
        %add3A_297 = arith.addi %add3A_281, %add3A_296 : i32
        %add3A_298 = vector.broadcast %add3A_297 : i32 to vector<16xi32>
        %add3A_299 = arith.addi %mul3A_13, %add3A_298 : vector<16xi32>
        %gather3A_300 = tpu.vector_load_idx %arg5[%add3A_299] : memref<25600xi32, #tpu.memory_space<vmem>>[vector<16xi32>], vector<16xi32>,
        %min3A_301 = arith.constant 999 : i32
        %min3A_302 = vector.broadcast %min3A_301 : i32 to vector<16xi32>
        %min3A_303 = arith.minsi %gather3A_300, %min3A_302 : vector<16xi32>
        %mul3A_304 = arith.constant 65 : i32
        %mul3A_305 = vector.broadcast %mul3A_304 : i32 to vector<16xi32>
        %mul3A_306 = arith.muli %min3A_303, %mul3A_305 : vector<16xi32>
        %parallel_loop3A_307 = arith.constant 0 : i32
        %parallel_loop3A_308 = arith.constant 64 : i32
        %parallel_loop3A_309 = arith.constant 1 : i32
        scf.for %parallel_loop3A_402 = %parallel_loop3A_307 to %parallel_loop3A_308 step %parallel_loop3A_309  : i32 {
          %parallel_loop3A_403 = vector.broadcast %parallel_loop3A_402 : i32 to vector<16xi32>
          %parallel_loop3A_404 = arith.addi %mul3A_306, %parallel_loop3A_403 : vector<16xi32>
          %parallel_loop3A_405 = tpu.vector_load_idx %arg6[%parallel_loop3A_404] : memref<65000xf32, #tpu.memory_space<vmem>>[vector<16xi32>], vector<16xf32>,
          %parallel_loop3A_406 = arith.index_cast %parallel_loop3A_402 : i32 to index
          %parallel_loop3A_407 = arith.constant 16 : index
          %parallel_loop3A_408 = tpu.vector_load %arg7[%parallel_loop3A_406, %parallel_loop3A_407] {strides = array<i32>} : memref<64x128xf32, #tpu.memory_space<vmem>>, vector<16xf32>,
          tpu.vector_store %arg7[%parallel_loop3A_406, %parallel_loop3A_407], %parallel_loop3A_405 {strides = array<i32>} : memref<64x128xf32, #tpu.memory_space<vmem>>, vector<16xf32>,
        } {sc.loop_unroll_factor = 8 : i64, sc.parallel_access}
        %add3A_310 = arith.constant 6400 : i32
        %add3A_311 = arith.addi %add3A_281, %add3A_310 : i32
        %add3A_312 = vector.broadcast %add3A_311 : i32 to vector<16xi32>
        %add3A_313 = arith.addi %mul3A_13, %add3A_312 : vector<16xi32>
        %gather3A_314 = tpu.vector_load_idx %arg5[%add3A_313] : memref<25600xi32, #tpu.memory_space<vmem>>[vector<16xi32>], vector<16xi32>,
        %min3A_315 = arith.constant 999 : i32
        %min3A_316 = vector.broadcast %min3A_315 : i32 to vector<16xi32>
        %min3A_317 = arith.minsi %gather3A_314, %min3A_316 : vector<16xi32>
        %mul3A_318 = arith.constant 65 : i32
        %mul3A_319 = vector.broadcast %mul3A_318 : i32 to vector<16xi32>
        %mul3A_320 = arith.muli %min3A_317, %mul3A_319 : vector<16xi32>
        %parallel_loop3A_321 = arith.constant 0 : i32
        %parallel_loop3A_322 = arith.constant 64 : i32
        %parallel_loop3A_323 = arith.constant 1 : i32
        scf.for %parallel_loop3A_402 = %parallel_loop3A_321 to %parallel_loop3A_322 step %parallel_loop3A_323  : i32 {
          %parallel_loop3A_403 = vector.broadcast %parallel_loop3A_402 : i32 to vector<16xi32>
          %parallel_loop3A_404 = arith.addi %mul3A_320, %parallel_loop3A_403 : vector<16xi32>
          %parallel_loop3A_405 = tpu.vector_load_idx %arg6[%parallel_loop3A_404] : memref<65000xf32, #tpu.memory_space<vmem>>[vector<16xi32>], vector<16xf32>,
          %parallel_loop3A_406 = arith.index_cast %parallel_loop3A_402 : i32 to index
          %parallel_loop3A_407 = arith.constant 32 : index
          %parallel_loop3A_408 = tpu.vector_load %arg7[%parallel_loop3A_406, %parallel_loop3A_407] {strides = array<i32>} : memref<64x128xf32, #tpu.memory_space<vmem>>, vector<16xf32>,
          tpu.vector_store %arg7[%parallel_loop3A_406, %parallel_loop3A_407], %parallel_loop3A_405 {strides = array<i32>} : memref<64x128xf32, #tpu.memory_space<vmem>>, vector<16xf32>,
        } {sc.loop_unroll_factor = 8 : i64, sc.parallel_access}
        %add3A_324 = arith.constant 9600 : i32
        %add3A_325 = arith.addi %add3A_281, %add3A_324 : i32
        %add3A_326 = vector.broadcast %add3A_325 : i32 to vector<16xi32>
        %add3A_327 = arith.addi %mul3A_13, %add3A_326 : vector<16xi32>
        %gather3A_328 = tpu.vector_load_idx %arg5[%add3A_327] : memref<25600xi32, #tpu.memory_space<vmem>>[vector<16xi32>], vector<16xi32>,
        %min3A_329 = arith.constant 999 : i32
        %min3A_330 = vector.broadcast %min3A_329 : i32 to vector<16xi32>
        %min3A_331 = arith.minsi %gather3A_328, %min3A_330 : vector<16xi32>
        %mul3A_332 = arith.constant 65 : i32
        %mul3A_333 = vector.broadcast %mul3A_332 : i32 to vector<16xi32>
        %mul3A_334 = arith.muli %min3A_331, %mul3A_333 : vector<16xi32>
        %parallel_loop3A_335 = arith.constant 0 : i32
        %parallel_loop3A_336 = arith.constant 64 : i32
        %parallel_loop3A_337 = arith.constant 1 : i32
        scf.for %parallel_loop3A_402 = %parallel_loop3A_335 to %parallel_loop3A_336 step %parallel_loop3A_337  : i32 {
          %parallel_loop3A_403 = vector.broadcast %parallel_loop3A_402 : i32 to vector<16xi32>
          %parallel_loop3A_404 = arith.addi %mul3A_334, %parallel_loop3A_403 : vector<16xi32>
          %parallel_loop3A_405 = tpu.vector_load_idx %arg6[%parallel_loop3A_404] : memref<65000xf32, #tpu.memory_space<vmem>>[vector<16xi32>], vector<16xf32>,
          %parallel_loop3A_406 = arith.index_cast %parallel_loop3A_402 : i32 to index
          %parallel_loop3A_407 = arith.constant 48 : index
          %parallel_loop3A_408 = tpu.vector_load %arg7[%parallel_loop3A_406, %parallel_loop3A_407] {strides = array<i32>} : memref<64x128xf32, #tpu.memory_space<vmem>>, vector<16xf32>,
          tpu.vector_store %arg7[%parallel_loop3A_406, %parallel_loop3A_407], %parallel_loop3A_405 {strides = array<i32>} : memref<64x128xf32, #tpu.memory_space<vmem>>, vector<16xf32>,
        } {sc.loop_unroll_factor = 8 : i64, sc.parallel_access}
        %add3A_338 = arith.constant 12800 : i32
        %add3A_339 = arith.addi %add3A_281, %add3A_338 : i32
        %add3A_340 = vector.broadcast %add3A_339 : i32 to vector<16xi32>
        %add3A_341 = arith.addi %mul3A_13, %add3A_340 : vector<16xi32>
        %gather3A_342 = tpu.vector_load_idx %arg5[%add3A_341] : memref<25600xi32, #tpu.memory_space<vmem>>[vector<16xi32>], vector<16xi32>,
        %min3A_343 = arith.constant 999 : i32
        %min3A_344 = vector.broadcast %min3A_343 : i32 to vector<16xi32>
        %min3A_345 = arith.minsi %gather3A_342, %min3A_344 : vector<16xi32>
        %mul3A_346 = arith.constant 65 : i32
        %mul3A_347 = vector.broadcast %mul3A_346 : i32 to vector<16xi32>
        %mul3A_348 = arith.muli %min3A_345, %mul3A_347 : vector<16xi32>
        %parallel_loop3A_349 = arith.constant 0 : i32
        %parallel_loop3A_350 = arith.constant 64 : i32
        %parallel_loop3A_351 = arith.constant 1 : i32
        scf.for %parallel_loop3A_402 = %parallel_loop3A_349 to %parallel_loop3A_350 step %parallel_loop3A_351  : i32 {
          %parallel_loop3A_403 = vector.broadcast %parallel_loop3A_402 : i32 to vector<16xi32>
          %parallel_loop3A_404 = arith.addi %mul3A_348, %parallel_loop3A_403 : vector<16xi32>
          %parallel_loop3A_405 = tpu.vector_load_idx %arg6[%parallel_loop3A_404] : memref<65000xf32, #tpu.memory_space<vmem>>[vector<16xi32>], vector<16xf32>,
          %parallel_loop3A_406 = arith.index_cast %parallel_loop3A_402 : i32 to index
          %parallel_loop3A_407 = arith.constant 64 : index
          %parallel_loop3A_408 = tpu.vector_load %arg7[%parallel_loop3A_406, %parallel_loop3A_407] {strides = array<i32>} : memref<64x128xf32, #tpu.memory_space<vmem>>, vector<16xf32>,
          tpu.vector_store %arg7[%parallel_loop3A_406, %parallel_loop3A_407], %parallel_loop3A_405 {strides = array<i32>} : memref<64x128xf32, #tpu.memory_space<vmem>>, vector<16xf32>,
        } {sc.loop_unroll_factor = 8 : i64, sc.parallel_access}
        %add3A_352 = arith.constant 16000 : i32
        %add3A_353 = arith.addi %add3A_281, %add3A_352 : i32
        %add3A_354 = vector.broadcast %add3A_353 : i32 to vector<16xi32>
        %add3A_355 = arith.addi %mul3A_13, %add3A_354 : vector<16xi32>
        %gather3A_356 = tpu.vector_load_idx %arg5[%add3A_355] : memref<25600xi32, #tpu.memory_space<vmem>>[vector<16xi32>], vector<16xi32>,
        %min3A_357 = arith.constant 999 : i32
        %min3A_358 = vector.broadcast %min3A_357 : i32 to vector<16xi32>
        %min3A_359 = arith.minsi %gather3A_356, %min3A_358 : vector<16xi32>
        %mul3A_360 = arith.constant 65 : i32
        %mul3A_361 = vector.broadcast %mul3A_360 : i32 to vector<16xi32>
        %mul3A_362 = arith.muli %min3A_359, %mul3A_361 : vector<16xi32>
        %parallel_loop3A_363 = arith.constant 0 : i32
        %parallel_loop3A_364 = arith.constant 64 : i32
        %parallel_loop3A_365 = arith.constant 1 : i32
        scf.for %parallel_loop3A_402 = %parallel_loop3A_363 to %parallel_loop3A_364 step %parallel_loop3A_365  : i32 {
          %parallel_loop3A_403 = vector.broadcast %parallel_loop3A_402 : i32 to vector<16xi32>
          %parallel_loop3A_404 = arith.addi %mul3A_362, %parallel_loop3A_403 : vector<16xi32>
          %parallel_loop3A_405 = tpu.vector_load_idx %arg6[%parallel_loop3A_404] : memref<65000xf32, #tpu.memory_space<vmem>>[vector<16xi32>], vector<16xf32>,
          %parallel_loop3A_406 = arith.index_cast %parallel_loop3A_402 : i32 to index
          %parallel_loop3A_407 = arith.constant 80 : index
          %parallel_loop3A_408 = tpu.vector_load %arg7[%parallel_loop3A_406, %parallel_loop3A_407] {strides = array<i32>} : memref<64x128xf32, #tpu.memory_space<vmem>>, vector<16xf32>,
          tpu.vector_store %arg7[%parallel_loop3A_406, %parallel_loop3A_407], %parallel_loop3A_405 {strides = array<i32>} : memref<64x128xf32, #tpu.memory_space<vmem>>, vector<16xf32>,
        } {sc.loop_unroll_factor = 8 : i64, sc.parallel_access}
        %add3A_366 = arith.constant 19200 : i32
        %add3A_367 = arith.addi %add3A_281, %add3A_366 : i32
        %add3A_368 = vector.broadcast %add3A_367 : i32 to vector<16xi32>
        %add3A_369 = arith.addi %mul3A_13, %add3A_368 : vector<16xi32>
        %gather3A_370 = tpu.vector_load_idx %arg5[%add3A_369] : memref<25600xi32, #tpu.memory_space<vmem>>[vector<16xi32>], vector<16xi32>,
        %min3A_371 = arith.constant 999 : i32
        %min3A_372 = vector.broadcast %min3A_371 : i32 to vector<16xi32>
        %min3A_373 = arith.minsi %gather3A_370, %min3A_372 : vector<16xi32>
        %mul3A_374 = arith.constant 65 : i32
        %mul3A_375 = vector.broadcast %mul3A_374 : i32 to vector<16xi32>
        %mul3A_376 = arith.muli %min3A_373, %mul3A_375 : vector<16xi32>
        %parallel_loop3A_377 = arith.constant 0 : i32
        %parallel_loop3A_378 = arith.constant 64 : i32
        %parallel_loop3A_379 = arith.constant 1 : i32
        scf.for %parallel_loop3A_402 = %parallel_loop3A_377 to %parallel_loop3A_378 step %parallel_loop3A_379  : i32 {
          %parallel_loop3A_403 = vector.broadcast %parallel_loop3A_402 : i32 to vector<16xi32>
          %parallel_loop3A_404 = arith.addi %mul3A_376, %parallel_loop3A_403 : vector<16xi32>
          %parallel_loop3A_405 = tpu.vector_load_idx %arg6[%parallel_loop3A_404] : memref<65000xf32, #tpu.memory_space<vmem>>[vector<16xi32>], vector<16xf32>,
          %parallel_loop3A_406 = arith.index_cast %parallel_loop3A_402 : i32 to index
          %parallel_loop3A_407 = arith.constant 96 : index
          %parallel_loop3A_408 = tpu.vector_load %arg7[%parallel_loop3A_406, %parallel_loop3A_407] {strides = array<i32>} : memref<64x128xf32, #tpu.memory_space<vmem>>, vector<16xf32>,
          tpu.vector_store %arg7[%parallel_loop3A_406, %parallel_loop3A_407], %parallel_loop3A_405 {strides = array<i32>} : memref<64x128xf32, #tpu.memory_space<vmem>>, vector<16xf32>,
        } {sc.loop_unroll_factor = 8 : i64, sc.parallel_access}
        %add3A_380 = arith.constant 22400 : i32
        %add3A_381 = arith.addi %add3A_281, %add3A_380 : i32
        %add3A_382 = vector.broadcast %add3A_381 : i32 to vector<16xi32>
        %add3A_383 = arith.addi %mul3A_13, %add3A_382 : vector<16xi32>
        %gather3A_384 = tpu.vector_load_idx %arg5[%add3A_383] : memref<25600xi32, #tpu.memory_space<vmem>>[vector<16xi32>], vector<16xi32>,
        %min3A_385 = arith.constant 999 : i32
        %min3A_386 = vector.broadcast %min3A_385 : i32 to vector<16xi32>
        %min3A_387 = arith.minsi %gather3A_384, %min3A_386 : vector<16xi32>
        %mul3A_388 = arith.constant 65 : i32
        %mul3A_389 = vector.broadcast %mul3A_388 : i32 to vector<16xi32>
        %mul3A_390 = arith.muli %min3A_387, %mul3A_389 : vector<16xi32>
        %parallel_loop3A_391 = arith.constant 0 : i32
        %parallel_loop3A_392 = arith.constant 64 : i32
        %parallel_loop3A_393 = arith.constant 1 : i32
        scf.for %parallel_loop3A_402 = %parallel_loop3A_391 to %parallel_loop3A_392 step %parallel_loop3A_393  : i32 {
          %parallel_loop3A_403 = vector.broadcast %parallel_loop3A_402 : i32 to vector<16xi32>
          %parallel_loop3A_404 = arith.addi %mul3A_390, %parallel_loop3A_403 : vector<16xi32>
          %parallel_loop3A_405 = tpu.vector_load_idx %arg6[%parallel_loop3A_404] : memref<65000xf32, #tpu.memory_space<vmem>>[vector<16xi32>], vector<16xf32>,
          %parallel_loop3A_406 = arith.index_cast %parallel_loop3A_402 : i32 to index
          %parallel_loop3A_407 = arith.constant 112 : index
          %parallel_loop3A_408 = tpu.vector_load %arg7[%parallel_loop3A_406, %parallel_loop3A_407] {strides = array<i32>} : memref<64x128xf32, #tpu.memory_space<vmem>>, vector<16xf32>,
          tpu.vector_store %arg7[%parallel_loop3A_406, %parallel_loop3A_407], %parallel_loop3A_405 {strides = array<i32>} : memref<64x128xf32, #tpu.memory_space<vmem>>, vector<16xf32>,
        } {sc.loop_unroll_factor = 8 : i64, sc.parallel_access}
        %add3A_394 = arith.constant 2 : i32
        %add3A_395 = arith.addi %mul3A_142, %add3A_394 : i32
        %dma_start3A_396 = arith.constant 0 : i32
        %dma_start3A_397 = tpu.memref_slice %arg4[%add3A_395, %dma_start3A_396, %mul3A_4] : memref<200x64x4096xf32, #tpu.memory_space<hbm>> -> memref<1x64x128xf32, #tpu.memory_space<hbm>>
        %dma_start3A_398 = tpu.memref_squeeze %dma_start3A_397 : memref<1x64x128xf32, #tpu.memory_space<hbm>> -> memref<64x128xf32, #tpu.memory_space<hbm>>
        %dma_start3A_399 = arith.constant 0 : i32
        %dma_start3A_400 = tpu.memref_slice %arg4[%add3A_395, %dma_start3A_399, %mul3A_4] : memref<200x64x4096xf32, #tpu.memory_space<hbm>> -> memref<1x64x128xf32, #tpu.memory_space<hbm>>
        %dma_start3A_401 = tpu.memref_squeeze %dma_start3A_400 : memref<1x64x128xf32, #tpu.memory_space<hbm>> -> memref<64x128xf32, #tpu.memory_space<hbm>>
        tpu.enqueue_dma source(%arg7 : memref<64x128xf32, #tpu.memory_space<vmem>>) target(%dma_start3A_401 : memref<64x128xf32, #tpu.memory_space<hbm>>) target_semaphore(%arg9 : memref<!tpu.dma_semaphore, #tpu.memory_space<semaphore_mem>>)
      } else {
      }
      %scan3A_279 = arith.constant 0 : i32
      scf.yield %scan3A_279 : i32
    }
    %scan3A_132 = arith.constant 100 : i32
    %dma_wait3A = arith.constant 199 : i32
    %dma_wait3A_133 = arith.constant 0 : i32
    %dma_wait3A_134 = tpu.memref_slice %arg4[%dma_wait3A, %dma_wait3A_133, %mul3A_4] : memref<200x64x4096xf32, #tpu.memory_space<hbm>> -> memref<1x64x128xf32, #tpu.memory_space<hbm>>
    %dma_wait3A_135 = tpu.memref_squeeze %dma_wait3A_134 : memref<1x64x128xf32, #tpu.memory_space<hbm>> -> memref<64x128xf32, #tpu.memory_space<hbm>>
    %dma_wait3A_136 = arith.constant 0 : i32
    %dma_wait3A_137 = tpu.memref_slice %arg4[%dma_wait3A, %dma_wait3A_136, %mul3A_4] : memref<200x64x4096xf32, #tpu.memory_space<hbm>> -> memref<1x64x128xf32, #tpu.memory_space<hbm>>
    %dma_wait3A_138 = tpu.memref_squeeze %dma_wait3A_137 : memref<1x64x128xf32, #tpu.memory_space<hbm>> -> memref<64x128xf32, #tpu.memory_space<hbm>>
    tpu.wait_dma2 semaphore(%arg10 : memref<!tpu.dma_semaphore, #tpu.memory_space<semaphore_mem>>) src(%arg8 : memref<64x128xf32, #tpu.memory_space<vmem>>) dst(%dma_wait3A_138 : memref<64x128xf32, #tpu.memory_space<hbm>>)
    return
  }
}

</mosaic_0001>

<sc_bundles>
// kernel: _run.3.cloned.1.call-start
scs
__scs_entry_jumppad:
0x0: {  	(pc) =	sbr.rel $0x88, $3  }
0x1: {  	(tag) =	ssettag $0x0;
	lr =	simm.s32 $0x1  }
0x2: {  	[smem:$0x3F9F] =	sst lr;
	_ =	strace $0xD0000000  }
0x3: {  	_ = 	snop  }
0x4: {  	_ = 	snop  }
0x5: {  	_ = 	snop  }
0x6: {  	_ = 	snop  }
0x7: {  	_ = 	snop  }
__scs_overlays_trampoline_lowered:
0x8: {  	[smem:$0x3FAE] =	sst s0  }
0x9: {  	[smem:$0x3FAF] =	sst s1  }
0xa: {  	[smem:$0x3FB0] =	sst s2  }
0xb: {  	[smem:$0x3FB1] =	sst s3  }
0xc: {  	[smem:$0x3FB2] =	sst s4  }
0xd: {  	[smem:$0x3FB3] =	sst s5  }
0xe: {  	[smem:$0x3FB4] =	sst s6  }
0xf: {  	[smem:$0x3FB5] =	sst s7  }
0x10: {  	[smem:$0x3FB6] =	sst s8  }
0x11: {  	[smem:$0x3FB7] =	sst s9;
	s0 =	simm.s32 @!p0 $0x0  }
0x12: {  	s1 =	sld [smem:$0x3F9D];
	s0 =	simm.s32 @p0 $0x1  }
0x13: {  	[smem:$0x3FB8] =	sst s0;
	s0 =	simm.s32 @!p1 $0x0  }
0x14: {  	s2 =	sld [smem:$0x3F9C];
	s0 =	simm.s32 @p1 $0x1  }
0x15: {  	[smem:$0x3FB9] =	sst s0;
	s0 =	simm.s32 @!p2 $0x0  }
0x16: {  	s3 =	sld [smem:$0x3FDB];
	s0 =	simm.s32 @p2 $0x1  }
0x17: {  	s4 =	simm.s32 $0x1BF5;
	[smem:$0x3FBB] =	sst s0  }
0x18: {  	s0 =	sld [smem:$0x3F9E];
	_ =	swait.ge [sflag:s4], $0x0  }
0x19: {  	s7 =	sld [smem:$0x3F9F]  }
0x1a: {  	s8 =	sadd.s32 $0xFFFFE003, lr  }
0x1b: {  	s9 =	sadd.s32 $0xFFFFFEF7, lr;
	s5 =	simm.s32 $0xFFFFFFFF;
	p2 =	slt.u32 s8, $0xFFFFF086  }
0x1c: {  	p1 =	slt.u32 s9, $0xF7A;
	s5 =	simm.s32 @!p2 $0x0  }
0x1d: {  	s5 =	simm.s32 @p1 $0x1;
	p0 =	seq.s32 s7, s2  }
0x1e: {  	s7 =	smul.u32 @!p0 $0xF7A, s2;
	p2 =	seq.s32 @!p0 s5, $0x0  }
0x1f: {  	s9 =	smul.u32 $0xF7A, s1;
	s8 =	simm.s32 @!p0 $0x1BF5;
	p2 =	por !p2, p0  }
0x20: {  	[sflag:s8] =	ssyncset.s32 @!p0 $0xFFFFF086;
	s6 =	sadd.s32 @!p0 s3, s7;
	s7 =	simm.s32 @!p0 $0x108  }
0x21: {  	s3 =	sadd.s32 s3, s9;
	s6 =	sadd.s32 @!p0 $0x88, s6;
	s7 =	simm.s32 @p2 $0x1082  }
0x22: {  	[simem:s7], [sflag:s8] =	dma.local @!p0 [hbm:s6], $0xF7A  }
0x23: {  	s9 =	sor.u32 $0xD0000000, s2;
	s6 =	simm.s32 $0x108;
	_ =	swait.ge @!p0 [sflag:s8], $0x0  }
0x24: {  	s3 =	sadd.s32 $0x88, s3;
	s6 =	simm.s32 @!p1 $0x1082;
	[sflag:s4] =	ssyncset.s32 $0xFFFFF086  }
0x25: {  	[simem:s6], [sflag:s4] =	dma.local [hbm:s3], $0xF7A  }
0x26: {  	[smem:$0x3F9F] =	sst s1;
	(tag) =	ssettag s2;
	_ =	strace s9  }
0x27: {  	s1 =	sld [smem:$0x3FAF]  }
0x28: {  	s2 =	sld [smem:$0x3FB0]  }
0x29: {  	s4 =	sld [smem:$0x3FB2]  }
0x2a: {  	p0 =	seq.s32 s5, $0x0;
	s5 =	sld [smem:$0x3FB3]  }
0x2b: {  	s6 =	sld [smem:$0x3FB4]  }
0x2c: {  	s7 =	sld [smem:$0x3FB5]  }
0x2d: {  	s3 =	simm.s32 $0x108;
	s8 =	sld [smem:$0x3FB6]  }
0x2e: {  	s3 =	simm.s32 @!p0 $0x1082;
	s9 =	sld [smem:$0x3FB7]  }
0x2f: {  	lr =	sadd.s32 s0, s3;
	s0 =	sld [smem:$0x3FAE]  }
0x30: {  	s3 =	sld [smem:$0x3FB1]  }
0x31: {  	[smem:$0x3FBA] =	sst s10  }
0x32: {  	s10 =	sld [smem:$0x3FB8];
	_ =	sdelay $0x3  }
0x33: {  	p0 =	seq.s32 s10, $0x1;
	s10 =	sld [smem:$0x3FBA];
	_ =	sdelay $0x3  }
0x34: {  	[smem:$0x3FBA] =	sst s10  }
0x35: {  	s10 =	sld [smem:$0x3FB9];
	_ =	sdelay $0x3  }
0x36: {  	p1 =	seq.s32 s10, $0x1;
	s10 =	sld [smem:$0x3FBA];
	_ =	sdelay $0x3  }
0x37: {  	[smem:$0x3FBA] =	sst s10  }
0x38: {  	s10 =	sld [smem:$0x3FBB]  }
0x39: {  	_ = 	snop;
	(pc) =	sbr.ind lr, $3  }
0x3a: {  	_ = 	snop  }
0x3b: {  	_ = 	snop  }
0x3c: {  	p2 =	seq.s32 s10, $0x1;
	s10 =	sld [smem:$0x3FBA]  }
0x3d: {  	_ =	shalt  }
0x3e: {  	_ =	shalt  }
0x3f: {  	_ =	shalt  }
0x40: {  	_ =	shalt  }
0x41: {  	_ =	shalt  }
0x42: {  	_ =	shalt  }
0x43: {  	_ =	shalt  }
0x44: {  	_ =	shalt  }
0x45: {  	_ =	shalt  }
0x46: {  	_ =	shalt  }
0x47: {  	_ =	shalt  }
0x48: {  	_ =	shalt  }
0x49: {  	_ =	shalt  }
0x4a: {  	_ =	shalt  }
0x4b: {  	_ =	shalt  }
0x4c: {  	_ =	shalt  }
0x4d: {  	_ =	shalt  }
0x4e: {  	_ =	shalt  }
0x4f: {  	_ =	shalt  }
0x50: {  	_ =	shalt  }
0x51: {  	_ =	shalt  }
0x52: {  	_ =	shalt  }
0x53: {  	_ =	shalt  }
0x54: {  	_ =	shalt  }
0x55: {  	_ =	shalt  }
0x56: {  	_ =	shalt  }
0x57: {  	_ =	shalt  }
0x58: {  	_ =	shalt  }
0x59: {  	_ =	shalt  }
0x5a: {  	_ =	shalt  }
0x5b: {  	_ =	shalt  }
0x5c: {  	_ =	shalt  }
0x5d: {  	_ =	shalt  }
0x5e: {  	_ =	shalt  }
0x5f: {  	_ =	shalt  }
0x60: {  	_ =	shalt  }
0x61: {  	_ =	shalt  }
0x62: {  	_ =	shalt  }
0x63: {  	_ =	shalt  }
0x64: {  	_ =	shalt  }
0x65: {  	_ =	shalt  }
0x66: {  	_ =	shalt  }
0x67: {  	_ =	shalt  }
0x68: {  	_ =	shalt  }
0x69: {  	_ =	shalt  }
0x6a: {  	_ =	shalt  }
0x6b: {  	_ =	shalt  }
0x6c: {  	_ =	shalt  }
0x6d: {  	_ =	shalt  }
0x6e: {  	_ =	shalt  }
0x6f: {  	_ =	shalt  }
0x70: {  	_ =	shalt  }
0x71: {  	_ =	shalt  }
0x72: {  	_ =	shalt  }
0x73: {  	_ =	shalt  }
0x74: {  	_ =	shalt  }
0x75: {  	_ =	shalt  }
0x76: {  	_ =	shalt  }
0x77: {  	_ =	shalt  }
0x78: {  	_ =	shalt  }
0x79: {  	_ =	shalt  }
0x7a: {  	_ =	shalt  }
0x7b: {  	_ =	shalt  }
0x7c: {  	_ =	shalt  }
0x7d: {  	_ =	shalt  }
0x7e: {  	_ =	shalt  }
0x7f: {  	_ =	shalt  }
0x80: {  	_ =	shalt  }
0x81: {  	_ =	shalt  }
0x82: {  	_ =	shalt  }
0x83: {  	_ =	shalt  }
0x84: {  	_ =	shalt  }
0x85: {  	_ =	shalt  }
0x86: {  	_ =	shalt  }
0x87: {  	_ =	shalt  }
.Lfunc_end0:
.L_simem_size_0:
called_computation_lowered:
.L_overlay_start_0:
0x88: {  	s2 =	sld [smem:$0x3FD9]  }
0x89: {  	s3 =	sld [smem:$0x3FFE];
	_ =	sdelay $0x1  }
0x8a: {  	s1 =	srdreg.scid  }
0x8b: {  	s0 =	sand.u32 $0x1, s1  }
0x8c: {  	s18 =	sshll.u32 s0, $0xA;
	s2 =	sadd.s32 s3, s2  }
0x8d: {  	s2 =	sadd.s32 s2, s18  }
0x8e: {  	[smem:$0x3FC6] =	sst s2  }
0x8f: {  	_ = 	snop  }
0x90: {  	s2 =	sld [smem:$0x3FC9]  }
0x91: {  	s19 =	sld [smem:$0x3FC8]  }
0x92: {  	s4 =	sld [smem:$0x3FD0];
	(tm) =	ssettm $0x1  }
0x93: {  	s5 =	sld [smem:$0x3FFB];
	_ =	sdelay $0x3  }
0x94: {  	_ =	strace s5  }
0x95: {  	s5 =	sld [smem:$0x3FFC];
	_ =	sdelay $0x3  }
0x96: {  	_ =	strace s5  }
0x97: {  	s5 =	sld [smem:$0x3FFD];
	_ =	sdelay $0x3  }
0x98: {  	_ =	strace s5  }
0x99: {  	_ =	strace $0x8FFFFFFF  }
0x9a: {  	s20 =	sld [smem:$0x3FDB];
	_ =	sdelay $0x1  }
0x9b: {  	s6 =	simm.s32 $_scs_section_size  }
0x9c: {  	s7 =	simm.s32 $_size__tile_overlayer_lowered;
	s8 =	simm.s32 $_tile_overlayer_lowered  }
0x9d: {  	s23 =	simm.s32 $0x1BFF;
	s22 =	sshll.u32 s8, $0x1;
	s5 =	sadd.s32 s6, s20  }
0x9e: {  	s9 =	simm.s32 $0x0;
	s21 =	sshll.u32 s7, $0x1;
	s7 =	sadd.s32 s22, s5  }
0x9f: {  	[timem:s9], [sflag:s23] =	dma.local [hbm:s7], s21  }
0xa0: {  	_ =	swait.ge [sflag:s23], s21  }
0xa1: {  	s6 =	ssub.s32 $0x0, s21;
	[sflag:s23] =	ssyncset.done $0x0  }
0xa2: {  	[sflag:s23] =	ssyncadd.s32 s6;
	_ =	sdelay $0x1  }
0xa3: {  	s24 =	simm.s32 $0x1B8B  }
0xa4: {  	_ =	swait.ge [sflag:s24], $0x1  }
0xa5: {  	[sflag:s24] =	ssyncset.done $0x0  }
0xa6: {  	s25 =	simm.s32 $0x1B8E;
	[sflag:s24] =	ssyncadd.s32 $0xFFFFFFFF  }
0xa7: {  	s26 =	simm.s32 $execute0_lowered;
	[smem:$0x3FD2] =	sst s25  }
0xa8: {  	s6 =	sshll.u32 s26, $0x1;
	_ =	strace $0x80000046;
	[dreg:$0x1] =	wrdreg $0xFFFFFFFF  }
0xa9: {  	s28 =	simm.s32 $_size_execute0_lowered;
	s5 =	sadd.s32 s5, s6;
	[dreg:$0x0] =	wrdreg $0x0  }
0xaa: {  	s6 =	sshll.u32 s28, $0x1;
	[dreg:$0x2] =	wrdreg s5  }
0xab: {  	[dreg:$0x3] =	wrdreg s6  }
0xac: {  	[dreg:$0x4] =	wrdreg $0xC0  }
0xad: {  	_ =	task [dreg:s9], $0x5FFFF  }
0xae: {  	[dreg:$0x1] =	wrdreg $0xFFFFFFFF  }
0xaf: {  	[dreg:$0x0] =	wrdreg $0x60  }
0xb0: {  	[dreg:$0x2] =	wrdreg s2  }
0xb1: {  	[dreg:$0x3] =	wrdreg s19  }
0xb2: {  	[dreg:$0x4] =	wrdreg s4  }
0xb3: {  	[dreg:$0x5] =	wrdreg $0x9  }
0xb4: {  	_ =	task.clear_ibuf [dreg:s9], $0x6FFFF;
	_ =	strace $0x90000046  }
0xb5: {  	s29 =	simm.s32 $0x9;
	_ =	strace $0x80000048  }
0xb6: {  	_ =	swait.ge [sflag:s29], $0x1  }
0xb7: {  	[sflag:s29] =	ssyncadd.s32 $0xFFFFFFFF  }
0xb8: {  	_ =	strace $0x90000048  }
0xb9: {  	_ =	sfence  }
0xba: {  	s30 =	sld [smem:$0x0];
	_ =	sdelay $0x2  }
0xbb: {  	s31 =	sshll.u32 s1, $0xD;
	s1 =	sshrl.u32 s1, $0x2  }
0xbc: {  	s3 =	sand.u32 $0x4000, s31;
	s1 =	sadd.s32 s1, s30  }
0xbd: {  	s0 =	sor.u32 s3, s0;
	s1 =	sshll.u32 s1, $0x11  }
0xbe: {  	s0 =	sor.u32 s1, s0  }
0xbf: {  	s0 =	sadd.s32 $0x8F2B, s0  }
0xc0: {  	[sflag:s0] =	ssyncadd.remote.s32 $0x1  }
0xc1: {  	_ =	sfence.sel $0xFFFF  }
0xc2: {  	[dreg:$0x0] =	wrdreg $0xFFFFFFFF;
	(pc) =	sbr.abs _section_cstart, $3  }
0xc3: {  	[dreg:$0x1] =	wrdreg $0xFFFFFFFF  }
0xc4: {  	_ =	task.clear_ibuf [dreg:s9], $0x2FFFF;
	_ =	strace $0x9FFFFFFF  }
0xc5: {  	(tm) =	ssettm $0x7FFFFFFF  }
tec
execute0_lowered:
.L_overlay_start_1:
0x0: {  	(tag) =	ssettag $0x1  }
0x1: {  	s5 =	rddreg [dreg:$0x0]  }
0x2: {  	s2 =	rddreg [dreg:$0x1]  }
0x3: {  	s1 =	srdreg.scid;
	s0 =	stileid.u32  }
0x4: {  	s3 =	rddreg [dreg:$0x2];
	s4 =	simm.s32 $0x0;
	s10 =	simm.s32 $0x3  }
0x5: {  	s11 =	simm.s32 $0x400;
	s12 =	simm.s32 $0x8000;
	s13 =	simm.s32 $0x16200  }
0x6: {  	s14 =	simm.s32 $0x18200;
	s15 =	simm.s32 $0x1;
	s16 =	simm.s32 $0x2  }
0x7: {  	s17 =	simm.s32 $0x0;
	s6 =	sand.u32 $0x1, s1;
	s1 =	rddreg [dreg:$0x3]  }
.Ltmp0:
0x8: {  	s7 =	sshll.u32 s0, $0x1;
	[smem:$0x7FF] =	sst s4;
	(pc) =	sbr.rel .LBB2_1-.Ltmp0, $4  }
0x9: {  	s7 =	sor.u32 s6, s7;
	s6 =	ssub.s32 $0x2, s6;
	_ =	strace $0x80000047  }
0xa: {  	s8 =	smul.u32 $0xC80, s7;
	s9 =	sshrl.u32 s6, $0x1;
	s31 =	sshll.u32 s7, $0x7  }
0xb: {  	v0 =	vlaneseq.u32;
	s9 =	ssub.s32 s6, s9;
	s6 =	sshll.u32 s7, $0xA;
	s7 =	sadd.s32 s3, s31  }
0xc: {  	v58 =	vmul.u32 $0xC8, v0;
	s5 =	sadd.s32 s5, s8;
	s8 =	smax.u32 s9, $0x1;
	s9 =	simm.s32 $0x6400  }
.LBB2_56:
0xd: {  	s17 =	sadd.s32 $0x1, s17  }
0xe: {  	p0 =	sne.s32 s17, s8  }
.Ltmp1:
0xf: {  	_ = 	snop;
	(pc) =	sbr.rel @!p0 .LBB2_57-.Ltmp1, $4  }
0x10: {  	_ = 	snop  }
0x11: {  	_ =	swait.ge [sflag:s16], $0x2000  }
0x12: {  	[sflag:s16] =	ssyncset.done $0x0  }
0x13: {  	[sflag:s16] =	ssyncadd.s32 $0xFFFFE000  }
.LBB2_1:
0x14: {  	[tilespmem:s9], [sflag:$0x3] =	stream.linear.gather [hbm4b:s2+s4], $0xFA00, $0x38;
	[tilespmem:$0x1A200] =	vst v63  }
0x15: {  	_ =	swait.ge [sflag:s10], $0xFA00  }
0x16: {  	[sflag:s10] =	ssyncset.done $0x0  }
0x17: {  	[sflag:s10] =	ssyncadd.s32 $0xFFFF0600  }
0x18: {  	[tilespmem:s4], [sflag:$0x3] =	stream.linear.gather [hbm4b:s5+s4], $0x6400, $0x38;
	[tilespmem:$0x1A200] =	vst v63  }
0x19: {  	_ =	swait.ge [sflag:s10], $0x6400  }
0x1a: {  	[sflag:s10] =	ssyncset.done $0x0  }
0x1b: {  	s20 =	simm.s32 $0xFA00;
	[sflag:s10] =	ssyncadd.s32 $0xFFFF9C00  }
0x1c: {  	v4 =	vld [tilespmem:s20+$0x63F0]  }
0x1d: {  	v2 =	vld [tilespmem:s20+$0x63C0]  }
0x1e: {  	v1 =	vld [tilespmem:s20+$0x63E0]  }
0x1f: {  	s18 =	simm.s32 $0x3E800;
	s19 =	simm.s32 $0x3F69C;
	v3 =	vld [tilespmem:s20+$0x63D0];
	s20 =	simm.s32 $0xFDE8  }
.LBB2_2:
0x20: {  	p0 =	sne.s32 s19, $0x104  }
0x21: {  	[tilespmem:s20+$0x63EF] =	vst v4;
	s18 =	sadd.s32 $0xFFFFFF00, s18;
	s21 =	smov.u32 s19;
	s19 =	sadd.s32 $0xFFFFFEFC, s19  }
0x22: {  	[tilespmem:s20+$0x63BF] =	vst v2  }
0x23: {  	[tilespmem:s20+$0x63DF] =	vst v1  }
0x24: {  	s22 =	sshra.s32 s18, $0x2;
	[tilespmem:s20+$0x63CF] =	vst v3  }
.Ltmp2:
0x25: {  	v4 =	vld [tilespmem:s22+$0x63F0];
	(pc) =	sbr.rel @p0 .LBB2_2-.Ltmp2, $4  }
0x26: {  	v2 =	vld [tilespmem:s22+$0x63C0]  }
0x27: {  	v1 =	vld [tilespmem:s22+$0x63E0]  }
0x28: {  	v3 =	vld [tilespmem:s22+$0x63D0]  }
0x29: {  	s20 =	sshra.s32 s21, $0x2  }
0x2a: {  	s21 =	simm.s32 $0x0  }
0x2b: {  	v5 =	vadd.s32 s21, v58  }
0x2c: {  	s18 =	simm.s32 $0x1;
	[tilespmem:s20+$0x63EF] =	vst v4  }
0x2d: {  	s19 =	simm.s32 $0x2;
	v4 =	vadd.s32 s18, v58;
	[tilespmem:s20+$0x63BF] =	vst v2  }
0x2e: {  	v2 =	vadd.s32 s19, v58;
	[tilespmem:s20+$0x63DF] =	vst v1  }
0x2f: {  	[tilespmem:s20+$0x63CF] =	vst v3  }
0x30: {  	v1 =	vld.idx.msk [tilespmem:v5+s4+$0x0], $0xffff  }
0x31: {  	s20 =	simm.s32 $0x3  }
0x32: {  	v7 =	vadd.s32 s20, v58;
	v3 =	vld.idx.msk [tilespmem:v4+s4+$0x0], $0xffff  }
0x33: {  	s22 =	simm.s32 $0xC80;
	v6 =	vld.idx.msk [tilespmem:v2+s4+$0x0], $0xffff  }
0x34: {  	v10 =	vimm.s32 $0x0;
	v12 =	vadd.s32 s22, v58  }
0x35: {  	v8 =	vadd.s32 v10, v1  }
0x36: {  	s23 =	simm.s32 $0xC81;
	v1 =	vmul.u32 v1, v8  }
0x37: {  	s24 =	simm.s32 $0xC82;
	v15 =	vadd.s32 s23, v58;
	v9 =	vld.idx.msk [tilespmem:v7+s4+$0x0], $0xffff;
	v8 =	vadd.s32 v8, v3  }
0x38: {  	s26 =	simm.s32 $0xC83;
	v17 =	vadd.s32 s24, v58;
	s23 =	simm.s32 $0x6;
	v3 =	vmul.u32 v3, v8;
	v8 =	vadd.s32 v8, v6;
	[tilespmem:v5+s4+$0x0] =	vst.idx.msk $0xffff, v1  }
0x39: {  	s28 =	simm.s32 $0x1901;
	s29 =	simm.s32 $0x1902;
	s19 =	simm.s32 $0x4;
	v18 =	vadd.s32 s26, v58;
	v22 =	vadd.s32 s23, v58;
	v6 =	vmul.u32 v6, v8;
	v1 =	vld.idx.msk [tilespmem:v12+s4+$0x0], $0xffff  }
0x3a: {  	s25 =	simm.s32 $0x5;
	s30 =	simm.s32 $0x1903;
	s31 =	simm.s32 $0x2580;
	v20 =	vadd.s32 s28, v58;
	v21 =	vadd.s32 s29, v58;
	[tilespmem:v4+s4+$0x0] =	vst.idx.msk $0xffff, v3;
	v3 =	vadd.s32 s19, v58  }
0x3b: {  	s22 =	simm.s32 $0x1900;
	v23 =	vadd.s32 s30, v58;
	v25 =	vadd.s32 s31, v58;
	s28 =	simm.s32 $0x3201;
	[tilespmem:v2+s4+$0x0] =	vst.idx.msk $0xffff, v6;
	v2 =	vadd.s32 s25, v58  }
0x3c: {  	s29 =	simm.s32 $0x3202;
	s30 =	simm.s32 $0x7;
	v19 =	vadd.s32 s22, v58;
	v14 =	vadd.s32 s28, v58;
	v16 =	vadd.s32 v8, v9;
	v4 =	vld.idx.msk [tilespmem:v15+s4+$0x0], $0xffff  }
0x3d: {  	s18 =	simm.s32 $0x8;
	s22 =	simm.s32 $0x2581;
	v28 =	vadd.s32 s29, v58;
	v30 =	vadd.s32 s30, v58;
	v8 =	vmul.u32 v9, v16;
	v5 =	vld.idx.msk [tilespmem:v17+s4+$0x0], $0xffff  }
0x3e: {  	s26 =	simm.s32 $0x3200;
	s23 =	simm.s32 $0xC85;
	v38 =	vadd.s32 s18, v58;
	v11 =	vadd.s32 s22, v58;
	v33 =	vld.idx.msk [tilespmem:v22+s4+$0x0], $0xffff;
	v6 =	vadd.s32 v10, v1  }
0x3f: {  	s28 =	simm.s32 $0xC87;
	s30 =	simm.s32 $0x1904;
	v29 =	vadd.s32 s23, v58;
	[tilespmem:v7+s4+$0x0] =	vst.idx.msk $0xffff, v8;
	v8 =	vadd.s32 s26, v58;
	s26 =	simm.s32 $0xC86;
	v24 =	vld.idx.msk [tilespmem:v3+s4+$0x0], $0xffff;
	v1 =	vmul.u32 v1, v6  }
0x40: {  	s24 =	simm.s32 $0x2582;
	v0 =	vadd.s32 s28, v58;
	v43 =	vadd.s32 s30, v58;
	v36 =	vadd.s32 s26, v58;
	s26 =	simm.s32 $0xA;
	v26 =	vld.idx.msk [tilespmem:v2+s4+$0x0], $0xffff  }
0x41: {  	v9 =	vadd.s32 s24, v58;
	s25 =	simm.s32 $0x2583;
	v45 =	vadd.s32 s26, v58;
	v13 =	vadd.s32 v6, v4;
	[tilespmem:v12+s4+$0x0] =	vst.idx.msk $0xffff, v1;
	v1 =	vld.idx.msk [tilespmem:v18+s4+$0x0], $0xffff  }
0x42: {  	s31 =	simm.s32 $0x3203;
	v6 =	vadd.s32 s25, v58;
	s25 =	simm.s32 $0xC84;
	v4 =	vmul.u32 v4, v13;
	v27 =	vadd.s32 v13, v5;
	v31 =	vld.idx.msk [tilespmem:v19+s4+$0x0], $0xffff  }
0x43: {  	s22 =	simm.s32 $0x3E80;
	v52 =	vld.idx.msk [tilespmem:v30+s4+$0x0], $0xffff;
	s24 =	simm.s32 $0x3E81;
	v13 =	vadd.s32 s31, v58;
	v35 =	vadd.s32 s25, v58;
	v7 =	vmul.u32 v5, v27  }
0x44: {  	v42 =	vld.idx.msk [tilespmem:v38+s4+$0x0], $0xffff;
	v12 =	vadd.s32 s22, v58;
	v5 =	vadd.s32 s24, v58;
	[tilespmem:v15+s4+$0x0] =	vst.idx.msk $0xffff, v4;
	v32 =	vadd.s32 v16, v24  }
0x45: {  	s31 =	simm.s32 $0x1905;
	[tilespmem:v17+s4+$0x0] =	vst.idx.msk $0xffff, v7;
	v7 =	vld.idx.msk [tilespmem:v20+s4+$0x0], $0xffff;
	v34 =	vadd.s32 v32, v26;
	v17 =	vmul.u32 v24, v32  }
0x46: {  	s29 =	simm.s32 $0x3E83;
	v41 =	vadd.s32 s31, v58;
	v24 =	vld.idx.msk [tilespmem:v21+s4+$0x0], $0xffff;
	v4 =	vmul.u32 v26, v34;
	v26 =	vadd.s32 v27, v1  }
0x47: {  	v15 =	vadd.s32 s29, v58;
	[tilespmem:v3+s4+$0x0] =	vst.idx.msk $0xffff, v17;
	v27 =	vadd.s32 v10, v31;
	v1 =	vmul.u32 v1, v26  }
0x48: {  	[tilespmem:v2+s4+$0x0] =	vst.idx.msk $0xffff, v4;
	v2 =	vadd.s32 v34, v33;
	v53 =	vld.idx.msk [tilespmem:v35+s4+$0x0], $0xffff;
	v4 =	vmul.u32 v31, v27  }
0x49: {  	v3 =	vld.idx.msk [tilespmem:v29+s4+$0x0], $0xffff;
	v31 =	vmul.u32 v33, v2;
	v37 =	vadd.s32 v2, v52;
	[tilespmem:v18+s4+$0x0] =	vst.idx.msk $0xffff, v1  }
0x4a: {  	v1 =	vadd.s32 v27, v7;
	v32 =	vmul.u32 v52, v37;
	[tilespmem:v19+s4+$0x0] =	vst.idx.msk $0xffff, v4;
	v4 =	vld.idx.msk [tilespmem:v23+s4+$0x0], $0xffff  }
0x4b: {  	s22 =	simm.s32 $0x1907;
	[tilespmem:v22+s4+$0x0] =	vst.idx.msk $0xffff, v31;
	v7 =	vmul.u32 v7, v1;
	v1 =	vadd.s32 v1, v24;
	v18 =	vld.idx.msk [tilespmem:v25+s4+$0x0], $0xffff  }
0x4c: {  	s20 =	simm.s32 $0x1906;
	s24 =	simm.s32 $0x9;
	v62 =	vadd.s32 s22, v58;
	v50 =	vadd.s32 v37, v42;
	v2 =	vmul.u32 v24, v1;
	[tilespmem:v30+s4+$0x0] =	vst.idx.msk $0xffff, v32  }
0x4d: {  	s23 =	simm.s32 $0x2584;
	s25 =	simm.s32 $0x2585;
	v39 =	vadd.s32 s24, v58;
	v34 =	vadd.s32 s20, v58;
	v60 =	vmul.u32 v42, v50;
	v16 =	vld.idx.msk [tilespmem:v36+s4+$0x0], $0xffff;
	[tilespmem:v20+s4+$0x0] =	vst.idx.msk $0xffff, v7  }
0x4e: {  	v19 =	vadd.s32 s23, v58;
	v24 =	vadd.s32 s25, v58;
	v7 =	vadd.s32 v26, v53;
	v26 =	vld.idx.msk [tilespmem:v11+s4+$0x0], $0xffff;
	[tilespmem:v21+s4+$0x0] =	vst.idx.msk $0xffff, v2  }
0x4f: {  	v2 =	vmul.u32 v53, v7;
	v7 =	vadd.s32 v7, v3;
	v54 =	vadd.s32 v1, v4  }
0x50: {  	s29 =	simm.s32 $0x3204;
	s23 =	simm.s32 $0x2586;
	v40 =	vmul.u32 v3, v7;
	v1 =	vld.idx.msk [tilespmem:v9+s4+$0x0], $0xffff;
	v31 =	vadd.s32 v10, v18;
	v3 =	vmul.u32 v4, v54  }
0x51: {  	s28 =	simm.s32 $0x2587;
	v27 =	vadd.s32 s23, v58;
	s23 =	simm.s32 $0xB;
	v20 =	vadd.s32 s29, v58;
	s29 =	simm.s32 $0xC89;
	[tilespmem:v38+s4+$0x0] =	vst.idx.msk $0xffff, v60;
	v4 =	vmul.u32 v18, v31  }
0x52: {  	v17 =	vmovc v15;
	v22 =	vadd.s32 s23, v58;
	v21 =	vadd.s32 s28, v58;
	v15 =	vadd.s32 s29, v58;
	[tilespmem:v23+s4+$0x0] =	vst.idx.msk $0xffff, v3;
	v23 =	vld.idx.msk [tilespmem:v39+s4+$0x0], $0xffff  }
0x53: {  	s25 =	simm.s32 $0x3E84;
	s23 =	simm.s32 $0x3E82;
	v44 =	vadd.s32 v7, v16;
	v7 =	vadd.s32 v31, v26;
	[tilespmem:v25+s4+$0x0] =	vst.idx.msk $0xffff, v4;
	v46 =	vld.idx.msk [tilespmem:v6+s4+$0x0], $0xffff  }
0x54: {  	s31 =	simm.s32 $0x3206;
	v42 =	vadd.s32 s23, v58;
	[tilespmem:v35+s4+$0x0] =	vst.idx.msk $0xffff, v2;
	v2 =	vadd.s32 s25, v58;
	v25 =	vmul.u32 v26, v7;
	v55 =	vld.idx.msk [tilespmem:v8+s4+$0x0], $0xffff  }
0x55: {  	s30 =	simm.s32 $0x3205;
	s28 =	simm.s32 $0xC88;
	v48 =	vld.idx.msk [tilespmem:v43+s4+$0x0], $0xffff;
	v18 =	vmul.u32 v16, v44;
	v16 =	vadd.s32 s31, v58;
	v47 =	vadd.s32 v7, v1  }
0x56: {  	s24 =	simm.s32 $0x3207;
	s22 =	simm.s32 $0x3E87;
	v3 =	vadd.s32 s30, v58;
	v31 =	vadd.s32 s28, v58;
	v49 =	vmul.u32 v1, v47;
	[tilespmem:v11+s4+$0x0] =	vst.idx.msk $0xffff, v25;
	v11 =	vld.idx.msk [tilespmem:v45+s4+$0x0], $0xffff  }
0x57: {  	s29 =	simm.s32 $0x4B01;
	v4 =	vadd.s32 s24, v58;
	[tilespmem:v36+s4+$0x0] =	vst.idx.msk $0xffff, v18;
	v18 =	vadd.s32 s22, v58;
	v51 =	vld.idx.msk [tilespmem:v14+s4+$0x0], $0xffff;
	v56 =	vadd.s32 v50, v23  }
0x58: {  	s31 =	simm.s32 $0xC8B;
	v36 =	vadd.s32 s29, v58;
	[tilespmem:v9+s4+$0x0] =	vst.idx.msk $0xffff, v49;
	v37 =	vadd.s32 v47, v46;
	v23 =	vmul.u32 v23, v56  }
0x59: {  	s26 =	simm.s32 $0x3E85;
	s30 =	simm.s32 $0xC8A;
	v7 =	vadd.s32 s31, v58;
	v57 =	vld.idx.msk [tilespmem:v28+s4+$0x0], $0xffff;
	v30 =	vmul.u32 v46, v37;
	v59 =	vadd.s32 v10, v55  }
0x5a: {  	v52 =	vld.idx.msk [tilespmem:v22+s4+$0x0], $0xffff;
	v1 =	vadd.s32 s26, v58;
	v25 =	vadd.s32 s30, v58;
	v35 =	vmul.u32 v55, v59;
	[tilespmem:v39+s4+$0x0] =	vst.idx.msk $0xffff, v23  }
0x5b: {  	v49 =	vld.idx.msk [tilespmem:v0+s4+$0x0], $0xffff;
	v50 =	vadd.s32 v54, v48;
	v33 =	vadd.s32 v56, v11;
	[tilespmem:v6+s4+$0x0] =	vst.idx.msk $0xffff, v30  }
0x5c: {  	s28 =	simm.s32 $0x190B;
	s31 =	simm.s32 $0x4B00;
	v32 =	vadd.s32 v59, v51;
	v61 =	vmul.u32 v11, v33;
	v30 =	vld.idx.msk [tilespmem:v13+s4+$0x0], $0xffff;
	[tilespmem:v8+s4+$0x0] =	vst.idx.msk $0xffff, v35  }
0x5d: {  	s25 =	simm.s32 $0x1909;
	s24 =	simm.s32 $0x1908;
	v46 =	vadd.s32 s31, v58;
	v23 =	vadd.s32 s28, v58;
	v59 =	vmul.u32 v51, v32;
	v53 =	vld.idx.msk [tilespmem:v12+s4+$0x0], $0xffff;
	[tilespmem:$0x1FFD0] =	vst v15  }
0x5e: {  	v11 =	vadd.s32 s24, v58;
	v6 =	vadd.s32 s25, v58;
	v63 =	vadd.s32 v32, v57;
	v54 =	vld.idx.msk [tilespmem:v15+s4+$0x0], $0xffff;
	[tilespmem:v45+s4+$0x0] =	vst.idx.msk $0xffff, v61  }
0x5f: {  	s23 =	simm.s32 $0x4B03;
	s26 =	simm.s32 $0x190A;
	s30 =	simm.s32 $0x4B02;
	v38 =	vadd.s32 v33, v52;
	v57 =	vmul.u32 v57, v63;
	v47 =	vld.idx.msk [tilespmem:v31+s4+$0x0], $0xffff;
	[tilespmem:v14+s4+$0x0] =	vst.idx.msk $0xffff, v59  }
0x60: {  	v33 =	vadd.s32 s23, v58;
	v8 =	vadd.s32 s26, v58;
	v35 =	vadd.s32 s30, v58;
	[tilespmem:v29+s4+$0x0] =	vst.idx.msk $0xffff, v40;
	v14 =	vld.idx.msk [tilespmem:v5+s4+$0x0], $0xffff  }
0x61: {  	v39 =	vmul.u32 v52, v38;
	v56 =	vld.idx.msk [tilespmem:v41+s4+$0x0], $0xffff;
	[tilespmem:v28+s4+$0x0] =	vst.idx.msk $0xffff, v57;
	v28 =	vadd.s32 v44, v49  }
0x62: {  	s24 =	simm.s32 $0x2588;
	v45 =	vmul.u32 v48, v50;
	v60 =	vld.idx.msk [tilespmem:v25+s4+$0x0], $0xffff;
	v32 =	vadd.s32 v63, v30;
	v61 =	vmul.u32 v49, v28  }
0x63: {  	v29 =	vadd.s32 s24, v58;
	v30 =	vmul.u32 v30, v32;
	v55 =	vadd.s32 v10, v53  }
0x64: {  	v28 =	vadd.s32 v28, v47;
	v63 =	vmul.u32 v53, v55;
	v53 =	vld.idx.msk [tilespmem:v34+s4+$0x0], $0xffff;
	[tilespmem:v0+s4+$0x0] =	vst.idx.msk $0xffff, v61  }
0x65: {  	s26 =	simm.s32 $0x258A;
	v51 =	vld.idx.msk [tilespmem:v42+s4+$0x0], $0xffff;
	v52 =	vmul.u32 v47, v28;
	[tilespmem:v13+s4+$0x0] =	vst.idx.msk $0xffff, v30;
	v49 =	vadd.s32 v28, v54  }
0x66: {  	s29 =	simm.s32 $0x3208;
	v0 =	vadd.s32 s26, v58;
	v55 =	vadd.s32 v55, v14;
	v57 =	vadd.s32 v50, v56;
	[tilespmem:v12+s4+$0x0] =	vst.idx.msk $0xffff, v63  }
0x67: {  	s28 =	simm.s32 $0x258B;
	v61 =	vadd.s32 s29, v58;
	v40 =	vmul.u32 v54, v49;
	v30 =	vadd.s32 v49, v60;
	v47 =	vld.idx.msk [tilespmem:v17+s4+$0x0], $0xffff;
	[tilespmem:$0x1FFE0] =	vst v0  }
0x68: {  	s25 =	simm.s32 $0x2589;
	v59 =	vmul.u32 v14, v55;
	v14 =	vmul.u32 v56, v57;
	v0 =	vadd.s32 s28, v58;
	[tilespmem:v43+s4+$0x0] =	vst.idx.msk $0xffff, v45  }
0x69: {  	v28 =	vadd.s32 s25, v58;
	v44 =	vmul.u32 v60, v30;
	v49 =	vld.idx.msk [tilespmem:v46+s4+$0x0], $0xffff;
	v48 =	vadd.s32 v57, v53;
	[tilespmem:$0x1FFF0] =	vst v0  }
0x6a: {  	s31 =	simm.s32 $0x320A;
	v55 =	vadd.s32 v55, v51;
	v50 =	vld.idx.msk [tilespmem:v19+s4+$0x0], $0xffff;
	v53 =	vmul.u32 v53, v48;
	[tilespmem:v41+s4+$0x0] =	vst.idx.msk $0xffff, v14  }
0x6b: {  	s20 =	simm.s32 $0xC;
	s30 =	simm.s32 $0x3209;
	v60 =	vadd.s32 s31, v58;
	v43 =	vimm.s32 $0x0;
	v57 =	vmul.u32 v51, v55;
	[tilespmem:v5+s4+$0x0] =	vst.idx.msk $0xffff, v59;
	v54 =	vld.idx.msk [tilespmem:v24+s4+$0x0], $0xffff  }
0x6c: {  	s22 =	simm.s32 $0x10;
	s23 =	simm.s32 $0xD;
	v59 =	vadd.s32 s30, v58;
	v45 =	vld.idx.msk [tilespmem:v62+s4+$0x0], $0xffff;
	v41 =	vadd.s32 s20, v58;
	[tilespmem:v34+s4+$0x0] =	vst.idx.msk $0xffff, v53;
	v34 =	vadd.s32 v55, v47  }
.LBB2_4:
0x6d: {  	v55 =	vld.idx.msk [tilespmem:v36+s4+$0x0], $0xffff;
	v47 =	vmul.u32 v47, v34;
	s28 =	sadd.s32 $0x3E81, s18;
	v5 =	vmov v23;
	[tilespmem:v42+s4+$0x0] =	vst.idx.msk $0xffff, v57  }
0x6e: {  	v53 =	vadd.s32 s23, v58;
	[tilespmem:$0x1FFB0] =	vst v5;
	v5 =	vadd.s32 s28, v58;
	v42 =	vld.idx.msk [tilespmem:v35+s4+$0x0], $0xffff;
	v10 =	vadd.s32 v10, v49  }
0x6f: {  	[tilespmem:v17+s4+$0x0] =	vst.idx.msk $0xffff, v47;
	v17 =	vmov v18;
	v49 =	vmul.u32 v49, v10;
	v18 =	vadd.s32 v37, v50  }
0x70: {  	s25 =	sadd.s32 $0x3203, s18;
	v26 =	vmov v59;
	v59 =	vld.idx.msk [tilespmem:v27+s4+$0x0], $0xffff;
	[tilespmem:$0x1FFC0] =	vst v5;
	v50 =	vmul.u32 v50, v18;
	v18 =	vadd.s32 v18, v54  }
0x71: {  	s24 =	sadd.s32 $0x2, s20;
	v47 =	vadd.s32 s25, v58;
	s25 =	sadd.s32 $0x3E80, s18;
	v37 =	vld.idx.msk [tilespmem:v33+s4+$0x0], $0xffff;
	[tilespmem:v46+s4+$0x0] =	vst.idx.msk $0xffff, v49;
	v12 =	vmul.u32 v54, v18  }
0x72: {  	v51 =	vadd.s32 s24, v58;
	v0 =	vadd.s32 v48, v45;
	v48 =	vadd.s32 s25, v58;
	v57 =	vld.idx.msk [tilespmem:v41+s4+$0x0], $0xffff;
	[tilespmem:v31+s4+$0x0] =	vst.idx.msk $0xffff, v52  }
0x73: {  	v10 =	vadd.s32 v10, v55;
	v23 =	vld.idx.msk [tilespmem:v53+s4+$0x0], $0xffff;
	v31 =	vmul.u32 v45, v0;
	[tilespmem:v24+s4+$0x0] =	vst.idx.msk $0xffff, v12  }
0x74: {  	s26 =	sadd.s32 $0x5780, s21;
	s29 =	sadd.s32 $0x5781, s21;
	v54 =	vmul.u32 v55, v10;
	v5 =	vadd.s32 v10, v42;
	v46 =	vld.idx.msk [tilespmem:v11+s4+$0x0], $0xffff;
	[tilespmem:v19+s4+$0x0] =	vst.idx.msk $0xffff, v50  }
0x75: {  	v49 =	vadd.s32 s26, v58;
	v52 =	vadd.s32 s29, v58;
	v42 =	vmul.u32 v42, v5;
	[tilespmem:v62+s4+$0x0] =	vst.idx.msk $0xffff, v31  }
0x76: {  	s25 =	sadd.s32 $0xC82, s20;
	v13 =	vadd.s32 v18, v59;
	v10 =	vmov v7;
	v7 =	vmov v60;
	v60 =	vld.idx.msk [tilespmem:v20+s4+$0x0], $0xffff;
	[tilespmem:v36+s4+$0x0] =	vst.idx.msk $0xffff, v54  }
0x77: {  	s30 =	sadd.s32 $0x5782, s21;
	v24 =	vmov v28;
	v28 =	vadd.s32 s25, v58;
	v14 =	vmul.u32 v59, v13;
	v55 =	vld.idx.msk [tilespmem:v21+s4+$0x0], $0xffff;
	[tilespmem:v35+s4+$0x0] =	vst.idx.msk $0xffff, v42  }
0x78: {  	v50 =	vadd.s32 s30, v58;
	v63 =	vld.idx.msk [tilespmem:v3+s4+$0x0], $0xffff;
	[tilespmem:v25+s4+$0x0] =	vst.idx.msk $0xffff, v44;
	v25 =	vmov v28;
	v28 =	vadd.s32 v38, v57  }
0x79: {  	s31 =	sadd.s32 $0x3, s20;
	v15 =	vmovc v11;
	v11 =	vadd.s32 v5, v37;
	v59 =	vmul.u32 v57, v28;
	v57 =	vadd.s32 v0, v46;
	v0 =	vld [tilespmem:$0x1FFD0]  }
0x7a: {  	v9 =	vmovc v8;
	v8 =	vmov v61;
	v56 =	vadd.s32 s31, v58;
	v36 =	vmul.u32 v37, v11;
	v61 =	vld.idx.msk [tilespmem:v49+s4+$0x0], $0xffff  }
0x7b: {  	s31 =	sadd.s32 $0xC81, s20;
	[tilespmem:v22+s4+$0x0] =	vst.idx.msk $0xffff, v39;
	v62 =	vld.idx.msk [tilespmem:v51+s4+$0x0], $0xffff  }
0x7c: {  	v45 =	vmov v29;
	v29 =	vadd.s32 s31, v58;
	v44 =	vld.idx.msk [tilespmem:v52+s4+$0x0], $0xffff;
	[tilespmem:v33+s4+$0x0] =	vst.idx.msk $0xffff, v36  }
0x7d: {  	v38 =	vld.idx.msk [tilespmem:v50+s4+$0x0], $0xffff;
	v28 =	vadd.s32 v28, v23;
	[tilespmem:v27+s4+$0x0] =	vst.idx.msk $0xffff, v14;
	v32 =	vadd.s32 v32, v60  }
0x7e: {  	s26 =	sadd.s32 $0xC80, s20;
	v14 =	vld.idx.msk [tilespmem:v16+s4+$0x0], $0xffff;
	v37 =	vadd.s32 v13, v55;
	v13 =	vmovc v16;
	v27 =	vmul.u32 v60, v32;
	v16 =	vmov v29  }
0x7f: {  	v31 =	vadd.s32 s26, v58;
	v39 =	vmul.u32 v23, v28;
	v23 =	vadd.s32 v43, v61;
	v43 =	vld.idx.msk [tilespmem:v56+s4+$0x0], $0xffff;
	[tilespmem:$0x1FFD0] =	vst v16  }
0x80: {  	v5 =	vmul.u32 v55, v37;
	v16 =	vld [tilespmem:$0x1FFE0];
	v28 =	vadd.s32 v28, v62;
	[tilespmem:v20+s4+$0x0] =	vst.idx.msk $0xffff, v27  }
0x81: {  	v20 =	vmul.u32 v62, v28;
	v62 =	vld.idx.msk [tilespmem:v2+s4+$0x0], $0xffff;
	[tilespmem:v0+s4+$0x0] =	vst.idx.msk $0xffff, v40  }
0x82: {  	s28 =	sadd.s32 $0x3E83, s18;
	s29 =	sadd.s32 $0x3E82, s19;
	v40 =	vld.idx.msk [tilespmem:v10+s4+$0x0], $0xffff;
	[tilespmem:v21+s4+$0x0] =	vst.idx.msk $0xffff, v5  }
0x83: {  	v19 =	vadd.s32 s28, v58;
	v42 =	vadd.s32 s29, v58;
	v32 =	vadd.s32 v32, v63;
	[tilespmem:v41+s4+$0x0] =	vst.idx.msk $0xffff, v59;
	v60 =	vld.idx.msk [tilespmem:v4+s4+$0x0], $0xffff  }
0x84: {  	v61 =	vmul.u32 v61, v23;
	v21 =	vadd.s32 v23, v44;
	[tilespmem:v53+s4+$0x0] =	vst.idx.msk $0xffff, v39;
	v53 =	vld.idx.msk [tilespmem:v31+s4+$0x0], $0xffff  }
0x85: {  	v59 =	vmul.u32 v63, v32;
	v27 =	vmovc v16;
	v16 =	vadd.s32 v32, v14;
	v44 =	vmul.u32 v44, v21;
	v39 =	vld [tilespmem:$0x1FFF0]  }
0x86: {  	s30 =	sadd.s32 $0x1900, s20;
	[tilespmem:v51+s4+$0x0] =	vst.idx.msk $0xffff, v20;
	v5 =	vadd.s32 v21, v38;
	v41 =	vld.idx.msk [tilespmem:v29+s4+$0x0], $0xffff;
	v29 =	vmul.u32 v14, v16  }
0x87: {  	v22 =	vmov v56;
	v0 =	vadd.s32 s30, v58;
	s30 =	sadd.s32 $0x5783, s21;
	v63 =	vld.idx.msk [tilespmem:v25+s4+$0x0], $0xffff;
	v12 =	vmul.u32 v38, v5;
	[tilespmem:v52+s4+$0x0] =	vst.idx.msk $0xffff, v44  }
0x88: {  	s25 =	sadd.s32 $0x1902, s20;
	v18 =	vadd.s32 s30, v58;
	v38 =	vadd.s32 v28, v43;
	[tilespmem:v13+s4+$0x0] =	vst.idx.msk $0xffff, v29;
	v13 =	vadd.s32 v30, v40  }
0x89: {  	s28 =	sadd.s32 $0x4B01, s19;
	s29 =	sadd.s32 $0x4B02, s19;
	v56 =	vadd.s32 s25, v58;
	s25 =	sadd.s32 $0x4B00, s19;
	[tilespmem:v3+s4+$0x0] =	vst.idx.msk $0xffff, v59;
	v40 =	vmul.u32 v40, v13;
	v13 =	vadd.s32 v13, v53  }
0x8a: {  	v36 =	vadd.s32 s28, v58;
	s21 =	smov.u32 s19;
	s19 =	smov.u32 s18;
	s18 =	smov.u32 s20;
	v34 =	vadd.s32 v34, v62;
	v21 =	vmovc v39;
	v52 =	vmul.u32 v53, v13;
	v53 =	vld.idx.msk [tilespmem:v6+s4+$0x0], $0xffff  }
0x8b: {  	s28 =	sadd.s32 $0x2583, s18;
	v32 =	vadd.s32 v16, v60;
	v39 =	vmul.u32 v43, v38;
	v43 =	vmul.u32 v62, v34;
	v62 =	vld.idx.msk [tilespmem:v9+s4+$0x0], $0xffff  }
0x8c: {  	v20 =	vmov v8;
	[tilespmem:v49+s4+$0x0] =	vst.idx.msk $0xffff, v61;
	v8 =	vadd.s32 s28, v58;
	v30 =	vmul.u32 v60, v32  }
0x8d: {  	s26 =	sadd.s32 $0xC83, s20;
	[tilespmem:$0x1FFF0] =	vst v8;
	v59 =	vld.idx.msk [tilespmem:v18+s4+$0x0], $0xffff  }
0x8e: {  	v54 =	vadd.s32 s26, v58;
	s26 =	sadd.s32 $0x1903, s20;
	v51 =	vmul.u32 v46, v57;
	v46 =	vadd.s32 s25, v58;
	v60 =	vld.idx.msk [tilespmem:v1+s4+$0x0], $0xffff;
	[tilespmem:v4+s4+$0x0] =	vst.idx.msk $0xffff, v30  }
0x8f: {  	v23 =	vadd.s32 s26, v58;
	s26 =	sadd.s32 $0x2582, s18;
	[tilespmem:v10+s4+$0x0] =	vst.idx.msk $0xffff, v40;
	v10 =	vmovc v11;
	v11 =	vmov v0;
	v0 =	vadd.s32 v57, v53  }
0x90: {  	v8 =	vld [tilespmem:$0x1FFC0];
	v3 =	vmovc v26;
	v26 =	vadd.s32 s26, v58;
	[tilespmem:v2+s4+$0x0] =	vst.idx.msk $0xffff, v43;
	v2 =	vmov v48;
	v48 =	vadd.s32 v0, v62  }
0x91: {  	s31 =	sadd.s32 $0x1901, s20;
	[tilespmem:$0x1FFE0] =	vst v26;
	v16 =	vmovc v7;
	v7 =	vmov v54;
	v54 =	vmul.u32 v53, v0;
	v0 =	vmul.u32 v62, v48;
	v62 =	vld [tilespmem:$0x1FFB0]  }
0x92: {  	v35 =	vadd.s32 s29, v58;
	v55 =	vadd.s32 s31, v58;
	v14 =	vld.idx.msk [tilespmem:v42+s4+$0x0], $0xffff;
	[tilespmem:v50+s4+$0x0] =	vst.idx.msk $0xffff, v12;
	v43 =	vadd.s32 v5, v59  }
0x93: {  	s31 =	sadd.s32 $0x4B03, s21;
	v13 =	vadd.s32 v13, v41;
	v49 =	vld.idx.msk [tilespmem:v46+s4+$0x0], $0xffff;
	v5 =	vadd.s32 v34, v60;
	v59 =	vmul.u32 v59, v43  }
0x94: {  	p0 =	slt.u32 s22, $0xC4;
	s25 =	sadd.s32 $0x2581, s18;
	s29 =	sadd.s32 $0x3200, s18;
	v33 =	vadd.s32 s31, v58;
	v4 =	vmov v47;
	[tilespmem:v15+s4+$0x0] =	vst.idx.msk $0xffff, v51;
	v47 =	vld.idx.msk [tilespmem:v17+s4+$0x0], $0xffff;
	v34 =	vmul.u32 v60, v5  }
.Ltmp3:
0x95: {  	s23 =	smov.u32 s22;
	s24 =	sadd.s32 $0x2580, s18;
	v28 =	vadd.s32 s25, v58;
	v61 =	vadd.s32 s29, v58;
	v30 =	vadd.s32 v13, v63;
	[tilespmem:v18+s4+$0x0] =	vst.idx.msk $0xffff, v59;
	(pc) =	sbr.rel @p0 .LBB2_4-.Ltmp3, $4  }
0x96: {  	s20 =	smov.u32 s23;
	s31 =	sadd.s32 $0x3202, s18;
	v29 =	vadd.s32 s24, v58;
	v40 =	vmul.u32 v41, v13;
	v44 =	vmul.u32 v63, v30;
	[tilespmem:v1+s4+$0x0] =	vst.idx.msk $0xffff, v34  }
0x97: {  	s30 =	sadd.s32 $0x3201, s18;
	v50 =	vld.idx.msk [tilespmem:v45+s4+$0x0], $0xffff;
	v41 =	vadd.s32 s20, v58;
	v5 =	vadd.s32 v5, v14;
	v60 =	vadd.s32 s31, v58;
	[tilespmem:v6+s4+$0x0] =	vst.idx.msk $0xffff, v54  }
0x98: {  	v18 =	vmovc v19;
	v19 =	vmovc v45;
	v59 =	vadd.s32 s30, v58;
	v57 =	vmul.u32 v14, v5;
	v1 =	vmov v8;
	v54 =	vld.idx.msk [tilespmem:v24+s4+$0x0], $0xffff  }
0x99: {  	s22 =	sadd.s32 $0x4, s22;
	s23 =	sadd.s32 $0x1, s20;
	v8 =	vmov v56;
	v6 =	vmov v55;
	[tilespmem:v9+s4+$0x0] =	vst.idx.msk $0xffff, v0;
	v34 =	vadd.s32 v5, v47;
	v45 =	vld.idx.msk [tilespmem:v62+s4+$0x0], $0xffff  }
0x9a: {  	_ =	sdelay $0x3  }
0x9b: {  	v5 =	vld.idx.msk [tilespmem:v36+s4+$0x0], $0xffff;
	[tilespmem:v42+s4+$0x0] =	vst.idx.msk $0xffff, v57  }
0x9c: {  	v0 =	vmul.u32 v47, v34;
	v10 =	vadd.s32 v10, v49;
	[tilespmem:v31+s4+$0x0] =	vst.idx.msk $0xffff, v52;
	v52 =	vld.idx.msk [tilespmem:v27+s4+$0x0], $0xffff  }
0x9d: {  	v12 =	vadd.s32 s23, v58;
	s28 =	sadd.s32 $0x5782, s21;
	[tilespmem:v25+s4+$0x0] =	vst.idx.msk $0xffff, v44;
	v14 =	vld.idx.msk [tilespmem:v35+s4+$0x0], $0xffff;
	v15 =	vmul.u32 v49, v10  }
0x9e: {  	s22 =	sadd.s32 $0x2, s20;
	s31 =	sadd.s32 $0xC80, s20;
	v49 =	vld.idx.msk [tilespmem:v41+s4+$0x0], $0xffff;
	v55 =	vadd.s32 s28, v58;
	[tilespmem:v17+s4+$0x0] =	vst.idx.msk $0xffff, v0;
	v37 =	vadd.s32 v37, v50  }
0x9f: {  	s24 =	sadd.s32 $0x5780, s21;
	[tilespmem:v22+s4+$0x0] =	vst.idx.msk $0xffff, v39;
	v42 =	vadd.s32 s31, v58;
	v0 =	vadd.s32 s22, v58;
	v47 =	vld.idx.msk [tilespmem:v33+s4+$0x0], $0xffff;
	v51 =	vadd.s32 v37, v54  }
0xa0: {  	s25 =	sadd.s32 $0x3, s20;
	[tilespmem:v46+s4+$0x0] =	vst.idx.msk $0xffff, v15;
	v31 =	vmul.u32 v50, v37;
	v50 =	vadd.s32 s24, v58;
	v48 =	vadd.s32 v48, v45  }
0xa1: {  	s26 =	sadd.s32 $0x5781, s21;
	v46 =	vld.idx.msk [tilespmem:v11+s4+$0x0], $0xffff;
	v37 =	vadd.s32 s25, v58;
	s24 =	sadd.s32 $0x3E80, s18;
	v57 =	vmul.u32 v54, v51;
	v15 =	vmul.u32 v45, v48  }
0xa2: {  	v54 =	vadd.s32 s26, v58;
	v17 =	vadd.s32 s24, v58;
	s24 =	sadd.s32 $0xC81, s20;
	v10 =	vadd.s32 v10, v5;
	v53 =	vld.idx.msk [tilespmem:v12+s4+$0x0], $0xffff;
	[tilespmem:v19+s4+$0x0] =	vst.idx.msk $0xffff, v31  }
0xa3: {  	v31 =	vadd.s32 s24, v58;
	v63 =	vadd.s32 v10, v14;
	v5 =	vmul.u32 v5, v10;
	[tilespmem:v62+s4+$0x0] =	vst.idx.msk $0xffff, v15  }
0xa4: {  	[tilespmem:v24+s4+$0x0] =	vst.idx.msk $0xffff, v57;
	v57 =	vadd.s32 v51, v52;
	v10 =	vmul.u32 v14, v63;
	v56 =	vld.idx.msk [tilespmem:v21+s4+$0x0], $0xffff  }
0xa5: {  	v14 =	vld.idx.msk [tilespmem:v20+s4+$0x0], $0xffff;
	v45 =	vadd.s32 v63, v47;
	[tilespmem:v36+s4+$0x0] =	vst.idx.msk $0xffff, v5;
	v63 =	vmul.u32 v52, v57  }
0xa6: {  	s25 =	sadd.s32 $0xC82, s20;
	s26 =	sadd.s32 $0xC83, s20;
	v38 =	vadd.s32 v38, v49;
	v5 =	vld.idx.msk [tilespmem:v50+s4+$0x0], $0xffff;
	[tilespmem:v35+s4+$0x0] =	vst.idx.msk $0xffff, v10;
	v62 =	vmul.u32 v47, v45  }
0xa7: {  	s29 =	sadd.s32 $0x3203, s18;
	s30 =	sadd.s32 $0x3E81, s18;
	v19 =	vadd.s32 s25, v58;
	v25 =	vadd.s32 s26, v58;
	v39 =	vmul.u32 v49, v38;
	v49 =	vld.idx.msk [tilespmem:v3+s4+$0x0], $0xffff;
	[tilespmem:v27+s4+$0x0] =	vst.idx.msk $0xffff, v63  }
0xa8: {  	v24 =	vadd.s32 s29, v58;
	v15 =	vadd.s32 s30, v58;
	v26 =	vadd.s32 v38, v53;
	v38 =	vld.idx.msk [tilespmem:v0+s4+$0x0], $0xffff;
	[tilespmem:v33+s4+$0x0] =	vst.idx.msk $0xffff, v62  }
0xa9: {  	v47 =	vmul.u32 v53, v26;
	v33 =	vadd.s32 v48, v46;
	v9 =	vld [tilespmem:$0x1FFD0];
	v35 =	vadd.s32 v57, v56  }
0xaa: {  	v44 =	vld.idx.msk [tilespmem:v54+s4+$0x0], $0xffff;
	[tilespmem:v41+s4+$0x0] =	vst.idx.msk $0xffff, v39;
	v57 =	vadd.s32 v32, v14;
	v56 =	vmul.u32 v56, v35  }
0xab: {  	v36 =	vld.idx.msk [tilespmem:v16+s4+$0x0], $0xffff;
	v62 =	vadd.s32 v43, v5;
	[tilespmem:v12+s4+$0x0] =	vst.idx.msk $0xffff, v47;
	v14 =	vmul.u32 v14, v57  }
0xac: {  	v51 =	vld.idx.msk [tilespmem:v55+s4+$0x0], $0xffff;
	v5 =	vmul.u32 v5, v62;
	v27 =	vadd.s32 v57, v49;
	[tilespmem:v21+s4+$0x0] =	vst.idx.msk $0xffff, v56  }
0xad: {  	s24 =	sadd.s32 $0x5783, s21;
	s29 =	sadd.s32 $0x1900, s20;
	v43 =	vld.idx.msk [tilespmem:v37+s4+$0x0], $0xffff;
	v63 =	vadd.s32 v26, v38;
	v49 =	vmul.u32 v49, v27;
	[tilespmem:v20+s4+$0x0] =	vst.idx.msk $0xffff, v14  }
0xae: {  	s28 =	sadd.s32 $0x3E83, s18;
	s30 =	sadd.s32 $0x3E82, s19;
	v22 =	vadd.s32 s29, v58;
	v56 =	vadd.s32 s24, v58;
	v38 =	vmul.u32 v38, v63;
	[tilespmem:v50+s4+$0x0] =	vst.idx.msk $0xffff, v5;
	v48 =	vld.idx.msk [tilespmem:v4+s4+$0x0], $0xffff  }
0xaf: {  	v52 =	vadd.s32 s30, v58;
	v10 =	vadd.s32 s28, v58;
	v47 =	vld.idx.msk [tilespmem:v42+s4+$0x0], $0xffff;
	v32 =	vadd.s32 v62, v44;
	[tilespmem:v3+s4+$0x0] =	vst.idx.msk $0xffff, v49  }
0xb0: {  	v12 =	vadd.s32 v27, v36;
	v57 =	vld.idx.msk [tilespmem:v2+s4+$0x0], $0xffff;
	[tilespmem:v0+s4+$0x0] =	vst.idx.msk $0xffff, v38;
	v0 =	vmul.u32 v44, v32  }
0xb1: {  	v14 =	vadd.s32 v32, v51;
	v36 =	vmul.u32 v36, v12;
	[tilespmem:v9+s4+$0x0] =	vst.idx.msk $0xffff, v40;
	v40 =	vld.idx.msk [tilespmem:v7+s4+$0x0], $0xffff  }
0xb2: {  	v41 =	vmul.u32 v51, v14;
	[tilespmem:v54+s4+$0x0] =	vst.idx.msk $0xffff, v0;
	v54 =	vadd.s32 v63, v43;
	v63 =	vld.idx.msk [tilespmem:v6+s4+$0x0], $0xffff  }
0xb3: {  	s28 =	sadd.s32 $0x4B00, s19;
	[tilespmem:v16+s4+$0x0] =	vst.idx.msk $0xffff, v36;
	v36 =	vmul.u32 v46, v33;
	v32 =	vld.idx.msk [tilespmem:v56+s4+$0x0], $0xffff;
	v27 =	vadd.s32 v12, v48  }
0xb4: {  	v44 =	vadd.s32 s28, v58;
	[tilespmem:v55+s4+$0x0] =	vst.idx.msk $0xffff, v41;
	v9 =	vmov v7;
	v0 =	vld.idx.msk [tilespmem:v1+s4+$0x0], $0xffff;
	v51 =	vmul.u32 v48, v27  }
0xb5: {  	v16 =	vld.idx.msk [tilespmem:v8+s4+$0x0], $0xffff;
	v38 =	vmul.u32 v43, v54;
	[tilespmem:v11+s4+$0x0] =	vst.idx.msk $0xffff, v36;
	v62 =	vadd.s32 v34, v57  }
0xb6: {  	v53 =	vld.idx.msk [tilespmem:v52+s4+$0x0], $0xffff;
	v7 =	vadd.s32 v30, v40;
	[tilespmem:v4+s4+$0x0] =	vst.idx.msk $0xffff, v51;
	v4 =	vmul.u32 v57, v62  }
0xb7: {  	v39 =	vld.idx.msk [tilespmem:v31+s4+$0x0], $0xffff;
	[tilespmem:v37+s4+$0x0] =	vst.idx.msk $0xffff, v38;
	v3 =	vmul.u32 v40, v7;
	v11 =	vadd.s32 v33, v63  }
0xb8: {  	[tilespmem:v2+s4+$0x0] =	vst.idx.msk $0xffff, v4;
	v2 =	vadd.s32 v14, v32;
	v14 =	vld.idx.msk [tilespmem:v18+s4+$0x0], $0xffff;
	v55 =	vmul.u32 v63, v11  }
0xb9: {  	v4 =	vadd.s32 v62, v0;
	[tilespmem:v9+s4+$0x0] =	vst.idx.msk $0xffff, v3;
	v32 =	vmul.u32 v32, v2;
	v54 =	vld.idx.msk [tilespmem:v44+s4+$0x0], $0xffff  }
0xba: {  	s29 =	sadd.s32 $0x4B01, s19;
	v12 =	vld.idx.msk [tilespmem:v19+s4+$0x0], $0xffff;
	v11 =	vadd.s32 v11, v16;
	v0 =	vmul.u32 v0, v4;
	[tilespmem:v6+s4+$0x0] =	vst.idx.msk $0xffff, v55  }
0xbb: {  	v30 =	vadd.s32 s29, v58;
	v4 =	vadd.s32 v4, v53;
	v57 =	vmul.u32 v16, v11;
	[tilespmem:v56+s4+$0x0] =	vst.idx.msk $0xffff, v32  }
0xbc: {  	v36 =	vld.idx.msk [tilespmem:v29+s4+$0x0], $0xffff;
	v5 =	vadd.s32 v7, v47;
	v6 =	vmul.u32 v53, v4;
	[tilespmem:v1+s4+$0x0] =	vst.idx.msk $0xffff, v0  }
0xbd: {  	s30 =	sadd.s32 $0x4B02, s19;
	v0 =	vld.idx.msk [tilespmem:v23+s4+$0x0], $0xffff;
	v1 =	vmul.u32 v47, v5;
	[tilespmem:v8+s4+$0x0] =	vst.idx.msk $0xffff, v57;
	v4 =	vadd.s32 v4, v14  }
0xbe: {  	v9 =	vadd.s32 s30, v58;
	[tilespmem:v52+s4+$0x0] =	vst.idx.msk $0xffff, v6;
	v14 =	vmul.u32 v14, v4;
	v6 =	vadd.s32 v45, v54  }
0xbf: {  	v34 =	vld.idx.msk [tilespmem:v28+s4+$0x0], $0xffff;
	[tilespmem:v42+s4+$0x0] =	vst.idx.msk $0xffff, v1;
	v33 =	vmul.u32 v54, v6  }
0xc0: {  	s25 =	sadd.s32 $0x1902, s20;
	v62 =	vld.idx.msk [tilespmem:v30+s4+$0x0], $0xffff;
	[tilespmem:v18+s4+$0x0] =	vst.idx.msk $0xffff, v14  }
0xc1: {  	s31 =	sadd.s32 $0x1901, s20;
	v26 =	vadd.s32 s25, v58;
	v43 =	vadd.s32 v35, v36;
	v14 =	vld.idx.msk [tilespmem:v25+s4+$0x0], $0xffff;
	[tilespmem:v44+s4+$0x0] =	vst.idx.msk $0xffff, v33  }
0xc2: {  	v21 =	vadd.s32 s31, v58;
	s31 =	sadd.s32 $0x4B03, s19;
	v1 =	vmul.u32 v36, v43;
	v11 =	vadd.s32 v11, v0;
	v16 =	vld [tilespmem:$0x1FFE0]  }
0xc3: {  	s25 =	sadd.s32 $0x5780, s19;
	v48 =	vadd.s32 s31, v58;
	v5 =	vadd.s32 v5, v39;
	v63 =	vld.idx.msk [tilespmem:v9+s4+$0x0], $0xffff;
	v0 =	vmul.u32 v0, v11  }
0xc4: {  	v8 =	vmul.u32 v39, v5;
	v36 =	vadd.s32 s25, v58;
	v18 =	vadd.s32 v43, v34;
	[tilespmem:v29+s4+$0x0] =	vst.idx.msk $0xffff, v1  }
0xc5: {  	s28 =	sadd.s32 $0x5781, s19;
	v5 =	vadd.s32 v5, v12;
	[tilespmem:v23+s4+$0x0] =	vst.idx.msk $0xffff, v0;
	v0 =	vmul.u32 v34, v18  }
0xc6: {  	v50 =	vadd.s32 s28, v58;
	v12 =	vmul.u32 v12, v5;
	v13 =	vld [tilespmem:$0x1FFF0]  }
0xc7: {  	v6 =	vadd.s32 v6, v62;
	v5 =	vadd.s32 v5, v14;
	[tilespmem:v28+s4+$0x0] =	vst.idx.msk $0xffff, v0  }
0xc8: {  	v45 =	vld.idx.msk [tilespmem:v48+s4+$0x0], $0xffff;
	v0 =	vmul.u32 v14, v5;
	v14 =	vadd.s32 v6, v63;
	v6 =	vmul.u32 v62, v6  }
0xc9: {  	v52 =	vld.idx.msk [tilespmem:v36+s4+$0x0], $0xffff;
	[tilespmem:v19+s4+$0x0] =	vst.idx.msk $0xffff, v12;
	v12 =	vmul.u32 v63, v14  }
0xca: {  	s26 =	sadd.s32 $0x1903, s20;
	[tilespmem:v30+s4+$0x0] =	vst.idx.msk $0xffff, v6;
	v47 =	vld.idx.msk [tilespmem:v16+s4+$0x0], $0xffff  }
0xcb: {  	v20 =	vadd.s32 s26, v58;
	[tilespmem:v9+s4+$0x0] =	vst.idx.msk $0xffff, v12;
	v9 =	vld.idx.msk [tilespmem:v50+s4+$0x0], $0xffff  }
0xcc: {  	s26 =	sadd.s32 $0x2583, s20;
	v46 =	vld.idx.msk [tilespmem:v22+s4+$0x0], $0xffff;
	[tilespmem:v31+s4+$0x0] =	vst.idx.msk $0xffff, v8  }
0xcd: {  	s23 =	sadd.s32 $0x2581, s20;
	s24 =	sadd.s32 $0x2582, s20;
	v49 =	vadd.s32 s26, v58;
	v5 =	vld.idx.msk [tilespmem:v21+s4+$0x0], $0xffff  }
0xce: {  	v37 =	vadd.s32 s24, v58;
	v7 =	vadd.s32 s23, v58;
	[tilespmem:v25+s4+$0x0] =	vst.idx.msk $0xffff, v0;
	v0 =	vadd.s32 v14, v45;
	v23 =	vld.idx.msk [tilespmem:v13+s4+$0x0], $0xffff  }
0xcf: {  	s22 =	sadd.s32 $0x2580, s20;
	v19 =	vld.idx.msk [tilespmem:v26+s4+$0x0], $0xffff;
	v2 =	vadd.s32 v2, v52;
	v53 =	vmul.u32 v45, v0;
	v18 =	vadd.s32 v18, v47  }
0xd0: {  	v3 =	vadd.s32 s22, v58;
	s30 =	sadd.s32 $0x5782, s19;
	v14 =	vld.idx.msk [tilespmem:v20+s4+$0x0], $0xffff;
	v63 =	vadd.s32 v2, v9;
	v6 =	vmul.u32 v47, v18  }
0xd1: {  	v1 =	vadd.s32 s30, v58;
	v11 =	vadd.s32 v11, v46;
	[tilespmem:v48+s4+$0x0] =	vst.idx.msk $0xffff, v53;
	v9 =	vmul.u32 v9, v63  }
0xd2: {  	v51 =	vld.idx.msk [tilespmem:v61+s4+$0x0], $0xffff;
	[tilespmem:v16+s4+$0x0] =	vst.idx.msk $0xffff, v6;
	v6 =	vmul.u32 v46, v11;
	v11 =	vadd.s32 v11, v5  }
0xd3: {  	v54 =	vld.idx.msk [tilespmem:v59+s4+$0x0], $0xffff;
	v18 =	vadd.s32 v18, v23;
	[tilespmem:v50+s4+$0x0] =	vst.idx.msk $0xffff, v9;
	v5 =	vmul.u32 v5, v11  }
0xd4: {  	v23 =	vmul.u32 v23, v18;
	v55 =	vld.idx.msk [tilespmem:v60+s4+$0x0], $0xffff;
	[tilespmem:v22+s4+$0x0] =	vst.idx.msk $0xffff, v6;
	v6 =	vadd.s32 v11, v19  }
0xd5: {  	v11 =	vld.idx.msk [tilespmem:v3+s4+$0x0], $0xffff;
	v19 =	vmul.u32 v19, v6;
	[tilespmem:v21+s4+$0x0] =	vst.idx.msk $0xffff, v5;
	v5 =	vadd.s32 v6, v14  }
0xd6: {  	s24 =	sadd.s32 $0x3203, s20;
	[tilespmem:v13+s4+$0x0] =	vst.idx.msk $0xffff, v23;
	v21 =	vld.idx.msk [tilespmem:v7+s4+$0x0], $0xffff;
	v5 =	vmul.u32 v14, v5  }
0xd7: {  	v38 =	vadd.s32 s24, v58;
	s29 =	sadd.s32 $0x3200, s20;
	s22 =	sadd.s32 $0x3202, s20;
	v12 =	vld.idx.msk [tilespmem:v1+s4+$0x0], $0xffff;
	[tilespmem:v26+s4+$0x0] =	vst.idx.msk $0xffff, v19  }
0xd8: {  	s31 =	sadd.s32 $0x3201, s20;
	v57 =	vadd.s32 s22, v58;
	v8 =	vadd.s32 s29, v58;
	v6 =	vadd.s32 v27, v51;
	v26 =	vld.idx.msk [tilespmem:v37+s4+$0x0], $0xffff;
	[tilespmem:v20+s4+$0x0] =	vst.idx.msk $0xffff, v5  }
0xd9: {  	v14 =	vadd.s32 s31, v58;
	v56 =	vmul.u32 v51, v6;
	v6 =	vadd.s32 v6, v54;
	v35 =	vld.idx.msk [tilespmem:v49+s4+$0x0], $0xffff  }
0xda: {  	v33 =	vadd.s32 v6, v55;
	v6 =	vmul.u32 v54, v6;
	v13 =	vadd.s32 v18, v11  }
0xdb: {  	s23 =	sadd.s32 $0x3E82, s18;
	s25 =	sadd.s32 $0x3E80, s20;
	v39 =	vld.idx.msk [tilespmem:v24+s4+$0x0], $0xffff;
	[tilespmem:v61+s4+$0x0] =	vst.idx.msk $0xffff, v56;
	v11 =	vmul.u32 v11, v13;
	v13 =	vadd.s32 v13, v21  }
0xdc: {  	v43 =	vadd.s32 s25, v58;
	v62 =	vadd.s32 s23, v58;
	v41 =	vld.idx.msk [tilespmem:v17+s4+$0x0], $0xffff;
	[tilespmem:v59+s4+$0x0] =	vst.idx.msk $0xffff, v6;
	v42 =	vmul.u32 v21, v13  }
0xdd: {  	v40 =	vadd.s32 v63, v12;
	v45 =	vld.idx.msk [tilespmem:v15+s4+$0x0], $0xffff;
	[tilespmem:v3+s4+$0x0] =	vst.idx.msk $0xffff, v11;
	v3 =	vadd.s32 v13, v26  }
0xde: {  	s29 =	sadd.s32 $0x4B00, s18;
	[tilespmem:v7+s4+$0x0] =	vst.idx.msk $0xffff, v42;
	v7 =	vld.idx.msk [tilespmem:v8+s4+$0x0], $0xffff;
	v11 =	vmul.u32 v26, v3;
	v13 =	vadd.s32 v3, v35  }
0xdf: {  	v46 =	vadd.s32 s29, v58;
	s31 =	sadd.s32 $0x4B01, s18;
	v3 =	vmul.u32 v12, v40;
	v6 =	vld.idx.msk [tilespmem:v14+s4+$0x0], $0xffff;
	v12 =	vmul.u32 v35, v13  }
0xe0: {  	v48 =	vadd.s32 s31, v58;
	v5 =	vmul.u32 v52, v2;
	v2 =	vmul.u32 v55, v33;
	[tilespmem:v37+s4+$0x0] =	vst.idx.msk $0xffff, v11  }
0xe1: {  	v4 =	vadd.s32 v4, v41;
	v13 =	vadd.s32 v33, v39;
	v47 =	vld.idx.msk [tilespmem:v57+s4+$0x0], $0xffff;
	[tilespmem:v49+s4+$0x0] =	vst.idx.msk $0xffff, v12  }
0xe2: {  	s28 =	sadd.s32 $0x3E81, s20;
	[tilespmem:v36+s4+$0x0] =	vst.idx.msk $0xffff, v5;
	v25 =	vmul.u32 v41, v4;
	v18 =	vmul.u32 v39, v13;
	v9 =	vld.idx.msk [tilespmem:v38+s4+$0x0], $0xffff  }
0xe3: {  	[tilespmem:v60+s4+$0x0] =	vst.idx.msk $0xffff, v2;
	v11 =	vadd.s32 s28, v58;
	v4 =	vadd.s32 v4, v45;
	v13 =	vadd.s32 v13, v7  }
0xe4: {  	s21 =	sadd.s32 $0x3E82, s20;
	s30 =	sadd.s32 $0x3E83, s20;
	v44 =	vld.idx.msk [tilespmem:v62+s4+$0x0], $0xffff;
	[tilespmem:v24+s4+$0x0] =	vst.idx.msk $0xffff, v18;
	v5 =	vmul.u32 v7, v13;
	v7 =	vadd.s32 v13, v6  }
0xe5: {  	v12 =	vadd.s32 s30, v58;
	[tilespmem:v17+s4+$0x0] =	vst.idx.msk $0xffff, v25;
	v18 =	vld.idx.msk [tilespmem:v10+s4+$0x0], $0xffff;
	v13 =	vadd.s32 s21, v58;
	v6 =	vmul.u32 v6, v7  }
0xe6: {  	v16 =	vmul.u32 v45, v4;
	v17 =	vld.idx.msk [tilespmem:v46+s4+$0x0], $0xffff;
	[tilespmem:v8+s4+$0x0] =	vst.idx.msk $0xffff, v5;
	v5 =	vadd.s32 v7, v47  }
0xe7: {  	s24 =	sadd.s32 $0x4B00, s20;
	s22 =	sadd.s32 $0x4B02, s18;
	v7 =	vld.idx.msk [tilespmem:v43+s4+$0x0], $0xffff;
	v8 =	vmul.u32 v47, v5;
	v5 =	vadd.s32 v5, v9;
	[tilespmem:v14+s4+$0x0] =	vst.idx.msk $0xffff, v6  }
0xe8: {  	s26 =	sadd.s32 $0x5783, s19;
	s23 =	sadd.s32 $0x4B03, s18;
	v51 =	vadd.s32 s24, v58;
	[tilespmem:v15+s4+$0x0] =	vst.idx.msk $0xffff, v16;
	v6 =	vadd.s32 s22, v58;
	v5 =	vmul.u32 v9, v5;
	v9 =	vld.idx.msk [tilespmem:v11+s4+$0x0], $0xffff  }
0xe9: {  	v2 =	vadd.s32 s26, v58;
	v4 =	vadd.s32 v4, v44;
	v15 =	vld.idx.msk [tilespmem:v48+s4+$0x0], $0xffff;
	v14 =	vadd.s32 s23, v58;
	[tilespmem:v57+s4+$0x0] =	vst.idx.msk $0xffff, v8  }
0xea: {  	s29 =	sadd.s32 $0x4B03, s20;
	s28 =	sadd.s32 $0x5780, s18;
	v8 =	vmul.u32 v44, v4;
	v4 =	vadd.s32 v4, v18;
	v50 =	vld.idx.msk [tilespmem:v13+s4+$0x0], $0xffff;
	[tilespmem:v38+s4+$0x0] =	vst.idx.msk $0xffff, v5  }
0xeb: {  	s25 =	sadd.s32 $0x4B01, s20;
	v55 =	vadd.s32 s29, v58;
	v54 =	vadd.s32 s28, v58;
	v5 =	vmul.u32 v18, v4;
	v52 =	vld.idx.msk [tilespmem:v12+s4+$0x0], $0xffff  }
0xec: {  	v0 =	vadd.s32 v0, v17;
	[tilespmem:v62+s4+$0x0] =	vst.idx.msk $0xffff, v8;
	v8 =	vadd.s32 s25, v58;
	v4 =	vadd.s32 v4, v7  }
0xed: {  	s26 =	sadd.s32 $0x4B02, s20;
	v23 =	vld.idx.msk [tilespmem:v6+s4+$0x0], $0xffff;
	[tilespmem:v10+s4+$0x0] =	vst.idx.msk $0xffff, v5;
	v5 =	vmul.u32 v7, v4;
	v4 =	vadd.s32 v4, v9  }
0xee: {  	v49 =	vld.idx.msk [tilespmem:v2+s4+$0x0], $0xffff;
	v17 =	vmul.u32 v17, v0;
	v10 =	vadd.s32 s26, v58;
	v9 =	vmul.u32 v9, v4  }
0xef: {  	v0 =	vadd.s32 v0, v15;
	v53 =	vld.idx.msk [tilespmem:v14+s4+$0x0], $0xffff;
	[tilespmem:v43+s4+$0x0] =	vst.idx.msk $0xffff, v5;
	v4 =	vadd.s32 v4, v50  }
0xf0: {  	s30 =	sadd.s32 $0x5781, s18;
	v5 =	vld.idx.msk [tilespmem:v51+s4+$0x0], $0xffff;
	[tilespmem:v11+s4+$0x0] =	vst.idx.msk $0xffff, v9;
	v9 =	vmul.u32 v50, v4;
	v4 =	vadd.s32 v4, v52  }
0xf1: {  	s31 =	sadd.s32 $0x5782, s18;
	[tilespmem:v46+s4+$0x0] =	vst.idx.msk $0xffff, v17;
	v11 =	vadd.s32 s30, v58;
	v56 =	vld.idx.msk [tilespmem:v8+s4+$0x0], $0xffff;
	v4 =	vmul.u32 v52, v4  }
0xf2: {  	s21 =	sadd.s32 $0x5783, s18;
	v57 =	vadd.s32 v0, v23;
	v0 =	vmul.u32 v15, v0;
	v15 =	vadd.s32 s31, v58;
	[tilespmem:v13+s4+$0x0] =	vst.idx.msk $0xffff, v9  }
0xf3: {  	s22 =	sadd.s32 $0x5780, s20;
	s23 =	sadd.s32 $0x5781, s20;
	v9 =	vmul.u32 v23, v57;
	v13 =	vadd.s32 s21, v58;
	v59 =	vld.idx.msk [tilespmem:v10+s4+$0x0], $0xffff;
	[tilespmem:v12+s4+$0x0] =	vst.idx.msk $0xffff, v4  }
0xf4: {  	s24 =	sadd.s32 $0x5782, s20;
	v61 =	vadd.s32 s23, v58;
	v4 =	vadd.s32 v57, v53;
	[tilespmem:v48+s4+$0x0] =	vst.idx.msk $0xffff, v0;
	v12 =	vadd.s32 s22, v58;
	v0 =	vld.idx.msk [tilespmem:v55+s4+$0x0], $0xffff  }
0xf5: {  	v60 =	vld.idx.msk [tilespmem:v54+s4+$0x0], $0xffff;
	v62 =	vadd.s32 s24, v58;
	v17 =	vmul.u32 v53, v4;
	v4 =	vadd.s32 v4, v5  }
0xf6: {  	[tilespmem:v6+s4+$0x0] =	vst.idx.msk $0xffff, v9;
	v6 =	vld.idx.msk [tilespmem:v11+s4+$0x0], $0xffff;
	v5 =	vmul.u32 v5, v4;
	v4 =	vadd.s32 v4, v56  }
0xf7: {  	s25 =	sadd.s32 $0x5783, s20;
	v7 =	vadd.s32 v40, v49;
	v9 =	vld.idx.msk [tilespmem:v15+s4+$0x0], $0xffff;
	[tilespmem:v14+s4+$0x0] =	vst.idx.msk $0xffff, v17;
	v14 =	vmul.u32 v56, v4  }
0xf8: {  	v17 =	vld.idx.msk [tilespmem:v13+s4+$0x0], $0xffff;
	[tilespmem:v51+s4+$0x0] =	vst.idx.msk $0xffff, v5;
	v4 =	vadd.s32 v4, v59;
	v5 =	vadd.s32 s25, v58  }
0xf9: {  	v63 =	vmul.u32 v59, v4;
	v4 =	vadd.s32 v4, v0;
	[tilespmem:v8+s4+$0x0] =	vst.idx.msk $0xffff, v14;
	v8 =	vld.idx.msk [tilespmem:v12+s4+$0x0], $0xffff  }
0xfa: {  	[tilespmem:v1+s4+$0x0] =	vst.idx.msk $0xffff, v3;
	v1 =	vadd.s32 v7, v60;
	v0 =	vmul.u32 v0, v4;
	v3 =	vld.idx.msk [tilespmem:v61+s4+$0x0], $0xffff  }
0xfb: {  	v4 =	vmul.u32 v49, v7;
	v7 =	vadd.s32 v1, v6;
	[tilespmem:v10+s4+$0x0] =	vst.idx.msk $0xffff, v63  }
0xfc: {  	v10 =	vadd.s32 v7, v9;
	v6 =	vmul.u32 v6, v7;
	v7 =	vld.idx.msk [tilespmem:v62+s4+$0x0], $0xffff;
	[tilespmem:v55+s4+$0x0] =	vst.idx.msk $0xffff, v0  }
0xfd: {  	[tilespmem:v2+s4+$0x0] =	vst.idx.msk $0xffff, v4;
	v0 =	vmul.u32 v60, v1;
	v1 =	vadd.s32 v10, v17;
	v2 =	vld.idx.msk [tilespmem:v5+s4+$0x0], $0xffff  }
0xfe: {  	v4 =	vmul.u32 v9, v10;
	[tilespmem:v11+s4+$0x0] =	vst.idx.msk $0xffff, v6;
	v6 =	vadd.s32 v1, v8  }
0xff: {  	[tilespmem:v54+s4+$0x0] =	vst.idx.msk $0xffff, v0;
	v0 =	vmul.u32 v17, v1;
	v1 =	vadd.s32 v6, v3  }
0x100: {  	[tilespmem:v15+s4+$0x0] =	vst.idx.msk $0xffff, v4;
	v3 =	vmul.u32 v3, v1  }
0x101: {  	[tilespmem:v13+s4+$0x0] =	vst.idx.msk $0xffff, v0;
	v0 =	vmul.u32 v8, v6;
	v1 =	vadd.s32 v1, v7  }
0x102: {  	v4 =	vmul.u32 v7, v1;
	[tilespmem:v61+s4+$0x0] =	vst.idx.msk $0xffff, v3;
	v1 =	vadd.s32 v1, v2  }
0x103: {  	[tilespmem:v12+s4+$0x0] =	vst.idx.msk $0xffff, v0;
	v0 =	vmul.u32 v2, v1  }
0x104: {  	[tilespmem:v62+s4+$0x0] =	vst.idx.msk $0xffff, v4  }
0x105: {  	s26 =	simm.s32 $0x0;
	[tilespmem:v5+s4+$0x0] =	vst.idx.msk $0xffff, v0  }
0x106: {  	v0 =	vld.idx.msk [tilespmem:v58+s26+$0x0], $0xffff;
	_ =	sdelay $0x4  }
0x107: {  	vm0 =	vlt.s32 v0, $0x3E7  }
0x108: {  	v0 =	vnsel vm0, $0x3E7, v0  }
0x109: {  	v1 =	vmul.u32 $0x41, v0  }
0x10a: {  	s28 =	simm.s32 $0x7  }
0x10b: {  	s29 =	simm.s32 $0x1;
	v0 =	vadd.s32 s28, v1  }
0x10c: {  	s30 =	simm.s32 $0x2;
	v2 =	vadd.s32 s29, v1  }
0x10d: {  	s31 =	simm.s32 $0x3;
	v3 =	vadd.s32 s30, v1  }
0x10e: {  	s20 =	simm.s32 $0x4;
	v4 =	vadd.s32 s31, v1  }
0x10f: {  	s21 =	simm.s32 $0x5;
	v5 =	vadd.s32 s20, v1  }
0x110: {  	s22 =	simm.s32 $0x6;
	v6 =	vadd.s32 s21, v1;
	v0 =	vld.idx.msk [tilespmem:v0+s9+$0x0], $0xffff  }
0x111: {  	v7 =	vadd.s32 s22, v1;
	v2 =	vld.idx.msk [tilespmem:v2+s9+$0x0], $0xffff  }
0x112: {  	s23 =	simm.s32 $0xF;
	v8 =	vadd.s32 s26, v1;
	v3 =	vld.idx.msk [tilespmem:v3+s9+$0x0], $0xffff  }
0x113: {  	s25 =	simm.s32 $0xA;
	v9 =	vadd.s32 s23, v1;
	v10 =	vld.idx.msk [tilespmem:v4+s9+$0x0], $0xffff  }
0x114: {  	s24 =	simm.s32 $0x9;
	v15 =	vadd.s32 s25, v1;
	v14 =	vld.idx.msk [tilespmem:v5+s9+$0x0], $0xffff  }
0x115: {  	s18 =	simm.s32 $0x16400;
	v13 =	vadd.s32 s24, v1;
	s26 =	simm.s32 $0xB;
	v6 =	vld.idx.msk [tilespmem:v6+s9+$0x0], $0xffff  }
0x116: {  	s28 =	simm.s32 $0xC;
	v11 =	vadd.s32 s26, v1;
	v5 =	vld.idx.msk [tilespmem:v7+s9+$0x0], $0xffff;
	[tilespmem:s18+$0x180] =	vst v0  }
0x117: {  	s29 =	simm.s32 $0xD;
	v12 =	vadd.s32 s28, v1;
	v4 =	vld.idx.msk [tilespmem:v8+s9+$0x0], $0xffff;
	[tilespmem:s18+$0xFFFFFE80] =	vst v2  }
0x118: {  	s31 =	simm.s32 $0xE;
	v2 =	vld.idx.msk [tilespmem:v9+s9+$0x0], $0xffff;
	[tilespmem:s18+$0xFFFFFF00] =	vst v3;
	v9 =	vadd.s32 s29, v1  }
0x119: {  	s30 =	simm.s32 $0x8;
	v7 =	vld.idx.msk [tilespmem:v15+s9+$0x0], $0xffff;
	[tilespmem:s18+$0xFFFFFF80] =	vst v10;
	v10 =	vadd.s32 s31, v1  }
0x11a: {  	s19 =	simm.s32 $0x10;
	s21 =	simm.s32 $0x17;
	s20 =	simm.s32 $0x18;
	v8 =	vadd.s32 s30, v1;
	v3 =	vld.idx.msk [tilespmem:v13+s9+$0x0], $0xffff;
	[tilespmem:s18+$0x0] =	vst v14  }
.LBB2_6:
0x11b: {  	p0 =	slt.u32 s20, $0x38;
	s22 =	sadd.s32 $0x1, s19;
	v0 =	vadd.s32 s21, v1;
	v13 =	vld.idx.msk [tilespmem:v11+s9+$0x0], $0xffff;
	[tilespmem:s18+$0x80] =	vst v6  }
0x11c: {  	s21 =	sadd.s32 $0x2, s19;
	v14 =	vadd.s32 s22, v1;
	v15 =	vld.idx.msk [tilespmem:v12+s9+$0x0], $0xffff;
	[tilespmem:s18+$0x100] =	vst v5  }
0x11d: {  	v16 =	vadd.s32 s21, v1;
	s21 =	sadd.s32 $0x3, s19;
	v6 =	vld.idx.msk [tilespmem:v9+s9+$0x0], $0xffff;
	[tilespmem:s18+$0xFFFFFE00] =	vst v4;
	s18 =	sadd.s32 $0x400, s18  }
.Ltmp4:
0x11e: {  	v11 =	vadd.s32 s21, v1;
	s21 =	sadd.s32 $0x4, s19;
	v5 =	vld.idx.msk [tilespmem:v10+s9+$0x0], $0xffff;
	[tilespmem:s18+$0x180] =	vst v2;
	(pc) =	sbr.rel @p0 .LBB2_6-.Ltmp4, $4  }
0x11f: {  	v12 =	vadd.s32 s21, v1;
	s21 =	sadd.s32 $0x5, s19;
	v4 =	vld.idx.msk [tilespmem:v8+s9+$0x0], $0xffff;
	[tilespmem:s18+$0xFFFFFE80] =	vst v3  }
0x120: {  	v9 =	vadd.s32 s21, v1;
	s21 =	sadd.s32 $0x6, s19;
	v2 =	vld.idx.msk [tilespmem:v0+s9+$0x0], $0xffff;
	[tilespmem:s18+$0xFFFFFF00] =	vst v7  }
0x121: {  	v10 =	vadd.s32 s21, v1;
	v3 =	vld.idx.msk [tilespmem:v14+s9+$0x0], $0xffff;
	[tilespmem:s18+$0xFFFFFF80] =	vst v13  }
0x122: {  	v8 =	vadd.s32 s19, v1;
	s19 =	smov.u32 s20;
	s21 =	sadd.s32 $0x7, s20;
	s20 =	sadd.s32 $0x8, s20;
	v7 =	vld.idx.msk [tilespmem:v16+s9+$0x0], $0xffff;
	[tilespmem:s18+$0x0] =	vst v15  }
0x123: {  	_ =	sdelay $0x2  }
0x124: {  	[tilespmem:s18+$0x80] =	vst v6  }
0x125: {  	s20 =	sadd.s32 $0x1, s19;
	v0 =	vadd.s32 s21, v1;
	v6 =	vld.idx.msk [tilespmem:v11+s9+$0x0], $0xffff;
	[tilespmem:s18+$0x100] =	vst v5  }
0x126: {  	s21 =	sadd.s32 $0x2, s19;
	v11 =	vld.idx.msk [tilespmem:v12+s9+$0x0], $0xffff;
	s22 =	sadd.s32 $0x400, s18;
	v5 =	vadd.s32 s20, v1;
	[tilespmem:s18+$0xFFFFFE00] =	vst v4  }
0x127: {  	s23 =	sadd.s32 $0x3, s19;
	v9 =	vld.idx.msk [tilespmem:v9+s9+$0x0], $0xffff;
	v4 =	vadd.s32 s21, v1;
	[tilespmem:s22+$0x180] =	vst v2  }
0x128: {  	s24 =	sadd.s32 $0x4, s19;
	v10 =	vld.idx.msk [tilespmem:v10+s9+$0x0], $0xffff;
	v2 =	vadd.s32 s23, v1;
	[tilespmem:s22+$0xFFFFFE80] =	vst v3  }
0x129: {  	s25 =	sadd.s32 $0x5, s19;
	v8 =	vld.idx.msk [tilespmem:v8+s9+$0x0], $0xffff;
	v3 =	vadd.s32 s24, v1;
	[tilespmem:s22+$0xFFFFFF00] =	vst v7  }
0x12a: {  	s26 =	sadd.s32 $0x6, s19;
	v7 =	vadd.s32 s25, v1;
	v0 =	vld.idx.msk [tilespmem:v0+s9+$0x0], $0xffff;
	[tilespmem:s22+$0xFFFFFF80] =	vst v6  }
0x12b: {  	v6 =	vadd.s32 s26, v1;
	[tilespmem:s22+$0x0] =	vst v11;
	v5 =	vld.idx.msk [tilespmem:v5+s9+$0x0], $0xffff  }
0x12c: {  	v1 =	vadd.s32 s19, v1;
	[tilespmem:s22+$0x80] =	vst v9;
	v4 =	vld.idx.msk [tilespmem:v4+s9+$0x0], $0xffff  }
0x12d: {  	[tilespmem:s22+$0x100] =	vst v10;
	v2 =	vld.idx.msk [tilespmem:v2+s9+$0x0], $0xffff  }
0x12e: {  	s18 =	sadd.s32 $0x400, s22;
	[tilespmem:s22+$0xFFFFFE00] =	vst v8;
	v3 =	vld.idx.msk [tilespmem:v3+s9+$0x0], $0xffff  }
0x12f: {  	v7 =	vld.idx.msk [tilespmem:v7+s9+$0x0], $0xffff;
	[tilespmem:s18+$0x180] =	vst v0  }
0x130: {  	v0 =	vld.idx.msk [tilespmem:v6+s9+$0x0], $0xffff;
	[tilespmem:s18+$0xFFFFFE80] =	vst v5  }
0x131: {  	v1 =	vld.idx.msk [tilespmem:v1+s9+$0x0], $0xffff;
	[tilespmem:s18+$0xFFFFFF00] =	vst v4  }
0x132: {  	[tilespmem:s18+$0xFFFFFF80] =	vst v2;
	v2 =	vadd.s32 $0xC80, v58  }
0x133: {  	[tilespmem:s18+$0x0] =	vst v3  }
0x134: {  	[tilespmem:s18+$0x80] =	vst v7  }
0x135: {  	[tilespmem:s18+$0x100] =	vst v0  }
0x136: {  	s28 =	simm.s32 $0x0;
	[tilespmem:s18+$0xFFFFFE00] =	vst v1  }
0x137: {  	v0 =	vld.idx.msk [tilespmem:v2+s28+$0x0], $0xffff;
	_ =	sdelay $0x4  }
0x138: {  	vm0 =	vlt.s32 v0, $0x3E7  }
0x139: {  	v0 =	vnsel vm0, $0x3E7, v0  }
0x13a: {  	v1 =	vmul.u32 $0x41, v0  }
0x13b: {  	s29 =	simm.s32 $0x7  }
0x13c: {  	s30 =	simm.s32 $0x1;
	v0 =	vadd.s32 s29, v1  }
0x13d: {  	s31 =	simm.s32 $0x2;
	v2 =	vadd.s32 s30, v1  }
0x13e: {  	s20 =	simm.s32 $0x3;
	v3 =	vadd.s32 s31, v1  }
0x13f: {  	s21 =	simm.s32 $0x4;
	v4 =	vadd.s32 s20, v1  }
0x140: {  	s22 =	simm.s32 $0x5;
	v5 =	vadd.s32 s21, v1  }
0x141: {  	s23 =	simm.s32 $0x6;
	v6 =	vadd.s32 s22, v1;
	v0 =	vld.idx.msk [tilespmem:v0+s9+$0x0], $0xffff  }
0x142: {  	v7 =	vadd.s32 s23, v1;
	v2 =	vld.idx.msk [tilespmem:v2+s9+$0x0], $0xffff  }
0x143: {  	s24 =	simm.s32 $0xF;
	v8 =	vadd.s32 s28, v1;
	v3 =	vld.idx.msk [tilespmem:v3+s9+$0x0], $0xffff  }
0x144: {  	s26 =	simm.s32 $0xA;
	v9 =	vadd.s32 s24, v1;
	v10 =	vld.idx.msk [tilespmem:v4+s9+$0x0], $0xffff  }
0x145: {  	s25 =	simm.s32 $0x9;
	v15 =	vadd.s32 s26, v1;
	v14 =	vld.idx.msk [tilespmem:v5+s9+$0x0], $0xffff  }
0x146: {  	s18 =	simm.s32 $0x16410;
	v13 =	vadd.s32 s25, v1;
	s28 =	simm.s32 $0xB;
	v6 =	vld.idx.msk [tilespmem:v6+s9+$0x0], $0xffff  }
0x147: {  	s29 =	simm.s32 $0xC;
	v11 =	vadd.s32 s28, v1;
	v5 =	vld.idx.msk [tilespmem:v7+s9+$0x0], $0xffff;
	[tilespmem:s18+$0x180] =	vst v0  }
0x148: {  	s30 =	simm.s32 $0xD;
	v12 =	vadd.s32 s29, v1;
	v4 =	vld.idx.msk [tilespmem:v8+s9+$0x0], $0xffff;
	[tilespmem:s18+$0xFFFFFE80] =	vst v2  }
0x149: {  	s31 =	simm.s32 $0xE;
	v2 =	vld.idx.msk [tilespmem:v9+s9+$0x0], $0xffff;
	[tilespmem:s18+$0xFFFFFF00] =	vst v3;
	v9 =	vadd.s32 s30, v1  }
0x14a: {  	s22 =	simm.s32 $0x8;
	v7 =	vld.idx.msk [tilespmem:v15+s9+$0x0], $0xffff;
	[tilespmem:s18+$0xFFFFFF80] =	vst v10;
	v10 =	vadd.s32 s31, v1  }
0x14b: {  	s19 =	simm.s32 $0x10;
	s21 =	simm.s32 $0x17;
	s20 =	simm.s32 $0x18;
	v8 =	vadd.s32 s22, v1;
	v3 =	vld.idx.msk [tilespmem:v13+s9+$0x0], $0xffff;
	[tilespmem:s18+$0x0] =	vst v14  }
.LBB2_8:
0x14c: {  	p0 =	slt.u32 s20, $0x38;
	s22 =	sadd.s32 $0x1, s19;
	v0 =	vadd.s32 s21, v1;
	v13 =	vld.idx.msk [tilespmem:v11+s9+$0x0], $0xffff;
	[tilespmem:s18+$0x80] =	vst v6  }
0x14d: {  	s21 =	sadd.s32 $0x2, s19;
	v14 =	vadd.s32 s22, v1;
	v15 =	vld.idx.msk [tilespmem:v12+s9+$0x0], $0xffff;
	[tilespmem:s18+$0x100] =	vst v5  }
0x14e: {  	v16 =	vadd.s32 s21, v1;
	s21 =	sadd.s32 $0x3, s19;
	v6 =	vld.idx.msk [tilespmem:v9+s9+$0x0], $0xffff;
	[tilespmem:s18+$0xFFFFFE00] =	vst v4;
	s18 =	sadd.s32 $0x400, s18  }
.Ltmp5:
0x14f: {  	v11 =	vadd.s32 s21, v1;
	s21 =	sadd.s32 $0x4, s19;
	v5 =	vld.idx.msk [tilespmem:v10+s9+$0x0], $0xffff;
	[tilespmem:s18+$0x180] =	vst v2;
	(pc) =	sbr.rel @p0 .LBB2_8-.Ltmp5, $4  }
0x150: {  	v12 =	vadd.s32 s21, v1;
	s21 =	sadd.s32 $0x5, s19;
	v4 =	vld.idx.msk [tilespmem:v8+s9+$0x0], $0xffff;
	[tilespmem:s18+$0xFFFFFE80] =	vst v3  }
0x151: {  	v9 =	vadd.s32 s21, v1;
	s21 =	sadd.s32 $0x6, s19;
	v2 =	vld.idx.msk [tilespmem:v0+s9+$0x0], $0xffff;
	[tilespmem:s18+$0xFFFFFF00] =	vst v7  }
0x152: {  	v10 =	vadd.s32 s21, v1;
	v3 =	vld.idx.msk [tilespmem:v14+s9+$0x0], $0xffff;
	[tilespmem:s18+$0xFFFFFF80] =	vst v13  }
0x153: {  	v8 =	vadd.s32 s19, v1;
	s19 =	smov.u32 s20;
	s21 =	sadd.s32 $0x7, s20;
	s20 =	sadd.s32 $0x8, s20;
	v7 =	vld.idx.msk [tilespmem:v16+s9+$0x0], $0xffff;
	[tilespmem:s18+$0x0] =	vst v15  }
0x154: {  	_ =	sdelay $0x2  }
0x155: {  	[tilespmem:s18+$0x80] =	vst v6  }
0x156: {  	s20 =	sadd.s32 $0x1, s19;
	v0 =	vadd.s32 s21, v1;
	v6 =	vld.idx.msk [tilespmem:v11+s9+$0x0], $0xffff;
	[tilespmem:s18+$0x100] =	vst v5  }
0x157: {  	s21 =	sadd.s32 $0x2, s19;
	v11 =	vld.idx.msk [tilespmem:v12+s9+$0x0], $0xffff;
	s22 =	sadd.s32 $0x400, s18;
	v5 =	vadd.s32 s20, v1;
	[tilespmem:s18+$0xFFFFFE00] =	vst v4  }
0x158: {  	s23 =	sadd.s32 $0x3, s19;
	v9 =	vld.idx.msk [tilespmem:v9+s9+$0x0], $0xffff;
	v4 =	vadd.s32 s21, v1;
	[tilespmem:s22+$0x180] =	vst v2  }
0x159: {  	s24 =	sadd.s32 $0x4, s19;
	v10 =	vld.idx.msk [tilespmem:v10+s9+$0x0], $0xffff;
	v2 =	vadd.s32 s23, v1;
	[tilespmem:s22+$0xFFFFFE80] =	vst v3  }
0x15a: {  	s25 =	sadd.s32 $0x5, s19;
	v8 =	vld.idx.msk [tilespmem:v8+s9+$0x0], $0xffff;
	v3 =	vadd.s32 s24, v1;
	[tilespmem:s22+$0xFFFFFF00] =	vst v7  }
0x15b: {  	s26 =	sadd.s32 $0x6, s19;
	v7 =	vadd.s32 s25, v1;
	v0 =	vld.idx.msk [tilespmem:v0+s9+$0x0], $0xffff;
	[tilespmem:s22+$0xFFFFFF80] =	vst v6  }
0x15c: {  	v6 =	vadd.s32 s26, v1;
	[tilespmem:s22+$0x0] =	vst v11;
	v5 =	vld.idx.msk [tilespmem:v5+s9+$0x0], $0xffff  }
0x15d: {  	v1 =	vadd.s32 s19, v1;
	[tilespmem:s22+$0x80] =	vst v9;
	v4 =	vld.idx.msk [tilespmem:v4+s9+$0x0], $0xffff  }
0x15e: {  	[tilespmem:s22+$0x100] =	vst v10;
	v2 =	vld.idx.msk [tilespmem:v2+s9+$0x0], $0xffff  }
0x15f: {  	s18 =	sadd.s32 $0x400, s22;
	[tilespmem:s22+$0xFFFFFE00] =	vst v8;
	v3 =	vld.idx.msk [tilespmem:v3+s9+$0x0], $0xffff  }
0x160: {  	v7 =	vld.idx.msk [tilespmem:v7+s9+$0x0], $0xffff;
	[tilespmem:s18+$0x180] =	vst v0  }
0x161: {  	v0 =	vld.idx.msk [tilespmem:v6+s9+$0x0], $0xffff;
	[tilespmem:s18+$0xFFFFFE80] =	vst v5  }
0x162: {  	v1 =	vld.idx.msk [tilespmem:v1+s9+$0x0], $0xffff;
	[tilespmem:s18+$0xFFFFFF00] =	vst v4  }
0x163: {  	[tilespmem:s18+$0xFFFFFF80] =	vst v2;
	v2 =	vadd.s32 $0x1900, v58  }
0x164: {  	[tilespmem:s18+$0x0] =	vst v3  }
0x165: {  	[tilespmem:s18+$0x80] =	vst v7  }
0x166: {  	[tilespmem:s18+$0x100] =	vst v0  }
0x167: {  	s28 =	simm.s32 $0x0;
	[tilespmem:s18+$0xFFFFFE00] =	vst v1  }
0x168: {  	v0 =	vld.idx.msk [tilespmem:v2+s28+$0x0], $0xffff;
	_ =	sdelay $0x4  }
0x169: {  	vm0 =	vlt.s32 v0, $0x3E7  }
0x16a: {  	v0 =	vnsel vm0, $0x3E7, v0  }
0x16b: {  	v1 =	vmul.u32 $0x41, v0  }
0x16c: {  	s29 =	simm.s32 $0x7  }
0x16d: {  	s30 =	simm.s32 $0x1;
	v0 =	vadd.s32 s29, v1  }
0x16e: {  	s31 =	simm.s32 $0x2;
	v2 =	vadd.s32 s30, v1  }
0x16f: {  	s20 =	simm.s32 $0x3;
	v3 =	vadd.s32 s31, v1  }
0x170: {  	s21 =	simm.s32 $0x4;
	v4 =	vadd.s32 s20, v1  }
0x171: {  	s22 =	simm.s32 $0x5;
	v5 =	vadd.s32 s21, v1  }
0x172: {  	s23 =	simm.s32 $0x6;
	v6 =	vadd.s32 s22, v1;
	v0 =	vld.idx.msk [tilespmem:v0+s9+$0x0], $0xffff  }
0x173: {  	v7 =	vadd.s32 s23, v1;
	v2 =	vld.idx.msk [tilespmem:v2+s9+$0x0], $0xffff  }
0x174: {  	s24 =	simm.s32 $0xF;
	v8 =	vadd.s32 s28, v1;
	v3 =	vld.idx.msk [tilespmem:v3+s9+$0x0], $0xffff  }
0x175: {  	s26 =	simm.s32 $0xA;
	v9 =	vadd.s32 s24, v1;
	v10 =	vld.idx.msk [tilespmem:v4+s9+$0x0], $0xffff  }
0x176: {  	s25 =	simm.s32 $0x9;
	v15 =	vadd.s32 s26, v1;
	v14 =	vld.idx.msk [tilespmem:v5+s9+$0x0], $0xffff  }
0x177: {  	s18 =	simm.s32 $0x16420;
	v13 =	vadd.s32 s25, v1;
	s28 =	simm.s32 $0xB;
	v6 =	vld.idx.msk [tilespmem:v6+s9+$0x0], $0xffff  }
0x178: {  	s29 =	simm.s32 $0xC;
	v11 =	vadd.s32 s28, v1;
	v5 =	vld.idx.msk [tilespmem:v7+s9+$0x0], $0xffff;
	[tilespmem:s18+$0x180] =	vst v0  }
0x179: {  	s30 =	simm.s32 $0xD;
	v12 =	vadd.s32 s29, v1;
	v4 =	vld.idx.msk [tilespmem:v8+s9+$0x0], $0xffff;
	[tilespmem:s18+$0xFFFFFE80] =	vst v2  }
0x17a: {  	s31 =	simm.s32 $0xE;
	v2 =	vld.idx.msk [tilespmem:v9+s9+$0x0], $0xffff;
	[tilespmem:s18+$0xFFFFFF00] =	vst v3;
	v9 =	vadd.s32 s30, v1  }
0x17b: {  	s22 =	simm.s32 $0x8;
	v7 =	vld.idx.msk [tilespmem:v15+s9+$0x0], $0xffff;
	[tilespmem:s18+$0xFFFFFF80] =	vst v10;
	v10 =	vadd.s32 s31, v1  }
0x17c: {  	s19 =	simm.s32 $0x10;
	s21 =	simm.s32 $0x17;
	s20 =	simm.s32 $0x18;
	v8 =	vadd.s32 s22, v1;
	v3 =	vld.idx.msk [tilespmem:v13+s9+$0x0], $0xffff;
	[tilespmem:s18+$0x0] =	vst v14  }
.LBB2_10:
0x17d: {  	p0 =	slt.u32 s20, $0x38;
	s22 =	sadd.s32 $0x1, s19;
	v0 =	vadd.s32 s21, v1;
	v13 =	vld.idx.msk [tilespmem:v11+s9+$0x0], $0xffff;
	[tilespmem:s18+$0x80] =	vst v6  }
0x17e: {  	s21 =	sadd.s32 $0x2, s19;
	v14 =	vadd.s32 s22, v1;
	v15 =	vld.idx.msk [tilespmem:v12+s9+$0x0], $0xffff;
	[tilespmem:s18+$0x100] =	vst v5  }
0x17f: {  	v16 =	vadd.s32 s21, v1;
	s21 =	sadd.s32 $0x3, s19;
	v6 =	vld.idx.msk [tilespmem:v9+s9+$0x0], $0xffff;
	[tilespmem:s18+$0xFFFFFE00] =	vst v4;
	s18 =	sadd.s32 $0x400, s18  }
.Ltmp6:
0x180: {  	v11 =	vadd.s32 s21, v1;
	s21 =	sadd.s32 $0x4, s19;
	v5 =	vld.idx.msk [tilespmem:v10+s9+$0x0], $0xffff;
	[tilespmem:s18+$0x180] =	vst v2;
	(pc) =	sbr.rel @p0 .LBB2_10-.Ltmp6, $4  }
0x181: {  	v12 =	vadd.s32 s21, v1;
	s21 =	sadd.s32 $0x5, s19;
	v4 =	vld.idx.msk [tilespmem:v8+s9+$0x0], $0xffff;
	[tilespmem:s18+$0xFFFFFE80] =	vst v3  }
0x182: {  	v9 =	vadd.s32 s21, v1;
	s21 =	sadd.s32 $0x6, s19;
	v2 =	vld.idx.msk [tilespmem:v0+s9+$0x0], $0xffff;
	[tilespmem:s18+$0xFFFFFF00] =	vst v7  }
0x183: {  	v10 =	vadd.s32 s21, v1;
	v3 =	vld.idx.msk [tilespmem:v14+s9+$0x0], $0xffff;
	[tilespmem:s18+$0xFFFFFF80] =	vst v13  }
0x184: {  	v8 =	vadd.s32 s19, v1;
	s19 =	smov.u32 s20;
	s21 =	sadd.s32 $0x7, s20;
	s20 =	sadd.s32 $0x8, s20;
	v7 =	vld.idx.msk [tilespmem:v16+s9+$0x0], $0xffff;
	[tilespmem:s18+$0x0] =	vst v15  }
0x185: {  	_ =	sdelay $0x2  }
0x186: {  	[tilespmem:s18+$0x80] =	vst v6  }
0x187: {  	s20 =	sadd.s32 $0x1, s19;
	v0 =	vadd.s32 s21, v1;
	v6 =	vld.idx.msk [tilespmem:v11+s9+$0x0], $0xffff;
	[tilespmem:s18+$0x100] =	vst v5  }
0x188: {  	s21 =	sadd.s32 $0x2, s19;
	v11 =	vld.idx.msk [tilespmem:v12+s9+$0x0], $0xffff;
	s22 =	sadd.s32 $0x400, s18;
	v5 =	vadd.s32 s20, v1;
	[tilespmem:s18+$0xFFFFFE00] =	vst v4  }
0x189: {  	s23 =	sadd.s32 $0x3, s19;
	v9 =	vld.idx.msk [tilespmem:v9+s9+$0x0], $0xffff;
	v4 =	vadd.s32 s21, v1;
	[tilespmem:s22+$0x180] =	vst v2  }
0x18a: {  	s24 =	sadd.s32 $0x4, s19;
	v10 =	vld.idx.msk [tilespmem:v10+s9+$0x0], $0xffff;
	v2 =	vadd.s32 s23, v1;
	[tilespmem:s22+$0xFFFFFE80] =	vst v3  }
0x18b: {  	s25 =	sadd.s32 $0x5, s19;
	v8 =	vld.idx.msk [tilespmem:v8+s9+$0x0], $0xffff;
	v3 =	vadd.s32 s24, v1;
	[tilespmem:s22+$0xFFFFFF00] =	vst v7  }
0x18c: {  	s26 =	sadd.s32 $0x6, s19;
	v7 =	vadd.s32 s25, v1;
	v0 =	vld.idx.msk [tilespmem:v0+s9+$0x0], $0xffff;
	[tilespmem:s22+$0xFFFFFF80] =	vst v6  }
0x18d: {  	v6 =	vadd.s32 s26, v1;
	[tilespmem:s22+$0x0] =	vst v11;
	v5 =	vld.idx.msk [tilespmem:v5+s9+$0x0], $0xffff  }
0x18e: {  	v1 =	vadd.s32 s19, v1;
	[tilespmem:s22+$0x80] =	vst v9;
	v4 =	vld.idx.msk [tilespmem:v4+s9+$0x0], $0xffff  }
0x18f: {  	[tilespmem:s22+$0x100] =	vst v10;
	v2 =	vld.idx.msk [tilespmem:v2+s9+$0x0], $0xffff  }
0x190: {  	s18 =	sadd.s32 $0x400, s22;
	[tilespmem:s22+$0xFFFFFE00] =	vst v8;
	v3 =	vld.idx.msk [tilespmem:v3+s9+$0x0], $0xffff  }
0x191: {  	v7 =	vld.idx.msk [tilespmem:v7+s9+$0x0], $0xffff;
	[tilespmem:s18+$0x180] =	vst v0  }
0x192: {  	v0 =	vld.idx.msk [tilespmem:v6+s9+$0x0], $0xffff;
	[tilespmem:s18+$0xFFFFFE80] =	vst v5  }
0x193: {  	v1 =	vld.idx.msk [tilespmem:v1+s9+$0x0], $0xffff;
	[tilespmem:s18+$0xFFFFFF00] =	vst v4  }
0x194: {  	[tilespmem:s18+$0xFFFFFF80] =	vst v2;
	v2 =	vadd.s32 $0x2580, v58  }
0x195: {  	[tilespmem:s18+$0x0] =	vst v3  }
0x196: {  	[tilespmem:s18+$0x80] =	vst v7  }
0x197: {  	[tilespmem:s18+$0x100] =	vst v0  }
0x198: {  	s28 =	simm.s32 $0x0;
	[tilespmem:s18+$0xFFFFFE00] =	vst v1  }
0x199: {  	v0 =	vld.idx.msk [tilespmem:v2+s28+$0x0], $0xffff;
	_ =	sdelay $0x4  }
0x19a: {  	vm0 =	vlt.s32 v0, $0x3E7  }
0x19b: {  	v0 =	vnsel vm0, $0x3E7, v0  }
0x19c: {  	v1 =	vmul.u32 $0x41, v0  }
0x19d: {  	s29 =	simm.s32 $0x7  }
0x19e: {  	s30 =	simm.s32 $0x1;
	v0 =	vadd.s32 s29, v1  }
0x19f: {  	s31 =	simm.s32 $0x2;
	v2 =	vadd.s32 s30, v1  }
0x1a0: {  	s20 =	simm.s32 $0x3;
	v3 =	vadd.s32 s31, v1  }
0x1a1: {  	s21 =	simm.s32 $0x4;
	v4 =	vadd.s32 s20, v1  }
0x1a2: {  	s22 =	simm.s32 $0x5;
	v5 =	vadd.s32 s21, v1  }
0x1a3: {  	s23 =	simm.s32 $0x6;
	v6 =	vadd.s32 s22, v1;
	v0 =	vld.idx.msk [tilespmem:v0+s9+$0x0], $0xffff  }
0x1a4: {  	v7 =	vadd.s32 s23, v1;
	v2 =	vld.idx.msk [tilespmem:v2+s9+$0x0], $0xffff  }
0x1a5: {  	s24 =	simm.s32 $0xF;
	v8 =	vadd.s32 s28, v1;
	v3 =	vld.idx.msk [tilespmem:v3+s9+$0x0], $0xffff  }
0x1a6: {  	s26 =	simm.s32 $0xA;
	v9 =	vadd.s32 s24, v1;
	v10 =	vld.idx.msk [tilespmem:v4+s9+$0x0], $0xffff  }
0x1a7: {  	s25 =	simm.s32 $0x9;
	v15 =	vadd.s32 s26, v1;
	v14 =	vld.idx.msk [tilespmem:v5+s9+$0x0], $0xffff  }
0x1a8: {  	s18 =	simm.s32 $0x16430;
	v13 =	vadd.s32 s25, v1;
	s28 =	simm.s32 $0xB;
	v6 =	vld.idx.msk [tilespmem:v6+s9+$0x0], $0xffff  }
0x1a9: {  	s29 =	simm.s32 $0xC;
	v11 =	vadd.s32 s28, v1;
	v5 =	vld.idx.msk [tilespmem:v7+s9+$0x0], $0xffff;
	[tilespmem:s18+$0x180] =	vst v0  }
0x1aa: {  	s30 =	simm.s32 $0xD;
	v12 =	vadd.s32 s29, v1;
	v4 =	vld.idx.msk [tilespmem:v8+s9+$0x0], $0xffff;
	[tilespmem:s18+$0xFFFFFE80] =	vst v2  }
0x1ab: {  	s31 =	simm.s32 $0xE;
	v2 =	vld.idx.msk [tilespmem:v9+s9+$0x0], $0xffff;
	[tilespmem:s18+$0xFFFFFF00] =	vst v3;
	v9 =	vadd.s32 s30, v1  }
0x1ac: {  	s22 =	simm.s32 $0x8;
	v7 =	vld.idx.msk [tilespmem:v15+s9+$0x0], $0xffff;
	[tilespmem:s18+$0xFFFFFF80] =	vst v10;
	v10 =	vadd.s32 s31, v1  }
0x1ad: {  	s19 =	simm.s32 $0x10;
	s21 =	simm.s32 $0x17;
	s20 =	simm.s32 $0x18;
	v8 =	vadd.s32 s22, v1;
	v3 =	vld.idx.msk [tilespmem:v13+s9+$0x0], $0xffff;
	[tilespmem:s18+$0x0] =	vst v14  }
.LBB2_12:
0x1ae: {  	p0 =	slt.u32 s20, $0x38;
	s22 =	sadd.s32 $0x1, s19;
	v0 =	vadd.s32 s21, v1;
	v13 =	vld.idx.msk [tilespmem:v11+s9+$0x0], $0xffff;
	[tilespmem:s18+$0x80] =	vst v6  }
0x1af: {  	s21 =	sadd.s32 $0x2, s19;
	v14 =	vadd.s32 s22, v1;
	v15 =	vld.idx.msk [tilespmem:v12+s9+$0x0], $0xffff;
	[tilespmem:s18+$0x100] =	vst v5  }
0x1b0: {  	v16 =	vadd.s32 s21, v1;
	s21 =	sadd.s32 $0x3, s19;
	v6 =	vld.idx.msk [tilespmem:v9+s9+$0x0], $0xffff;
	[tilespmem:s18+$0xFFFFFE00] =	vst v4;
	s18 =	sadd.s32 $0x400, s18  }
.Ltmp7:
0x1b1: {  	v11 =	vadd.s32 s21, v1;
	s21 =	sadd.s32 $0x4, s19;
	v5 =	vld.idx.msk [tilespmem:v10+s9+$0x0], $0xffff;
	[tilespmem:s18+$0x180] =	vst v2;
	(pc) =	sbr.rel @p0 .LBB2_12-.Ltmp7, $4  }
0x1b2: {  	v12 =	vadd.s32 s21, v1;
	s21 =	sadd.s32 $0x5, s19;
	v4 =	vld.idx.msk [tilespmem:v8+s9+$0x0], $0xffff;
	[tilespmem:s18+$0xFFFFFE80] =	vst v3  }
0x1b3: {  	v9 =	vadd.s32 s21, v1;
	s21 =	sadd.s32 $0x6, s19;
	v2 =	vld.idx.msk [tilespmem:v0+s9+$0x0], $0xffff;
	[tilespmem:s18+$0xFFFFFF00] =	vst v7  }
0x1b4: {  	v10 =	vadd.s32 s21, v1;
	v3 =	vld.idx.msk [tilespmem:v14+s9+$0x0], $0xffff;
	[tilespmem:s18+$0xFFFFFF80] =	vst v13  }
0x1b5: {  	v8 =	vadd.s32 s19, v1;
	s19 =	smov.u32 s20;
	s21 =	sadd.s32 $0x7, s20;
	s20 =	sadd.s32 $0x8, s20;
	v7 =	vld.idx.msk [tilespmem:v16+s9+$0x0], $0xffff;
	[tilespmem:s18+$0x0] =	vst v15  }
0x1b6: {  	_ =	sdelay $0x2  }
0x1b7: {  	[tilespmem:s18+$0x80] =	vst v6  }
0x1b8: {  	s20 =	sadd.s32 $0x1, s19;
	v0 =	vadd.s32 s21, v1;
	v6 =	vld.idx.msk [tilespmem:v11+s9+$0x0], $0xffff;
	[tilespmem:s18+$0x100] =	vst v5  }
0x1b9: {  	s21 =	sadd.s32 $0x2, s19;
	v11 =	vld.idx.msk [tilespmem:v12+s9+$0x0], $0xffff;
	s22 =	sadd.s32 $0x400, s18;
	v5 =	vadd.s32 s20, v1;
	[tilespmem:s18+$0xFFFFFE00] =	vst v4  }
0x1ba: {  	s23 =	sadd.s32 $0x3, s19;
	v9 =	vld.idx.msk [tilespmem:v9+s9+$0x0], $0xffff;
	v4 =	vadd.s32 s21, v1;
	[tilespmem:s22+$0x180] =	vst v2  }
0x1bb: {  	s24 =	sadd.s32 $0x4, s19;
	v10 =	vld.idx.msk [tilespmem:v10+s9+$0x0], $0xffff;
	v2 =	vadd.s32 s23, v1;
	[tilespmem:s22+$0xFFFFFE80] =	vst v3  }
0x1bc: {  	s25 =	sadd.s32 $0x5, s19;
	v8 =	vld.idx.msk [tilespmem:v8+s9+$0x0], $0xffff;
	v3 =	vadd.s32 s24, v1;
	[tilespmem:s22+$0xFFFFFF00] =	vst v7  }
0x1bd: {  	s26 =	sadd.s32 $0x6, s19;
	v7 =	vadd.s32 s25, v1;
	v0 =	vld.idx.msk [tilespmem:v0+s9+$0x0], $0xffff;
	[tilespmem:s22+$0xFFFFFF80] =	vst v6  }
0x1be: {  	v6 =	vadd.s32 s26, v1;
	[tilespmem:s22+$0x0] =	vst v11;
	v5 =	vld.idx.msk [tilespmem:v5+s9+$0x0], $0xffff  }
0x1bf: {  	v1 =	vadd.s32 s19, v1;
	[tilespmem:s22+$0x80] =	vst v9;
	v4 =	vld.idx.msk [tilespmem:v4+s9+$0x0], $0xffff  }
0x1c0: {  	[tilespmem:s22+$0x100] =	vst v10;
	v2 =	vld.idx.msk [tilespmem:v2+s9+$0x0], $0xffff  }
0x1c1: {  	s18 =	sadd.s32 $0x400, s22;
	[tilespmem:s22+$0xFFFFFE00] =	vst v8;
	v3 =	vld.idx.msk [tilespmem:v3+s9+$0x0], $0xffff  }
0x1c2: {  	v7 =	vld.idx.msk [tilespmem:v7+s9+$0x0], $0xffff;
	[tilespmem:s18+$0x180] =	vst v0  }
0x1c3: {  	v0 =	vld.idx.msk [tilespmem:v6+s9+$0x0], $0xffff;
	[tilespmem:s18+$0xFFFFFE80] =	vst v5  }
0x1c4: {  	v1 =	vld.idx.msk [tilespmem:v1+s9+$0x0], $0xffff;
	[tilespmem:s18+$0xFFFFFF00] =	vst v4  }
0x1c5: {  	[tilespmem:s18+$0xFFFFFF80] =	vst v2;
	v2 =	vadd.s32 $0x3200, v58  }
0x1c6: {  	[tilespmem:s18+$0x0] =	vst v3  }
0x1c7: {  	[tilespmem:s18+$0x80] =	vst v7  }
0x1c8: {  	[tilespmem:s18+$0x100] =	vst v0  }
0x1c9: {  	s28 =	simm.s32 $0x0;
	[tilespmem:s18+$0xFFFFFE00] =	vst v1  }
0x1ca: {  	v0 =	vld.idx.msk [tilespmem:v2+s28+$0x0], $0xffff;
	_ =	sdelay $0x4  }
0x1cb: {  	vm0 =	vlt.s32 v0, $0x3E7  }
0x1cc: {  	v0 =	vnsel vm0, $0x3E7, v0  }
0x1cd: {  	v1 =	vmul.u32 $0x41, v0  }
0x1ce: {  	s29 =	simm.s32 $0x7  }
0x1cf: {  	s30 =	simm.s32 $0x1;
	v0 =	vadd.s32 s29, v1  }
0x1d0: {  	s31 =	simm.s32 $0x2;
	v2 =	vadd.s32 s30, v1  }
0x1d1: {  	s20 =	simm.s32 $0x3;
	v3 =	vadd.s32 s31, v1  }
0x1d2: {  	s21 =	simm.s32 $0x4;
	v4 =	vadd.s32 s20, v1  }
0x1d3: {  	s22 =	simm.s32 $0x5;
	v5 =	vadd.s32 s21, v1  }
0x1d4: {  	s23 =	simm.s32 $0x6;
	v6 =	vadd.s32 s22, v1;
	v0 =	vld.idx.msk [tilespmem:v0+s9+$0x0], $0xffff  }
0x1d5: {  	v7 =	vadd.s32 s23, v1;
	v2 =	vld.idx.msk [tilespmem:v2+s9+$0x0], $0xffff  }
0x1d6: {  	s24 =	simm.s32 $0xF;
	v8 =	vadd.s32 s28, v1;
	v3 =	vld.idx.msk [tilespmem:v3+s9+$0x0], $0xffff  }
0x1d7: {  	s26 =	simm.s32 $0xA;
	v9 =	vadd.s32 s24, v1;
	v10 =	vld.idx.msk [tilespmem:v4+s9+$0x0], $0xffff  }
0x1d8: {  	s25 =	simm.s32 $0x9;
	v15 =	vadd.s32 s26, v1;
	v14 =	vld.idx.msk [tilespmem:v5+s9+$0x0], $0xffff  }
0x1d9: {  	s18 =	simm.s32 $0x16440;
	v13 =	vadd.s32 s25, v1;
	s28 =	simm.s32 $0xB;
	v6 =	vld.idx.msk [tilespmem:v6+s9+$0x0], $0xffff  }
0x1da: {  	s29 =	simm.s32 $0xC;
	v11 =	vadd.s32 s28, v1;
	v5 =	vld.idx.msk [tilespmem:v7+s9+$0x0], $0xffff;
	[tilespmem:s18+$0x180] =	vst v0  }
0x1db: {  	s30 =	simm.s32 $0xD;
	v12 =	vadd.s32 s29, v1;
	v4 =	vld.idx.msk [tilespmem:v8+s9+$0x0], $0xffff;
	[tilespmem:s18+$0xFFFFFE80] =	vst v2  }
0x1dc: {  	s31 =	simm.s32 $0xE;
	v2 =	vld.idx.msk [tilespmem:v9+s9+$0x0], $0xffff;
	[tilespmem:s18+$0xFFFFFF00] =	vst v3;
	v9 =	vadd.s32 s30, v1  }
0x1dd: {  	s22 =	simm.s32 $0x8;
	v7 =	vld.idx.msk [tilespmem:v15+s9+$0x0], $0xffff;
	[tilespmem:s18+$0xFFFFFF80] =	vst v10;
	v10 =	vadd.s32 s31, v1  }
0x1de: {  	s19 =	simm.s32 $0x10;
	s21 =	simm.s32 $0x17;
	s20 =	simm.s32 $0x18;
	v8 =	vadd.s32 s22, v1;
	v3 =	vld.idx.msk [tilespmem:v13+s9+$0x0], $0xffff;
	[tilespmem:s18+$0x0] =	vst v14  }
.LBB2_14:
0x1df: {  	p0 =	slt.u32 s20, $0x38;
	s22 =	sadd.s32 $0x1, s19;
	v0 =	vadd.s32 s21, v1;
	v13 =	vld.idx.msk [tilespmem:v11+s9+$0x0], $0xffff;
	[tilespmem:s18+$0x80] =	vst v6  }
0x1e0: {  	s21 =	sadd.s32 $0x2, s19;
	v14 =	vadd.s32 s22, v1;
	v15 =	vld.idx.msk [tilespmem:v12+s9+$0x0], $0xffff;
	[tilespmem:s18+$0x100] =	vst v5  }
0x1e1: {  	v16 =	vadd.s32 s21, v1;
	s21 =	sadd.s32 $0x3, s19;
	v6 =	vld.idx.msk [tilespmem:v9+s9+$0x0], $0xffff;
	[tilespmem:s18+$0xFFFFFE00] =	vst v4;
	s18 =	sadd.s32 $0x400, s18  }
.Ltmp8:
0x1e2: {  	v11 =	vadd.s32 s21, v1;
	s21 =	sadd.s32 $0x4, s19;
	v5 =	vld.idx.msk [tilespmem:v10+s9+$0x0], $0xffff;
	[tilespmem:s18+$0x180] =	vst v2;
	(pc) =	sbr.rel @p0 .LBB2_14-.Ltmp8, $4  }
0x1e3: {  	v12 =	vadd.s32 s21, v1;
	s21 =	sadd.s32 $0x5, s19;
	v4 =	vld.idx.msk [tilespmem:v8+s9+$0x0], $0xffff;
	[tilespmem:s18+$0xFFFFFE80] =	vst v3  }
0x1e4: {  	v9 =	vadd.s32 s21, v1;
	s21 =	sadd.s32 $0x6, s19;
	v2 =	vld.idx.msk [tilespmem:v0+s9+$0x0], $0xffff;
	[tilespmem:s18+$0xFFFFFF00] =	vst v7  }
0x1e5: {  	v10 =	vadd.s32 s21, v1;
	v3 =	vld.idx.msk [tilespmem:v14+s9+$0x0], $0xffff;
	[tilespmem:s18+$0xFFFFFF80] =	vst v13  }
0x1e6: {  	v8 =	vadd.s32 s19, v1;
	s19 =	smov.u32 s20;
	s21 =	sadd.s32 $0x7, s20;
	s20 =	sadd.s32 $0x8, s20;
	v7 =	vld.idx.msk [tilespmem:v16+s9+$0x0], $0xffff;
	[tilespmem:s18+$0x0] =	vst v15  }
0x1e7: {  	_ =	sdelay $0x2  }
0x1e8: {  	[tilespmem:s18+$0x80] =	vst v6  }
0x1e9: {  	s20 =	sadd.s32 $0x1, s19;
	v0 =	vadd.s32 s21, v1;
	v6 =	vld.idx.msk [tilespmem:v11+s9+$0x0], $0xffff;
	[tilespmem:s18+$0x100] =	vst v5  }
0x1ea: {  	s21 =	sadd.s32 $0x2, s19;
	v11 =	vld.idx.msk [tilespmem:v12+s9+$0x0], $0xffff;
	s22 =	sadd.s32 $0x400, s18;
	v5 =	vadd.s32 s20, v1;
	[tilespmem:s18+$0xFFFFFE00] =	vst v4  }
0x1eb: {  	s23 =	sadd.s32 $0x3, s19;
	v9 =	vld.idx.msk [tilespmem:v9+s9+$0x0], $0xffff;
	v4 =	vadd.s32 s21, v1;
	[tilespmem:s22+$0x180] =	vst v2  }
0x1ec: {  	s24 =	sadd.s32 $0x4, s19;
	v10 =	vld.idx.msk [tilespmem:v10+s9+$0x0], $0xffff;
	v2 =	vadd.s32 s23, v1;
	[tilespmem:s22+$0xFFFFFE80] =	vst v3  }
0x1ed: {  	s25 =	sadd.s32 $0x5, s19;
	v8 =	vld.idx.msk [tilespmem:v8+s9+$0x0], $0xffff;
	v3 =	vadd.s32 s24, v1;
	[tilespmem:s22+$0xFFFFFF00] =	vst v7  }
0x1ee: {  	s26 =	sadd.s32 $0x6, s19;
	v7 =	vadd.s32 s25, v1;
	v0 =	vld.idx.msk [tilespmem:v0+s9+$0x0], $0xffff;
	[tilespmem:s22+$0xFFFFFF80] =	vst v6  }
0x1ef: {  	v6 =	vadd.s32 s26, v1;
	[tilespmem:s22+$0x0] =	vst v11;
	v5 =	vld.idx.msk [tilespmem:v5+s9+$0x0], $0xffff  }
0x1f0: {  	v1 =	vadd.s32 s19, v1;
	[tilespmem:s22+$0x80] =	vst v9;
	v4 =	vld.idx.msk [tilespmem:v4+s9+$0x0], $0xffff  }
0x1f1: {  	[tilespmem:s22+$0x100] =	vst v10;
	v2 =	vld.idx.msk [tilespmem:v2+s9+$0x0], $0xffff  }
0x1f2: {  	s18 =	sadd.s32 $0x400, s22;
	[tilespmem:s22+$0xFFFFFE00] =	vst v8;
	v3 =	vld.idx.msk [tilespmem:v3+s9+$0x0], $0xffff  }
0x1f3: {  	v7 =	vld.idx.msk [tilespmem:v7+s9+$0x0], $0xffff;
	[tilespmem:s18+$0x180] =	vst v0  }
0x1f4: {  	v0 =	vld.idx.msk [tilespmem:v6+s9+$0x0], $0xffff;
	[tilespmem:s18+$0xFFFFFE80] =	vst v5  }
0x1f5: {  	v1 =	vld.idx.msk [tilespmem:v1+s9+$0x0], $0xffff;
	[tilespmem:s18+$0xFFFFFF00] =	vst v4  }
0x1f6: {  	[tilespmem:s18+$0xFFFFFF80] =	vst v2;
	v2 =	vadd.s32 $0x3E80, v58  }
0x1f7: {  	[tilespmem:s18+$0x0] =	vst v3  }
0x1f8: {  	[tilespmem:s18+$0x80] =	vst v7  }
0x1f9: {  	[tilespmem:s18+$0x100] =	vst v0  }
0x1fa: {  	s28 =	simm.s32 $0x0;
	[tilespmem:s18+$0xFFFFFE00] =	vst v1  }
0x1fb: {  	v0 =	vld.idx.msk [tilespmem:v2+s28+$0x0], $0xffff;
	_ =	sdelay $0x4  }
0x1fc: {  	vm0 =	vlt.s32 v0, $0x3E7  }
0x1fd: {  	v0 =	vnsel vm0, $0x3E7, v0  }
0x1fe: {  	v1 =	vmul.u32 $0x41, v0  }
0x1ff: {  	s29 =	simm.s32 $0x7  }
0x200: {  	s30 =	simm.s32 $0x1;
	v0 =	vadd.s32 s29, v1  }
0x201: {  	s31 =	simm.s32 $0x2;
	v2 =	vadd.s32 s30, v1  }
0x202: {  	s20 =	simm.s32 $0x3;
	v3 =	vadd.s32 s31, v1  }
0x203: {  	s21 =	simm.s32 $0x4;
	v4 =	vadd.s32 s20, v1  }
0x204: {  	s22 =	simm.s32 $0x5;
	v5 =	vadd.s32 s21, v1  }
0x205: {  	s23 =	simm.s32 $0x6;
	v6 =	vadd.s32 s22, v1;
	v0 =	vld.idx.msk [tilespmem:v0+s9+$0x0], $0xffff  }
0x206: {  	v7 =	vadd.s32 s23, v1;
	v2 =	vld.idx.msk [tilespmem:v2+s9+$0x0], $0xffff  }
0x207: {  	s24 =	simm.s32 $0xF;
	v8 =	vadd.s32 s28, v1;
	v3 =	vld.idx.msk [tilespmem:v3+s9+$0x0], $0xffff  }
0x208: {  	s26 =	simm.s32 $0xA;
	v9 =	vadd.s32 s24, v1;
	v10 =	vld.idx.msk [tilespmem:v4+s9+$0x0], $0xffff  }
0x209: {  	s25 =	simm.s32 $0x9;
	v15 =	vadd.s32 s26, v1;
	v14 =	vld.idx.msk [tilespmem:v5+s9+$0x0], $0xffff  }
0x20a: {  	s18 =	simm.s32 $0x16450;
	v13 =	vadd.s32 s25, v1;
	s28 =	simm.s32 $0xB;
	v6 =	vld.idx.msk [tilespmem:v6+s9+$0x0], $0xffff  }
0x20b: {  	s29 =	simm.s32 $0xC;
	v11 =	vadd.s32 s28, v1;
	v5 =	vld.idx.msk [tilespmem:v7+s9+$0x0], $0xffff;
	[tilespmem:s18+$0x180] =	vst v0  }
0x20c: {  	s30 =	simm.s32 $0xD;
	v12 =	vadd.s32 s29, v1;
	v4 =	vld.idx.msk [tilespmem:v8+s9+$0x0], $0xffff;
	[tilespmem:s18+$0xFFFFFE80] =	vst v2  }
0x20d: {  	s31 =	simm.s32 $0xE;
	v2 =	vld.idx.msk [tilespmem:v9+s9+$0x0], $0xffff;
	[tilespmem:s18+$0xFFFFFF00] =	vst v3;
	v9 =	vadd.s32 s30, v1  }
0x20e: {  	s22 =	simm.s32 $0x8;
	v7 =	vld.idx.msk [tilespmem:v15+s9+$0x0], $0xffff;
	[tilespmem:s18+$0xFFFFFF80] =	vst v10;
	v10 =	vadd.s32 s31, v1  }
0x20f: {  	s19 =	simm.s32 $0x10;
	s21 =	simm.s32 $0x17;
	s20 =	simm.s32 $0x18;
	v8 =	vadd.s32 s22, v1;
	v3 =	vld.idx.msk [tilespmem:v13+s9+$0x0], $0xffff;
	[tilespmem:s18+$0x0] =	vst v14  }
.LBB2_16:
0x210: {  	p0 =	slt.u32 s20, $0x38;
	s22 =	sadd.s32 $0x1, s19;
	v0 =	vadd.s32 s21, v1;
	v13 =	vld.idx.msk [tilespmem:v11+s9+$0x0], $0xffff;
	[tilespmem:s18+$0x80] =	vst v6  }
0x211: {  	s21 =	sadd.s32 $0x2, s19;
	v14 =	vadd.s32 s22, v1;
	v15 =	vld.idx.msk [tilespmem:v12+s9+$0x0], $0xffff;
	[tilespmem:s18+$0x100] =	vst v5  }
0x212: {  	v16 =	vadd.s32 s21, v1;
	s21 =	sadd.s32 $0x3, s19;
	v6 =	vld.idx.msk [tilespmem:v9+s9+$0x0], $0xffff;
	[tilespmem:s18+$0xFFFFFE00] =	vst v4;
	s18 =	sadd.s32 $0x400, s18  }
.Ltmp9:
0x213: {  	v11 =	vadd.s32 s21, v1;
	s21 =	sadd.s32 $0x4, s19;
	v5 =	vld.idx.msk [tilespmem:v10+s9+$0x0], $0xffff;
	[tilespmem:s18+$0x180] =	vst v2;
	(pc) =	sbr.rel @p0 .LBB2_16-.Ltmp9, $4  }
0x214: {  	v12 =	vadd.s32 s21, v1;
	s21 =	sadd.s32 $0x5, s19;
	v4 =	vld.idx.msk [tilespmem:v8+s9+$0x0], $0xffff;
	[tilespmem:s18+$0xFFFFFE80] =	vst v3  }
0x215: {  	v9 =	vadd.s32 s21, v1;
	s21 =	sadd.s32 $0x6, s19;
	v2 =	vld.idx.msk [tilespmem:v0+s9+$0x0], $0xffff;
	[tilespmem:s18+$0xFFFFFF00] =	vst v7  }
0x216: {  	v10 =	vadd.s32 s21, v1;
	v3 =	vld.idx.msk [tilespmem:v14+s9+$0x0], $0xffff;
	[tilespmem:s18+$0xFFFFFF80] =	vst v13  }
0x217: {  	v8 =	vadd.s32 s19, v1;
	s19 =	smov.u32 s20;
	s21 =	sadd.s32 $0x7, s20;
	s20 =	sadd.s32 $0x8, s20;
	v7 =	vld.idx.msk [tilespmem:v16+s9+$0x0], $0xffff;
	[tilespmem:s18+$0x0] =	vst v15  }
0x218: {  	_ =	sdelay $0x2  }
0x219: {  	[tilespmem:s18+$0x80] =	vst v6  }
0x21a: {  	s20 =	sadd.s32 $0x1, s19;
	v0 =	vadd.s32 s21, v1;
	v6 =	vld.idx.msk [tilespmem:v11+s9+$0x0], $0xffff;
	[tilespmem:s18+$0x100] =	vst v5  }
0x21b: {  	s21 =	sadd.s32 $0x2, s19;
	v11 =	vld.idx.msk [tilespmem:v12+s9+$0x0], $0xffff;
	s22 =	sadd.s32 $0x400, s18;
	v5 =	vadd.s32 s20, v1;
	[tilespmem:s18+$0xFFFFFE00] =	vst v4  }
0x21c: {  	s23 =	sadd.s32 $0x3, s19;
	v9 =	vld.idx.msk [tilespmem:v9+s9+$0x0], $0xffff;
	v4 =	vadd.s32 s21, v1;
	[tilespmem:s22+$0x180] =	vst v2  }
0x21d: {  	s24 =	sadd.s32 $0x4, s19;
	v10 =	vld.idx.msk [tilespmem:v10+s9+$0x0], $0xffff;
	v2 =	vadd.s32 s23, v1;
	[tilespmem:s22+$0xFFFFFE80] =	vst v3  }
0x21e: {  	s25 =	sadd.s32 $0x5, s19;
	v8 =	vld.idx.msk [tilespmem:v8+s9+$0x0], $0xffff;
	v3 =	vadd.s32 s24, v1;
	[tilespmem:s22+$0xFFFFFF00] =	vst v7  }
0x21f: {  	s26 =	sadd.s32 $0x6, s19;
	v7 =	vadd.s32 s25, v1;
	v0 =	vld.idx.msk [tilespmem:v0+s9+$0x0], $0xffff;
	[tilespmem:s22+$0xFFFFFF80] =	vst v6  }
0x220: {  	v6 =	vadd.s32 s26, v1;
	[tilespmem:s22+$0x0] =	vst v11;
	v5 =	vld.idx.msk [tilespmem:v5+s9+$0x0], $0xffff  }
0x221: {  	v1 =	vadd.s32 s19, v1;
	[tilespmem:s22+$0x80] =	vst v9;
	v4 =	vld.idx.msk [tilespmem:v4+s9+$0x0], $0xffff  }
0x222: {  	[tilespmem:s22+$0x100] =	vst v10;
	v2 =	vld.idx.msk [tilespmem:v2+s9+$0x0], $0xffff  }
0x223: {  	s18 =	sadd.s32 $0x400, s22;
	[tilespmem:s22+$0xFFFFFE00] =	vst v8;
	v3 =	vld.idx.msk [tilespmem:v3+s9+$0x0], $0xffff  }
0x224: {  	v7 =	vld.idx.msk [tilespmem:v7+s9+$0x0], $0xffff;
	[tilespmem:s18+$0x180] =	vst v0  }
0x225: {  	v0 =	vld.idx.msk [tilespmem:v6+s9+$0x0], $0xffff;
	[tilespmem:s18+$0xFFFFFE80] =	vst v5  }
0x226: {  	v1 =	vld.idx.msk [tilespmem:v1+s9+$0x0], $0xffff;
	[tilespmem:s18+$0xFFFFFF00] =	vst v4  }
0x227: {  	[tilespmem:s18+$0xFFFFFF80] =	vst v2;
	v2 =	vadd.s32 $0x4B00, v58  }
0x228: {  	[tilespmem:s18+$0x0] =	vst v3  }
0x229: {  	[tilespmem:s18+$0x80] =	vst v7  }
0x22a: {  	[tilespmem:s18+$0x100] =	vst v0  }
0x22b: {  	s28 =	simm.s32 $0x0;
	[tilespmem:s18+$0xFFFFFE00] =	vst v1  }
0x22c: {  	v0 =	vld.idx.msk [tilespmem:v2+s28+$0x0], $0xffff;
	_ =	sdelay $0x4  }
0x22d: {  	vm0 =	vlt.s32 v0, $0x3E7  }
0x22e: {  	v0 =	vnsel vm0, $0x3E7, v0  }
0x22f: {  	v1 =	vmul.u32 $0x41, v0  }
0x230: {  	s29 =	simm.s32 $0x7  }
0x231: {  	s30 =	simm.s32 $0x1;
	v0 =	vadd.s32 s29, v1  }
0x232: {  	s31 =	simm.s32 $0x2;
	v2 =	vadd.s32 s30, v1  }
0x233: {  	s20 =	simm.s32 $0x3;
	v3 =	vadd.s32 s31, v1  }
0x234: {  	s21 =	simm.s32 $0x4;
	v4 =	vadd.s32 s20, v1  }
0x235: {  	s22 =	simm.s32 $0x5;
	v5 =	vadd.s32 s21, v1  }
0x236: {  	s23 =	simm.s32 $0x6;
	v6 =	vadd.s32 s22, v1;
	v0 =	vld.idx.msk [tilespmem:v0+s9+$0x0], $0xffff  }
0x237: {  	v7 =	vadd.s32 s23, v1;
	v2 =	vld.idx.msk [tilespmem:v2+s9+$0x0], $0xffff  }
0x238: {  	s24 =	simm.s32 $0xF;
	v8 =	vadd.s32 s28, v1;
	v3 =	vld.idx.msk [tilespmem:v3+s9+$0x0], $0xffff  }
0x239: {  	s26 =	simm.s32 $0xA;
	v9 =	vadd.s32 s24, v1;
	v10 =	vld.idx.msk [tilespmem:v4+s9+$0x0], $0xffff  }
0x23a: {  	s25 =	simm.s32 $0x9;
	v15 =	vadd.s32 s26, v1;
	v14 =	vld.idx.msk [tilespmem:v5+s9+$0x0], $0xffff  }
0x23b: {  	s18 =	simm.s32 $0x16460;
	v13 =	vadd.s32 s25, v1;
	s28 =	simm.s32 $0xB;
	v6 =	vld.idx.msk [tilespmem:v6+s9+$0x0], $0xffff  }
0x23c: {  	s29 =	simm.s32 $0xC;
	v11 =	vadd.s32 s28, v1;
	v5 =	vld.idx.msk [tilespmem:v7+s9+$0x0], $0xffff;
	[tilespmem:s18+$0x180] =	vst v0  }
0x23d: {  	s30 =	simm.s32 $0xD;
	v12 =	vadd.s32 s29, v1;
	v4 =	vld.idx.msk [tilespmem:v8+s9+$0x0], $0xffff;
	[tilespmem:s18+$0xFFFFFE80] =	vst v2  }
0x23e: {  	s31 =	simm.s32 $0xE;
	v2 =	vld.idx.msk [tilespmem:v9+s9+$0x0], $0xffff;
	[tilespmem:s18+$0xFFFFFF00] =	vst v3;
	v9 =	vadd.s32 s30, v1  }
0x23f: {  	s22 =	simm.s32 $0x8;
	v7 =	vld.idx.msk [tilespmem:v15+s9+$0x0], $0xffff;
	[tilespmem:s18+$0xFFFFFF80] =	vst v10;
	v10 =	vadd.s32 s31, v1  }
0x240: {  	s19 =	simm.s32 $0x10;
	s21 =	simm.s32 $0x17;
	s20 =	simm.s32 $0x18;
	v8 =	vadd.s32 s22, v1;
	v3 =	vld.idx.msk [tilespmem:v13+s9+$0x0], $0xffff;
	[tilespmem:s18+$0x0] =	vst v14  }
.LBB2_18:
0x241: {  	p0 =	slt.u32 s20, $0x38;
	s22 =	sadd.s32 $0x1, s19;
	v0 =	vadd.s32 s21, v1;
	v13 =	vld.idx.msk [tilespmem:v11+s9+$0x0], $0xffff;
	[tilespmem:s18+$0x80] =	vst v6  }
0x242: {  	s21 =	sadd.s32 $0x2, s19;
	v14 =	vadd.s32 s22, v1;
	v15 =	vld.idx.msk [tilespmem:v12+s9+$0x0], $0xffff;
	[tilespmem:s18+$0x100] =	vst v5  }
0x243: {  	v16 =	vadd.s32 s21, v1;
	s21 =	sadd.s32 $0x3, s19;
	v6 =	vld.idx.msk [tilespmem:v9+s9+$0x0], $0xffff;
	[tilespmem:s18+$0xFFFFFE00] =	vst v4;
	s18 =	sadd.s32 $0x400, s18  }
.Ltmp10:
0x244: {  	v11 =	vadd.s32 s21, v1;
	s21 =	sadd.s32 $0x4, s19;
	v5 =	vld.idx.msk [tilespmem:v10+s9+$0x0], $0xffff;
	[tilespmem:s18+$0x180] =	vst v2;
	(pc) =	sbr.rel @p0 .LBB2_18-.Ltmp10, $4  }
0x245: {  	v12 =	vadd.s32 s21, v1;
	s21 =	sadd.s32 $0x5, s19;
	v4 =	vld.idx.msk [tilespmem:v8+s9+$0x0], $0xffff;
	[tilespmem:s18+$0xFFFFFE80] =	vst v3  }
0x246: {  	v9 =	vadd.s32 s21, v1;
	s21 =	sadd.s32 $0x6, s19;
	v2 =	vld.idx.msk [tilespmem:v0+s9+$0x0], $0xffff;
	[tilespmem:s18+$0xFFFFFF00] =	vst v7  }
0x247: {  	v10 =	vadd.s32 s21, v1;
	v3 =	vld.idx.msk [tilespmem:v14+s9+$0x0], $0xffff;
	[tilespmem:s18+$0xFFFFFF80] =	vst v13  }
0x248: {  	v8 =	vadd.s32 s19, v1;
	s19 =	smov.u32 s20;
	s21 =	sadd.s32 $0x7, s20;
	s20 =	sadd.s32 $0x8, s20;
	v7 =	vld.idx.msk [tilespmem:v16+s9+$0x0], $0xffff;
	[tilespmem:s18+$0x0] =	vst v15  }
0x249: {  	_ =	sdelay $0x2  }
0x24a: {  	[tilespmem:s18+$0x80] =	vst v6  }
0x24b: {  	s20 =	sadd.s32 $0x1, s19;
	v0 =	vadd.s32 s21, v1;
	v6 =	vld.idx.msk [tilespmem:v11+s9+$0x0], $0xffff;
	[tilespmem:s18+$0x100] =	vst v5  }
0x24c: {  	s21 =	sadd.s32 $0x2, s19;
	v11 =	vld.idx.msk [tilespmem:v12+s9+$0x0], $0xffff;
	s22 =	sadd.s32 $0x400, s18;
	v5 =	vadd.s32 s20, v1;
	[tilespmem:s18+$0xFFFFFE00] =	vst v4  }
0x24d: {  	s23 =	sadd.s32 $0x3, s19;
	v9 =	vld.idx.msk [tilespmem:v9+s9+$0x0], $0xffff;
	v4 =	vadd.s32 s21, v1;
	[tilespmem:s22+$0x180] =	vst v2  }
0x24e: {  	s24 =	sadd.s32 $0x4, s19;
	v10 =	vld.idx.msk [tilespmem:v10+s9+$0x0], $0xffff;
	v2 =	vadd.s32 s23, v1;
	[tilespmem:s22+$0xFFFFFE80] =	vst v3  }
0x24f: {  	s25 =	sadd.s32 $0x5, s19;
	v8 =	vld.idx.msk [tilespmem:v8+s9+$0x0], $0xffff;
	v3 =	vadd.s32 s24, v1;
	[tilespmem:s22+$0xFFFFFF00] =	vst v7  }
0x250: {  	s26 =	sadd.s32 $0x6, s19;
	v7 =	vadd.s32 s25, v1;
	v0 =	vld.idx.msk [tilespmem:v0+s9+$0x0], $0xffff;
	[tilespmem:s22+$0xFFFFFF80] =	vst v6  }
0x251: {  	v6 =	vadd.s32 s26, v1;
	[tilespmem:s22+$0x0] =	vst v11;
	v5 =	vld.idx.msk [tilespmem:v5+s9+$0x0], $0xffff  }
0x252: {  	v1 =	vadd.s32 s19, v1;
	[tilespmem:s22+$0x80] =	vst v9;
	v4 =	vld.idx.msk [tilespmem:v4+s9+$0x0], $0xffff  }
0x253: {  	[tilespmem:s22+$0x100] =	vst v10;
	v2 =	vld.idx.msk [tilespmem:v2+s9+$0x0], $0xffff  }
0x254: {  	s18 =	sadd.s32 $0x400, s22;
	[tilespmem:s22+$0xFFFFFE00] =	vst v8;
	v3 =	vld.idx.msk [tilespmem:v3+s9+$0x0], $0xffff  }
0x255: {  	v7 =	vld.idx.msk [tilespmem:v7+s9+$0x0], $0xffff;
	[tilespmem:s18+$0x180] =	vst v0  }
0x256: {  	v0 =	vld.idx.msk [tilespmem:v6+s9+$0x0], $0xffff;
	[tilespmem:s18+$0xFFFFFE80] =	vst v5  }
0x257: {  	v1 =	vld.idx.msk [tilespmem:v1+s9+$0x0], $0xffff;
	[tilespmem:s18+$0xFFFFFF00] =	vst v4  }
0x258: {  	[tilespmem:s18+$0xFFFFFF80] =	vst v2;
	v2 =	vadd.s32 $0x5780, v58  }
0x259: {  	[tilespmem:s18+$0x0] =	vst v3  }
0x25a: {  	[tilespmem:s18+$0x80] =	vst v7  }
0x25b: {  	[tilespmem:s18+$0x100] =	vst v0  }
0x25c: {  	s28 =	simm.s32 $0x0;
	[tilespmem:s18+$0xFFFFFE00] =	vst v1  }
0x25d: {  	v0 =	vld.idx.msk [tilespmem:v2+s28+$0x0], $0xffff;
	_ =	sdelay $0x4  }
0x25e: {  	vm0 =	vlt.s32 v0, $0x3E7  }
0x25f: {  	v0 =	vnsel vm0, $0x3E7, v0  }
0x260: {  	v1 =	vmul.u32 $0x41, v0  }
0x261: {  	s29 =	simm.s32 $0x7  }
0x262: {  	s30 =	simm.s32 $0x1;
	v0 =	vadd.s32 s29, v1  }
0x263: {  	s31 =	simm.s32 $0x2;
	v2 =	vadd.s32 s30, v1  }
0x264: {  	s20 =	simm.s32 $0x3;
	v3 =	vadd.s32 s31, v1  }
0x265: {  	s21 =	simm.s32 $0x4;
	v4 =	vadd.s32 s20, v1  }
0x266: {  	s22 =	simm.s32 $0x5;
	v5 =	vadd.s32 s21, v1  }
0x267: {  	s23 =	simm.s32 $0x6;
	v6 =	vadd.s32 s22, v1;
	v0 =	vld.idx.msk [tilespmem:v0+s9+$0x0], $0xffff  }
0x268: {  	v7 =	vadd.s32 s23, v1;
	v2 =	vld.idx.msk [tilespmem:v2+s9+$0x0], $0xffff  }
0x269: {  	s24 =	simm.s32 $0xF;
	v8 =	vadd.s32 s28, v1;
	v3 =	vld.idx.msk [tilespmem:v3+s9+$0x0], $0xffff  }
0x26a: {  	s26 =	simm.s32 $0xA;
	v9 =	vadd.s32 s24, v1;
	v10 =	vld.idx.msk [tilespmem:v4+s9+$0x0], $0xffff  }
0x26b: {  	s25 =	simm.s32 $0x9;
	v15 =	vadd.s32 s26, v1;
	v14 =	vld.idx.msk [tilespmem:v5+s9+$0x0], $0xffff  }
0x26c: {  	s18 =	simm.s32 $0x16470;
	v13 =	vadd.s32 s25, v1;
	s28 =	simm.s32 $0xB;
	v6 =	vld.idx.msk [tilespmem:v6+s9+$0x0], $0xffff  }
0x26d: {  	s29 =	simm.s32 $0xC;
	v11 =	vadd.s32 s28, v1;
	v5 =	vld.idx.msk [tilespmem:v7+s9+$0x0], $0xffff;
	[tilespmem:s18+$0x180] =	vst v0  }
0x26e: {  	s30 =	simm.s32 $0xD;
	v12 =	vadd.s32 s29, v1;
	v4 =	vld.idx.msk [tilespmem:v8+s9+$0x0], $0xffff;
	[tilespmem:s18+$0xFFFFFE80] =	vst v2  }
0x26f: {  	s31 =	simm.s32 $0xE;
	v2 =	vld.idx.msk [tilespmem:v9+s9+$0x0], $0xffff;
	[tilespmem:s18+$0xFFFFFF00] =	vst v3;
	v9 =	vadd.s32 s30, v1  }
0x270: {  	s22 =	simm.s32 $0x8;
	v7 =	vld.idx.msk [tilespmem:v15+s9+$0x0], $0xffff;
	[tilespmem:s18+$0xFFFFFF80] =	vst v10;
	v10 =	vadd.s32 s31, v1  }
0x271: {  	s19 =	simm.s32 $0x10;
	s21 =	simm.s32 $0x17;
	s20 =	simm.s32 $0x18;
	v8 =	vadd.s32 s22, v1;
	v3 =	vld.idx.msk [tilespmem:v13+s9+$0x0], $0xffff;
	[tilespmem:s18+$0x0] =	vst v14  }
.LBB2_20:
0x272: {  	p0 =	slt.u32 s20, $0x38;
	s22 =	sadd.s32 $0x1, s19;
	v0 =	vadd.s32 s21, v1;
	v13 =	vld.idx.msk [tilespmem:v11+s9+$0x0], $0xffff;
	[tilespmem:s18+$0x80] =	vst v6  }
0x273: {  	s21 =	sadd.s32 $0x2, s19;
	v14 =	vadd.s32 s22, v1;
	v15 =	vld.idx.msk [tilespmem:v12+s9+$0x0], $0xffff;
	[tilespmem:s18+$0x100] =	vst v5  }
0x274: {  	v16 =	vadd.s32 s21, v1;
	s21 =	sadd.s32 $0x3, s19;
	v6 =	vld.idx.msk [tilespmem:v9+s9+$0x0], $0xffff;
	[tilespmem:s18+$0xFFFFFE00] =	vst v4;
	s18 =	sadd.s32 $0x400, s18  }
.Ltmp11:
0x275: {  	v11 =	vadd.s32 s21, v1;
	s21 =	sadd.s32 $0x4, s19;
	v5 =	vld.idx.msk [tilespmem:v10+s9+$0x0], $0xffff;
	[tilespmem:s18+$0x180] =	vst v2;
	(pc) =	sbr.rel @p0 .LBB2_20-.Ltmp11, $4  }
0x276: {  	v12 =	vadd.s32 s21, v1;
	s21 =	sadd.s32 $0x5, s19;
	v4 =	vld.idx.msk [tilespmem:v8+s9+$0x0], $0xffff;
	[tilespmem:s18+$0xFFFFFE80] =	vst v3  }
0x277: {  	v9 =	vadd.s32 s21, v1;
	s21 =	sadd.s32 $0x6, s19;
	v2 =	vld.idx.msk [tilespmem:v0+s9+$0x0], $0xffff;
	[tilespmem:s18+$0xFFFFFF00] =	vst v7  }
0x278: {  	v10 =	vadd.s32 s21, v1;
	v3 =	vld.idx.msk [tilespmem:v14+s9+$0x0], $0xffff;
	[tilespmem:s18+$0xFFFFFF80] =	vst v13  }
0x279: {  	v8 =	vadd.s32 s19, v1;
	s19 =	smov.u32 s20;
	s21 =	sadd.s32 $0x7, s20;
	s20 =	sadd.s32 $0x8, s20;
	v7 =	vld.idx.msk [tilespmem:v16+s9+$0x0], $0xffff;
	[tilespmem:s18+$0x0] =	vst v15  }
0x27a: {  	_ =	sdelay $0x2  }
0x27b: {  	[tilespmem:s18+$0x80] =	vst v6  }
0x27c: {  	v0 =	vadd.s32 s21, v1;
	v53 =	vld.idx.msk [tilespmem:v11+s9+$0x0], $0xffff;
	[tilespmem:s18+$0x100] =	vst v5  }
0x27d: {  	s20 =	sadd.s32 $0x1, s19;
	v55 =	vld.idx.msk [tilespmem:v12+s9+$0x0], $0xffff;
	s26 =	sadd.s32 $0x400, s18;
	v62 =	vadd.s32 s19, v1;
	[tilespmem:s18+$0xFFFFFE00] =	vst v4  }
0x27e: {  	s25 =	sadd.s32 $0x2, s19;
	v9 =	vld.idx.msk [tilespmem:v9+s9+$0x0], $0xffff;
	v54 =	vadd.s32 s20, v1;
	[tilespmem:s26+$0x180] =	vst v2  }
0x27f: {  	s28 =	sadd.s32 $0x3, s19;
	v10 =	vld.idx.msk [tilespmem:v10+s9+$0x0], $0xffff;
	v56 =	vadd.s32 s25, v1;
	[tilespmem:s26+$0xFFFFFE80] =	vst v3  }
0x280: {  	s29 =	sadd.s32 $0x4, s19;
	v8 =	vld.idx.msk [tilespmem:v8+s9+$0x0], $0xffff;
	v57 =	vadd.s32 s28, v1;
	[tilespmem:s26+$0xFFFFFF00] =	vst v7  }
0x281: {  	s30 =	sadd.s32 $0x5, s19;
	s31 =	sadd.s32 $0x6, s19;
	v59 =	vadd.s32 s29, v1;
	v0 =	vld.idx.msk [tilespmem:v0+s9+$0x0], $0xffff;
	[tilespmem:s26+$0xFFFFFF80] =	vst v53  }
0x282: {  	v60 =	vadd.s32 s30, v1;
	v61 =	vadd.s32 s31, v1;
	[tilespmem:s26+$0x0] =	vst v55;
	v1 =	vld.idx.msk [tilespmem:v62+s9+$0x0], $0xffff  }
0x283: {  	[tilespmem:s26+$0x80] =	vst v9;
	v5 =	vld.idx.msk [tilespmem:v54+s9+$0x0], $0xffff  }
0x284: {  	[tilespmem:s26+$0x100] =	vst v10;
	v4 =	vld.idx.msk [tilespmem:v56+s9+$0x0], $0xffff  }
0x285: {  	s18 =	sadd.s32 $0x400, s26;
	[tilespmem:s26+$0xFFFFFE00] =	vst v8;
	v2 =	vld.idx.msk [tilespmem:v57+s9+$0x0], $0xffff  }
0x286: {  	v3 =	vld.idx.msk [tilespmem:v59+s9+$0x0], $0xffff;
	[tilespmem:s18+$0x180] =	vst v0  }
0x287: {  	v7 =	vld.idx.msk [tilespmem:v60+s9+$0x0], $0xffff;
	[tilespmem:s18+$0xFFFFFE00] =	vst v1  }
0x288: {  	v63 =	vld.idx.msk [tilespmem:v61+s9+$0x0], $0xffff;
	[tilespmem:s18+$0xFFFFFE80] =	vst v5  }
0x289: {  	[tilespmem:s18+$0xFFFFFF00] =	vst v4  }
0x28a: {  	[tilespmem:s18+$0xFFFFFF80] =	vst v2  }
0x28b: {  	[tilespmem:s18+$0x0] =	vst v3  }
0x28c: {  	[tilespmem:s18+$0x80] =	vst v7  }
0x28d: {  	s19 =	simm.s32 $0x0;
	[tilespmem:s18+$0x100] =	vst v63;
	s18 =	simm.s32 $0x0  }
0x28e: {  	[hbm4b:s7+s11] =	stream.strided.scatter [tilespmem:s13], [sflag:$0x1], $0x2000, s12, s11, $0x38;
	[tilespmem:$0x1A200] =	vst v63  }
.LBB2_22:
0x28f: {  	s20 =	sshll.u32 s19, $0x1  }
0x290: {  	s21 =	sor.u32 $0x1, s20  }
0x291: {  	p0 =	seq.s32 s19, $0x0;
	v0 =	vadd.s32 s21, v58  }
0x292: {  	s22 =	simm.s32 @!p0 $0x2  }
0x293: {  	_ =	swait.ge @!p0 [sflag:s22], $0x2000  }
0x294: {  	[sflag:s22] =	ssyncset.done @!p0 $0x0  }
0x295: {  	[sflag:s22] =	ssyncadd.s32 @!p0 $0xFFFFE000  }
0x296: {  	v0 =	vld.idx.msk [tilespmem:v0+s18+$0x0], $0xffff;
	_ =	sdelay $0x4  }
0x297: {  	vm0 =	vlt.s32 v0, $0x3E7  }
0x298: {  	v0 =	vnsel vm0, $0x3E7, v0  }
0x299: {  	v1 =	vmul.u32 $0x41, v0  }
0x29a: {  	s28 =	simm.s32 $0x7  }
0x29b: {  	s23 =	simm.s32 $0x1;
	v0 =	vadd.s32 s28, v1  }
0x29c: {  	s29 =	simm.s32 $0x2;
	v2 =	vadd.s32 s23, v1  }
0x29d: {  	s30 =	simm.s32 $0x3;
	v3 =	vadd.s32 s29, v1  }
0x29e: {  	s31 =	simm.s32 $0x4;
	v4 =	vadd.s32 s30, v1  }
0x29f: {  	s24 =	simm.s32 $0x6;
	v5 =	vadd.s32 s31, v1  }
0x2a0: {  	s23 =	simm.s32 $0x5;
	v7 =	vadd.s32 s24, v1;
	v0 =	vld.idx.msk [tilespmem:v0+s9+$0x0], $0xffff  }
0x2a1: {  	v6 =	vadd.s32 s23, v1;
	v2 =	vld.idx.msk [tilespmem:v2+s9+$0x0], $0xffff  }
0x2a2: {  	s25 =	simm.s32 $0xF;
	v8 =	vadd.s32 s18, v1;
	v3 =	vld.idx.msk [tilespmem:v3+s9+$0x0], $0xffff  }
0x2a3: {  	v9 =	vadd.s32 s25, v1;
	s28 =	simm.s32 $0xA;
	v10 =	vld.idx.msk [tilespmem:v4+s9+$0x0], $0xffff  }
0x2a4: {  	s26 =	simm.s32 $0x9;
	v15 =	vadd.s32 s28, v1;
	v14 =	vld.idx.msk [tilespmem:v5+s9+$0x0], $0xffff  }
0x2a5: {  	s22 =	simm.s32 $0x18400;
	v13 =	vadd.s32 s26, v1;
	s29 =	simm.s32 $0xB;
	v5 =	vld.idx.msk [tilespmem:v7+s9+$0x0], $0xffff  }
0x2a6: {  	s30 =	simm.s32 $0xC;
	v11 =	vadd.s32 s29, v1;
	v6 =	vld.idx.msk [tilespmem:v6+s9+$0x0], $0xffff;
	[tilespmem:s22+$0x180] =	vst v0  }
0x2a7: {  	s24 =	simm.s32 $0xD;
	v12 =	vadd.s32 s30, v1;
	v4 =	vld.idx.msk [tilespmem:v8+s9+$0x0], $0xffff;
	[tilespmem:s22+$0xFFFFFE80] =	vst v2  }
0x2a8: {  	s31 =	simm.s32 $0xE;
	v2 =	vld.idx.msk [tilespmem:v9+s9+$0x0], $0xffff;
	[tilespmem:s22+$0xFFFFFF00] =	vst v3;
	v9 =	vadd.s32 s24, v1  }
0x2a9: {  	s26 =	simm.s32 $0x8;
	v7 =	vld.idx.msk [tilespmem:v15+s9+$0x0], $0xffff;
	[tilespmem:s22+$0xFFFFFF80] =	vst v10;
	v10 =	vadd.s32 s31, v1  }
0x2aa: {  	s25 =	simm.s32 $0x17;
	s23 =	simm.s32 $0x10;
	v8 =	vadd.s32 s26, v1;
	v3 =	vld.idx.msk [tilespmem:v13+s9+$0x0], $0xffff;
	s24 =	simm.s32 $0x18;
	[tilespmem:s22+$0x0] =	vst v14  }
.LBB2_23:
0x2ab: {  	p0 =	slt.u32 s24, $0x38;
	s26 =	sadd.s32 $0x1, s23;
	v0 =	vadd.s32 s25, v1;
	v13 =	vld.idx.msk [tilespmem:v11+s9+$0x0], $0xffff;
	[tilespmem:s22+$0x80] =	vst v6  }
0x2ac: {  	s25 =	sadd.s32 $0x2, s23;
	v14 =	vadd.s32 s26, v1;
	v15 =	vld.idx.msk [tilespmem:v12+s9+$0x0], $0xffff;
	[tilespmem:s22+$0x100] =	vst v5  }
0x2ad: {  	v16 =	vadd.s32 s25, v1;
	s25 =	sadd.s32 $0x3, s23;
	v6 =	vld.idx.msk [tilespmem:v9+s9+$0x0], $0xffff;
	[tilespmem:s22+$0xFFFFFE00] =	vst v4;
	s22 =	sadd.s32 $0x400, s22  }
.Ltmp12:
0x2ae: {  	v11 =	vadd.s32 s25, v1;
	s25 =	sadd.s32 $0x4, s23;
	v5 =	vld.idx.msk [tilespmem:v10+s9+$0x0], $0xffff;
	[tilespmem:s22+$0x180] =	vst v2;
	(pc) =	sbr.rel @p0 .LBB2_23-.Ltmp12, $4  }
0x2af: {  	v12 =	vadd.s32 s25, v1;
	s25 =	sadd.s32 $0x5, s23;
	v4 =	vld.idx.msk [tilespmem:v8+s9+$0x0], $0xffff;
	[tilespmem:s22+$0xFFFFFE80] =	vst v3  }
0x2b0: {  	v9 =	vadd.s32 s25, v1;
	s25 =	sadd.s32 $0x6, s23;
	v2 =	vld.idx.msk [tilespmem:v0+s9+$0x0], $0xffff;
	[tilespmem:s22+$0xFFFFFF00] =	vst v7  }
0x2b1: {  	v10 =	vadd.s32 s25, v1;
	v3 =	vld.idx.msk [tilespmem:v14+s9+$0x0], $0xffff;
	[tilespmem:s22+$0xFFFFFF80] =	vst v13  }
0x2b2: {  	v8 =	vadd.s32 s23, v1;
	s23 =	smov.u32 s24;
	s25 =	sadd.s32 $0x7, s24;
	s24 =	sadd.s32 $0x8, s24;
	v7 =	vld.idx.msk [tilespmem:v16+s9+$0x0], $0xffff;
	[tilespmem:s22+$0x0] =	vst v15  }
0x2b3: {  	_ =	sdelay $0x2  }
0x2b4: {  	[tilespmem:s22+$0x80] =	vst v6  }
0x2b5: {  	s24 =	sadd.s32 $0x1, s23;
	v0 =	vadd.s32 s25, v1;
	v6 =	vld.idx.msk [tilespmem:v11+s9+$0x0], $0xffff;
	[tilespmem:s22+$0x100] =	vst v5  }
0x2b6: {  	s31 =	sadd.s32 $0x2, s23;
	v11 =	vld.idx.msk [tilespmem:v12+s9+$0x0], $0xffff;
	s25 =	sadd.s32 $0x400, s22;
	v5 =	vadd.s32 s24, v1;
	[tilespmem:s22+$0xFFFFFE00] =	vst v4  }
0x2b7: {  	s26 =	sadd.s32 $0x3, s23;
	v9 =	vld.idx.msk [tilespmem:v9+s9+$0x0], $0xffff;
	v4 =	vadd.s32 s31, v1;
	[tilespmem:s25+$0x180] =	vst v2  }
0x2b8: {  	s28 =	sadd.s32 $0x4, s23;
	v10 =	vld.idx.msk [tilespmem:v10+s9+$0x0], $0xffff;
	v2 =	vadd.s32 s26, v1;
	[tilespmem:s25+$0xFFFFFE80] =	vst v3  }
0x2b9: {  	s29 =	sadd.s32 $0x5, s23;
	v8 =	vld.idx.msk [tilespmem:v8+s9+$0x0], $0xffff;
	v3 =	vadd.s32 s28, v1;
	[tilespmem:s25+$0xFFFFFF00] =	vst v7  }
0x2ba: {  	s30 =	sadd.s32 $0x6, s23;
	v7 =	vadd.s32 s29, v1;
	v0 =	vld.idx.msk [tilespmem:v0+s9+$0x0], $0xffff;
	[tilespmem:s25+$0xFFFFFF80] =	vst v6  }
0x2bb: {  	v6 =	vadd.s32 s30, v1;
	[tilespmem:s25+$0x0] =	vst v11;
	v5 =	vld.idx.msk [tilespmem:v5+s9+$0x0], $0xffff  }
0x2bc: {  	v1 =	vadd.s32 s23, v1;
	[tilespmem:s25+$0x80] =	vst v9;
	v4 =	vld.idx.msk [tilespmem:v4+s9+$0x0], $0xffff  }
0x2bd: {  	[tilespmem:s25+$0x100] =	vst v10;
	v2 =	vld.idx.msk [tilespmem:v2+s9+$0x0], $0xffff  }
0x2be: {  	s22 =	sadd.s32 $0x400, s25;
	[tilespmem:s25+$0xFFFFFE00] =	vst v8;
	v3 =	vld.idx.msk [tilespmem:v3+s9+$0x0], $0xffff  }
0x2bf: {  	v7 =	vld.idx.msk [tilespmem:v7+s9+$0x0], $0xffff;
	[tilespmem:s22+$0x180] =	vst v0  }
0x2c0: {  	v0 =	vld.idx.msk [tilespmem:v6+s9+$0x0], $0xffff;
	[tilespmem:s22+$0xFFFFFE80] =	vst v5  }
0x2c1: {  	s31 =	sadd.s32 $0xC81, s20;
	v1 =	vld.idx.msk [tilespmem:v1+s9+$0x0], $0xffff;
	[tilespmem:s22+$0xFFFFFF00] =	vst v4  }
0x2c2: {  	[tilespmem:s22+$0xFFFFFF80] =	vst v2;
	v2 =	vadd.s32 s31, v58  }
0x2c3: {  	[tilespmem:s22+$0x0] =	vst v3  }
0x2c4: {  	[tilespmem:s22+$0x80] =	vst v7  }
0x2c5: {  	[tilespmem:s22+$0x100] =	vst v0  }
0x2c6: {  	[tilespmem:s22+$0xFFFFFE00] =	vst v1;
	s22 =	simm.s32 $0x0  }
0x2c7: {  	v0 =	vld.idx.msk [tilespmem:v2+s22+$0x0], $0xffff;
	_ =	sdelay $0x4  }
0x2c8: {  	vm0 =	vlt.s32 v0, $0x3E7  }
0x2c9: {  	v0 =	vnsel vm0, $0x3E7, v0  }
0x2ca: {  	v1 =	vmul.u32 $0x41, v0  }
0x2cb: {  	s24 =	simm.s32 $0x7  }
0x2cc: {  	s25 =	simm.s32 $0x1;
	v0 =	vadd.s32 s24, v1  }
0x2cd: {  	s26 =	simm.s32 $0x2;
	v2 =	vadd.s32 s25, v1  }
0x2ce: {  	s28 =	simm.s32 $0x3;
	v3 =	vadd.s32 s26, v1  }
0x2cf: {  	s29 =	simm.s32 $0x4;
	v4 =	vadd.s32 s28, v1  }
0x2d0: {  	s30 =	simm.s32 $0x5;
	v5 =	vadd.s32 s29, v1  }
0x2d1: {  	s31 =	simm.s32 $0x6;
	v6 =	vadd.s32 s30, v1;
	v0 =	vld.idx.msk [tilespmem:v0+s9+$0x0], $0xffff  }
0x2d2: {  	v7 =	vadd.s32 s31, v1;
	v2 =	vld.idx.msk [tilespmem:v2+s9+$0x0], $0xffff  }
0x2d3: {  	s24 =	simm.s32 $0xF;
	v8 =	vadd.s32 s22, v1;
	v3 =	vld.idx.msk [tilespmem:v3+s9+$0x0], $0xffff  }
0x2d4: {  	s26 =	simm.s32 $0xA;
	v9 =	vadd.s32 s24, v1;
	v10 =	vld.idx.msk [tilespmem:v4+s9+$0x0], $0xffff  }
0x2d5: {  	s25 =	simm.s32 $0x9;
	v15 =	vadd.s32 s26, v1;
	v14 =	vld.idx.msk [tilespmem:v5+s9+$0x0], $0xffff  }
0x2d6: {  	s22 =	simm.s32 $0x18410;
	s28 =	simm.s32 $0xB;
	v13 =	vadd.s32 s25, v1;
	v6 =	vld.idx.msk [tilespmem:v6+s9+$0x0], $0xffff  }
0x2d7: {  	s29 =	simm.s32 $0xC;
	v11 =	vadd.s32 s28, v1;
	v5 =	vld.idx.msk [tilespmem:v7+s9+$0x0], $0xffff;
	[tilespmem:s22+$0x180] =	vst v0  }
0x2d8: {  	s30 =	simm.s32 $0xD;
	v12 =	vadd.s32 s29, v1;
	v4 =	vld.idx.msk [tilespmem:v8+s9+$0x0], $0xffff;
	[tilespmem:s22+$0xFFFFFE80] =	vst v2  }
0x2d9: {  	s31 =	simm.s32 $0xE;
	v2 =	vld.idx.msk [tilespmem:v9+s9+$0x0], $0xffff;
	[tilespmem:s22+$0xFFFFFF00] =	vst v3;
	v9 =	vadd.s32 s30, v1  }
0x2da: {  	s26 =	simm.s32 $0x8;
	v7 =	vld.idx.msk [tilespmem:v15+s9+$0x0], $0xffff;
	[tilespmem:s22+$0xFFFFFF80] =	vst v10;
	v10 =	vadd.s32 s31, v1  }
0x2db: {  	s23 =	simm.s32 $0x10;
	s25 =	simm.s32 $0x17;
	s24 =	simm.s32 $0x18;
	v8 =	vadd.s32 s26, v1;
	v3 =	vld.idx.msk [tilespmem:v13+s9+$0x0], $0xffff;
	[tilespmem:s22+$0x0] =	vst v14  }
.LBB2_25:
0x2dc: {  	p0 =	slt.u32 s24, $0x38;
	s26 =	sadd.s32 $0x1, s23;
	v0 =	vadd.s32 s25, v1;
	v13 =	vld.idx.msk [tilespmem:v11+s9+$0x0], $0xffff;
	[tilespmem:s22+$0x80] =	vst v6  }
0x2dd: {  	s25 =	sadd.s32 $0x2, s23;
	v14 =	vadd.s32 s26, v1;
	v15 =	vld.idx.msk [tilespmem:v12+s9+$0x0], $0xffff;
	[tilespmem:s22+$0x100] =	vst v5  }
0x2de: {  	v16 =	vadd.s32 s25, v1;
	s25 =	sadd.s32 $0x3, s23;
	v6 =	vld.idx.msk [tilespmem:v9+s9+$0x0], $0xffff;
	[tilespmem:s22+$0xFFFFFE00] =	vst v4;
	s22 =	sadd.s32 $0x400, s22  }
.Ltmp13:
0x2df: {  	v11 =	vadd.s32 s25, v1;
	s25 =	sadd.s32 $0x4, s23;
	v5 =	vld.idx.msk [tilespmem:v10+s9+$0x0], $0xffff;
	[tilespmem:s22+$0x180] =	vst v2;
	(pc) =	sbr.rel @p0 .LBB2_25-.Ltmp13, $4  }
0x2e0: {  	v12 =	vadd.s32 s25, v1;
	s25 =	sadd.s32 $0x5, s23;
	v4 =	vld.idx.msk [tilespmem:v8+s9+$0x0], $0xffff;
	[tilespmem:s22+$0xFFFFFE80] =	vst v3  }
0x2e1: {  	v9 =	vadd.s32 s25, v1;
	s25 =	sadd.s32 $0x6, s23;
	v2 =	vld.idx.msk [tilespmem:v0+s9+$0x0], $0xffff;
	[tilespmem:s22+$0xFFFFFF00] =	vst v7  }
0x2e2: {  	v10 =	vadd.s32 s25, v1;
	v3 =	vld.idx.msk [tilespmem:v14+s9+$0x0], $0xffff;
	[tilespmem:s22+$0xFFFFFF80] =	vst v13  }
0x2e3: {  	v8 =	vadd.s32 s23, v1;
	s23 =	smov.u32 s24;
	s25 =	sadd.s32 $0x7, s24;
	s24 =	sadd.s32 $0x8, s24;
	v7 =	vld.idx.msk [tilespmem:v16+s9+$0x0], $0xffff;
	[tilespmem:s22+$0x0] =	vst v15  }
0x2e4: {  	_ =	sdelay $0x2  }
0x2e5: {  	[tilespmem:s22+$0x80] =	vst v6  }
0x2e6: {  	s24 =	sadd.s32 $0x1, s23;
	v0 =	vadd.s32 s25, v1;
	v6 =	vld.idx.msk [tilespmem:v11+s9+$0x0], $0xffff;
	[tilespmem:s22+$0x100] =	vst v5  }
0x2e7: {  	s31 =	sadd.s32 $0x2, s23;
	v11 =	vld.idx.msk [tilespmem:v12+s9+$0x0], $0xffff;
	s25 =	sadd.s32 $0x400, s22;
	v5 =	vadd.s32 s24, v1;
	[tilespmem:s22+$0xFFFFFE00] =	vst v4  }
0x2e8: {  	s26 =	sadd.s32 $0x3, s23;
	v9 =	vld.idx.msk [tilespmem:v9+s9+$0x0], $0xffff;
	v4 =	vadd.s32 s31, v1;
	[tilespmem:s25+$0x180] =	vst v2  }
0x2e9: {  	s28 =	sadd.s32 $0x4, s23;
	v10 =	vld.idx.msk [tilespmem:v10+s9+$0x0], $0xffff;
	v2 =	vadd.s32 s26, v1;
	[tilespmem:s25+$0xFFFFFE80] =	vst v3  }
0x2ea: {  	s29 =	sadd.s32 $0x5, s23;
	v8 =	vld.idx.msk [tilespmem:v8+s9+$0x0], $0xffff;
	v3 =	vadd.s32 s28, v1;
	[tilespmem:s25+$0xFFFFFF00] =	vst v7  }
0x2eb: {  	s30 =	sadd.s32 $0x6, s23;
	v7 =	vadd.s32 s29, v1;
	v0 =	vld.idx.msk [tilespmem:v0+s9+$0x0], $0xffff;
	[tilespmem:s25+$0xFFFFFF80] =	vst v6  }
0x2ec: {  	v6 =	vadd.s32 s30, v1;
	[tilespmem:s25+$0x0] =	vst v11;
	v5 =	vld.idx.msk [tilespmem:v5+s9+$0x0], $0xffff  }
0x2ed: {  	v1 =	vadd.s32 s23, v1;
	[tilespmem:s25+$0x80] =	vst v9;
	v4 =	vld.idx.msk [tilespmem:v4+s9+$0x0], $0xffff  }
0x2ee: {  	[tilespmem:s25+$0x100] =	vst v10;
	v2 =	vld.idx.msk [tilespmem:v2+s9+$0x0], $0xffff  }
0x2ef: {  	s22 =	sadd.s32 $0x400, s25;
	[tilespmem:s25+$0xFFFFFE00] =	vst v8;
	v3 =	vld.idx.msk [tilespmem:v3+s9+$0x0], $0xffff  }
0x2f0: {  	v7 =	vld.idx.msk [tilespmem:v7+s9+$0x0], $0xffff;
	[tilespmem:s22+$0x180] =	vst v0  }
0x2f1: {  	v0 =	vld.idx.msk [tilespmem:v6+s9+$0x0], $0xffff;
	[tilespmem:s22+$0xFFFFFE80] =	vst v5  }
0x2f2: {  	s31 =	sor.u32 $0x1901, s20;
	v1 =	vld.idx.msk [tilespmem:v1+s9+$0x0], $0xffff;
	[tilespmem:s22+$0xFFFFFF00] =	vst v4  }
0x2f3: {  	[tilespmem:s22+$0xFFFFFF80] =	vst v2;
	v2 =	vadd.s32 s31, v58  }
0x2f4: {  	[tilespmem:s22+$0x0] =	vst v3  }
0x2f5: {  	[tilespmem:s22+$0x80] =	vst v7  }
0x2f6: {  	[tilespmem:s22+$0x100] =	vst v0  }
0x2f7: {  	[tilespmem:s22+$0xFFFFFE00] =	vst v1;
	s22 =	simm.s32 $0x0  }
0x2f8: {  	v0 =	vld.idx.msk [tilespmem:v2+s22+$0x0], $0xffff;
	_ =	sdelay $0x4  }
0x2f9: {  	vm0 =	vlt.s32 v0, $0x3E7  }
0x2fa: {  	v0 =	vnsel vm0, $0x3E7, v0  }
0x2fb: {  	v1 =	vmul.u32 $0x41, v0  }
0x2fc: {  	s24 =	simm.s32 $0x7  }
0x2fd: {  	s25 =	simm.s32 $0x1;
	v0 =	vadd.s32 s24, v1  }
0x2fe: {  	s26 =	simm.s32 $0x2;
	v2 =	vadd.s32 s25, v1  }
0x2ff: {  	s28 =	simm.s32 $0x3;
	v3 =	vadd.s32 s26, v1  }
0x300: {  	s29 =	simm.s32 $0x4;
	v4 =	vadd.s32 s28, v1  }
0x301: {  	s30 =	simm.s32 $0x5;
	v5 =	vadd.s32 s29, v1  }
0x302: {  	s31 =	simm.s32 $0x6;
	v6 =	vadd.s32 s30, v1;
	v0 =	vld.idx.msk [tilespmem:v0+s9+$0x0], $0xffff  }
0x303: {  	v7 =	vadd.s32 s31, v1;
	v2 =	vld.idx.msk [tilespmem:v2+s9+$0x0], $0xffff  }
0x304: {  	s24 =	simm.s32 $0xF;
	v8 =	vadd.s32 s22, v1;
	v3 =	vld.idx.msk [tilespmem:v3+s9+$0x0], $0xffff  }
0x305: {  	s26 =	simm.s32 $0xA;
	v9 =	vadd.s32 s24, v1;
	v10 =	vld.idx.msk [tilespmem:v4+s9+$0x0], $0xffff  }
0x306: {  	s25 =	simm.s32 $0x9;
	v15 =	vadd.s32 s26, v1;
	v14 =	vld.idx.msk [tilespmem:v5+s9+$0x0], $0xffff  }
0x307: {  	s22 =	simm.s32 $0x18420;
	s28 =	simm.s32 $0xB;
	v13 =	vadd.s32 s25, v1;
	v6 =	vld.idx.msk [tilespmem:v6+s9+$0x0], $0xffff  }
0x308: {  	s29 =	simm.s32 $0xC;
	v11 =	vadd.s32 s28, v1;
	v5 =	vld.idx.msk [tilespmem:v7+s9+$0x0], $0xffff;
	[tilespmem:s22+$0x180] =	vst v0  }
0x309: {  	s30 =	simm.s32 $0xD;
	v12 =	vadd.s32 s29, v1;
	v4 =	vld.idx.msk [tilespmem:v8+s9+$0x0], $0xffff;
	[tilespmem:s22+$0xFFFFFE80] =	vst v2  }
0x30a: {  	s31 =	simm.s32 $0xE;
	v2 =	vld.idx.msk [tilespmem:v9+s9+$0x0], $0xffff;
	[tilespmem:s22+$0xFFFFFF00] =	vst v3;
	v9 =	vadd.s32 s30, v1  }
0x30b: {  	s26 =	simm.s32 $0x8;
	v7 =	vld.idx.msk [tilespmem:v15+s9+$0x0], $0xffff;
	[tilespmem:s22+$0xFFFFFF80] =	vst v10;
	v10 =	vadd.s32 s31, v1  }
0x30c: {  	s23 =	simm.s32 $0x10;
	s25 =	simm.s32 $0x17;
	s24 =	simm.s32 $0x18;
	v8 =	vadd.s32 s26, v1;
	v3 =	vld.idx.msk [tilespmem:v13+s9+$0x0], $0xffff;
	[tilespmem:s22+$0x0] =	vst v14  }
.LBB2_27:
0x30d: {  	p0 =	slt.u32 s24, $0x38;
	s26 =	sadd.s32 $0x1, s23;
	v0 =	vadd.s32 s25, v1;
	v13 =	vld.idx.msk [tilespmem:v11+s9+$0x0], $0xffff;
	[tilespmem:s22+$0x80] =	vst v6  }
0x30e: {  	s25 =	sadd.s32 $0x2, s23;
	v14 =	vadd.s32 s26, v1;
	v15 =	vld.idx.msk [tilespmem:v12+s9+$0x0], $0xffff;
	[tilespmem:s22+$0x100] =	vst v5  }
0x30f: {  	v16 =	vadd.s32 s25, v1;
	s25 =	sadd.s32 $0x3, s23;
	v6 =	vld.idx.msk [tilespmem:v9+s9+$0x0], $0xffff;
	[tilespmem:s22+$0xFFFFFE00] =	vst v4;
	s22 =	sadd.s32 $0x400, s22  }
.Ltmp14:
0x310: {  	v11 =	vadd.s32 s25, v1;
	s25 =	sadd.s32 $0x4, s23;
	v5 =	vld.idx.msk [tilespmem:v10+s9+$0x0], $0xffff;
	[tilespmem:s22+$0x180] =	vst v2;
	(pc) =	sbr.rel @p0 .LBB2_27-.Ltmp14, $4  }
0x311: {  	v12 =	vadd.s32 s25, v1;
	s25 =	sadd.s32 $0x5, s23;
	v4 =	vld.idx.msk [tilespmem:v8+s9+$0x0], $0xffff;
	[tilespmem:s22+$0xFFFFFE80] =	vst v3  }
0x312: {  	v9 =	vadd.s32 s25, v1;
	s25 =	sadd.s32 $0x6, s23;
	v2 =	vld.idx.msk [tilespmem:v0+s9+$0x0], $0xffff;
	[tilespmem:s22+$0xFFFFFF00] =	vst v7  }
0x313: {  	v10 =	vadd.s32 s25, v1;
	v3 =	vld.idx.msk [tilespmem:v14+s9+$0x0], $0xffff;
	[tilespmem:s22+$0xFFFFFF80] =	vst v13  }
0x314: {  	v8 =	vadd.s32 s23, v1;
	s23 =	smov.u32 s24;
	s25 =	sadd.s32 $0x7, s24;
	s24 =	sadd.s32 $0x8, s24;
	v7 =	vld.idx.msk [tilespmem:v16+s9+$0x0], $0xffff;
	[tilespmem:s22+$0x0] =	vst v15  }
0x315: {  	_ =	sdelay $0x2  }
0x316: {  	[tilespmem:s22+$0x80] =	vst v6  }
0x317: {  	s24 =	sadd.s32 $0x1, s23;
	v0 =	vadd.s32 s25, v1;
	v6 =	vld.idx.msk [tilespmem:v11+s9+$0x0], $0xffff;
	[tilespmem:s22+$0x100] =	vst v5  }
0x318: {  	s31 =	sadd.s32 $0x2, s23;
	v11 =	vld.idx.msk [tilespmem:v12+s9+$0x0], $0xffff;
	s25 =	sadd.s32 $0x400, s22;
	v5 =	vadd.s32 s24, v1;
	[tilespmem:s22+$0xFFFFFE00] =	vst v4  }
0x319: {  	s26 =	sadd.s32 $0x3, s23;
	v9 =	vld.idx.msk [tilespmem:v9+s9+$0x0], $0xffff;
	v4 =	vadd.s32 s31, v1;
	[tilespmem:s25+$0x180] =	vst v2  }
0x31a: {  	s28 =	sadd.s32 $0x4, s23;
	v10 =	vld.idx.msk [tilespmem:v10+s9+$0x0], $0xffff;
	v2 =	vadd.s32 s26, v1;
	[tilespmem:s25+$0xFFFFFE80] =	vst v3  }
0x31b: {  	s29 =	sadd.s32 $0x5, s23;
	v8 =	vld.idx.msk [tilespmem:v8+s9+$0x0], $0xffff;
	v3 =	vadd.s32 s28, v1;
	[tilespmem:s25+$0xFFFFFF00] =	vst v7  }
0x31c: {  	s30 =	sadd.s32 $0x6, s23;
	v7 =	vadd.s32 s29, v1;
	v0 =	vld.idx.msk [tilespmem:v0+s9+$0x0], $0xffff;
	[tilespmem:s25+$0xFFFFFF80] =	vst v6  }
0x31d: {  	v6 =	vadd.s32 s30, v1;
	[tilespmem:s25+$0x0] =	vst v11;
	v5 =	vld.idx.msk [tilespmem:v5+s9+$0x0], $0xffff  }
0x31e: {  	v1 =	vadd.s32 s23, v1;
	[tilespmem:s25+$0x80] =	vst v9;
	v4 =	vld.idx.msk [tilespmem:v4+s9+$0x0], $0xffff  }
0x31f: {  	[tilespmem:s25+$0x100] =	vst v10;
	v2 =	vld.idx.msk [tilespmem:v2+s9+$0x0], $0xffff  }
0x320: {  	s22 =	sadd.s32 $0x400, s25;
	[tilespmem:s25+$0xFFFFFE00] =	vst v8;
	v3 =	vld.idx.msk [tilespmem:v3+s9+$0x0], $0xffff  }
0x321: {  	v7 =	vld.idx.msk [tilespmem:v7+s9+$0x0], $0xffff;
	[tilespmem:s22+$0x180] =	vst v0  }
0x322: {  	v0 =	vld.idx.msk [tilespmem:v6+s9+$0x0], $0xffff;
	[tilespmem:s22+$0xFFFFFE80] =	vst v5  }
0x323: {  	s31 =	sadd.s32 $0x2581, s20;
	v1 =	vld.idx.msk [tilespmem:v1+s9+$0x0], $0xffff;
	[tilespmem:s22+$0xFFFFFF00] =	vst v4  }
0x324: {  	[tilespmem:s22+$0xFFFFFF80] =	vst v2;
	v2 =	vadd.s32 s31, v58  }
0x325: {  	[tilespmem:s22+$0x0] =	vst v3  }
0x326: {  	[tilespmem:s22+$0x80] =	vst v7  }
0x327: {  	[tilespmem:s22+$0x100] =	vst v0  }
0x328: {  	[tilespmem:s22+$0xFFFFFE00] =	vst v1;
	s22 =	simm.s32 $0x0  }
0x329: {  	v0 =	vld.idx.msk [tilespmem:v2+s22+$0x0], $0xffff;
	_ =	sdelay $0x4  }
0x32a: {  	vm0 =	vlt.s32 v0, $0x3E7  }
0x32b: {  	v0 =	vnsel vm0, $0x3E7, v0  }
0x32c: {  	v1 =	vmul.u32 $0x41, v0  }
0x32d: {  	s24 =	simm.s32 $0x7  }
0x32e: {  	s25 =	simm.s32 $0x1;
	v0 =	vadd.s32 s24, v1  }
0x32f: {  	s26 =	simm.s32 $0x2;
	v2 =	vadd.s32 s25, v1  }
0x330: {  	s28 =	simm.s32 $0x3;
	v3 =	vadd.s32 s26, v1  }
0x331: {  	s29 =	simm.s32 $0x4;
	v4 =	vadd.s32 s28, v1  }
0x332: {  	s30 =	simm.s32 $0x5;
	v5 =	vadd.s32 s29, v1  }
0x333: {  	s31 =	simm.s32 $0x6;
	v6 =	vadd.s32 s30, v1;
	v0 =	vld.idx.msk [tilespmem:v0+s9+$0x0], $0xffff  }
0x334: {  	v7 =	vadd.s32 s31, v1;
	v2 =	vld.idx.msk [tilespmem:v2+s9+$0x0], $0xffff  }
0x335: {  	s24 =	simm.s32 $0xF;
	v8 =	vadd.s32 s22, v1;
	v3 =	vld.idx.msk [tilespmem:v3+s9+$0x0], $0xffff  }
0x336: {  	s26 =	simm.s32 $0xA;
	v9 =	vadd.s32 s24, v1;
	v10 =	vld.idx.msk [tilespmem:v4+s9+$0x0], $0xffff  }
0x337: {  	s25 =	simm.s32 $0x9;
	v15 =	vadd.s32 s26, v1;
	v14 =	vld.idx.msk [tilespmem:v5+s9+$0x0], $0xffff  }
0x338: {  	s22 =	simm.s32 $0x18430;
	s28 =	simm.s32 $0xB;
	v13 =	vadd.s32 s25, v1;
	v6 =	vld.idx.msk [tilespmem:v6+s9+$0x0], $0xffff  }
0x339: {  	s29 =	simm.s32 $0xC;
	v11 =	vadd.s32 s28, v1;
	v5 =	vld.idx.msk [tilespmem:v7+s9+$0x0], $0xffff;
	[tilespmem:s22+$0x180] =	vst v0  }
0x33a: {  	s30 =	simm.s32 $0xD;
	v12 =	vadd.s32 s29, v1;
	v4 =	vld.idx.msk [tilespmem:v8+s9+$0x0], $0xffff;
	[tilespmem:s22+$0xFFFFFE80] =	vst v2  }
0x33b: {  	s31 =	simm.s32 $0xE;
	v2 =	vld.idx.msk [tilespmem:v9+s9+$0x0], $0xffff;
	[tilespmem:s22+$0xFFFFFF00] =	vst v3;
	v9 =	vadd.s32 s30, v1  }
0x33c: {  	s26 =	simm.s32 $0x8;
	v7 =	vld.idx.msk [tilespmem:v15+s9+$0x0], $0xffff;
	[tilespmem:s22+$0xFFFFFF80] =	vst v10;
	v10 =	vadd.s32 s31, v1  }
0x33d: {  	s23 =	simm.s32 $0x10;
	s25 =	simm.s32 $0x17;
	s24 =	simm.s32 $0x18;
	v8 =	vadd.s32 s26, v1;
	v3 =	vld.idx.msk [tilespmem:v13+s9+$0x0], $0xffff;
	[tilespmem:s22+$0x0] =	vst v14  }
.LBB2_29:
0x33e: {  	p0 =	slt.u32 s24, $0x38;
	s26 =	sadd.s32 $0x1, s23;
	v0 =	vadd.s32 s25, v1;
	v13 =	vld.idx.msk [tilespmem:v11+s9+$0x0], $0xffff;
	[tilespmem:s22+$0x80] =	vst v6  }
0x33f: {  	s25 =	sadd.s32 $0x2, s23;
	v14 =	vadd.s32 s26, v1;
	v15 =	vld.idx.msk [tilespmem:v12+s9+$0x0], $0xffff;
	[tilespmem:s22+$0x100] =	vst v5  }
0x340: {  	v16 =	vadd.s32 s25, v1;
	s25 =	sadd.s32 $0x3, s23;
	v6 =	vld.idx.msk [tilespmem:v9+s9+$0x0], $0xffff;
	[tilespmem:s22+$0xFFFFFE00] =	vst v4;
	s22 =	sadd.s32 $0x400, s22  }
.Ltmp15:
0x341: {  	v11 =	vadd.s32 s25, v1;
	s25 =	sadd.s32 $0x4, s23;
	v5 =	vld.idx.msk [tilespmem:v10+s9+$0x0], $0xffff;
	[tilespmem:s22+$0x180] =	vst v2;
	(pc) =	sbr.rel @p0 .LBB2_29-.Ltmp15, $4  }
0x342: {  	v12 =	vadd.s32 s25, v1;
	s25 =	sadd.s32 $0x5, s23;
	v4 =	vld.idx.msk [tilespmem:v8+s9+$0x0], $0xffff;
	[tilespmem:s22+$0xFFFFFE80] =	vst v3  }
0x343: {  	v9 =	vadd.s32 s25, v1;
	s25 =	sadd.s32 $0x6, s23;
	v2 =	vld.idx.msk [tilespmem:v0+s9+$0x0], $0xffff;
	[tilespmem:s22+$0xFFFFFF00] =	vst v7  }
0x344: {  	v10 =	vadd.s32 s25, v1;
	v3 =	vld.idx.msk [tilespmem:v14+s9+$0x0], $0xffff;
	[tilespmem:s22+$0xFFFFFF80] =	vst v13  }
0x345: {  	v8 =	vadd.s32 s23, v1;
	s23 =	smov.u32 s24;
	s25 =	sadd.s32 $0x7, s24;
	s24 =	sadd.s32 $0x8, s24;
	v7 =	vld.idx.msk [tilespmem:v16+s9+$0x0], $0xffff;
	[tilespmem:s22+$0x0] =	vst v15  }
0x346: {  	_ =	sdelay $0x2  }
0x347: {  	[tilespmem:s22+$0x80] =	vst v6  }
0x348: {  	s24 =	sadd.s32 $0x1, s23;
	v0 =	vadd.s32 s25, v1;
	v6 =	vld.idx.msk [tilespmem:v11+s9+$0x0], $0xffff;
	[tilespmem:s22+$0x100] =	vst v5  }
0x349: {  	s31 =	sadd.s32 $0x2, s23;
	v11 =	vld.idx.msk [tilespmem:v12+s9+$0x0], $0xffff;
	s25 =	sadd.s32 $0x400, s22;
	v5 =	vadd.s32 s24, v1;
	[tilespmem:s22+$0xFFFFFE00] =	vst v4  }
0x34a: {  	s26 =	sadd.s32 $0x3, s23;
	v9 =	vld.idx.msk [tilespmem:v9+s9+$0x0], $0xffff;
	v4 =	vadd.s32 s31, v1;
	[tilespmem:s25+$0x180] =	vst v2  }
0x34b: {  	s28 =	sadd.s32 $0x4, s23;
	v10 =	vld.idx.msk [tilespmem:v10+s9+$0x0], $0xffff;
	v2 =	vadd.s32 s26, v1;
	[tilespmem:s25+$0xFFFFFE80] =	vst v3  }
0x34c: {  	s29 =	sadd.s32 $0x5, s23;
	v8 =	vld.idx.msk [tilespmem:v8+s9+$0x0], $0xffff;
	v3 =	vadd.s32 s28, v1;
	[tilespmem:s25+$0xFFFFFF00] =	vst v7  }
0x34d: {  	s30 =	sadd.s32 $0x6, s23;
	v7 =	vadd.s32 s29, v1;
	v0 =	vld.idx.msk [tilespmem:v0+s9+$0x0], $0xffff;
	[tilespmem:s25+$0xFFFFFF80] =	vst v6  }
0x34e: {  	v6 =	vadd.s32 s30, v1;
	[tilespmem:s25+$0x0] =	vst v11;
	v5 =	vld.idx.msk [tilespmem:v5+s9+$0x0], $0xffff  }
0x34f: {  	v1 =	vadd.s32 s23, v1;
	[tilespmem:s25+$0x80] =	vst v9;
	v4 =	vld.idx.msk [tilespmem:v4+s9+$0x0], $0xffff  }
0x350: {  	[tilespmem:s25+$0x100] =	vst v10;
	v2 =	vld.idx.msk [tilespmem:v2+s9+$0x0], $0xffff  }
0x351: {  	s22 =	sadd.s32 $0x400, s25;
	[tilespmem:s25+$0xFFFFFE00] =	vst v8;
	v3 =	vld.idx.msk [tilespmem:v3+s9+$0x0], $0xffff  }
0x352: {  	v7 =	vld.idx.msk [tilespmem:v7+s9+$0x0], $0xffff;
	[tilespmem:s22+$0x180] =	vst v0  }
0x353: {  	v0 =	vld.idx.msk [tilespmem:v6+s9+$0x0], $0xffff;
	[tilespmem:s22+$0xFFFFFE80] =	vst v5  }
0x354: {  	s31 =	sor.u32 $0x3201, s20;
	v1 =	vld.idx.msk [tilespmem:v1+s9+$0x0], $0xffff;
	[tilespmem:s22+$0xFFFFFF00] =	vst v4  }
0x355: {  	[tilespmem:s22+$0xFFFFFF80] =	vst v2;
	v2 =	vadd.s32 s31, v58  }
0x356: {  	[tilespmem:s22+$0x0] =	vst v3  }
0x357: {  	[tilespmem:s22+$0x80] =	vst v7  }
0x358: {  	[tilespmem:s22+$0x100] =	vst v0  }
0x359: {  	[tilespmem:s22+$0xFFFFFE00] =	vst v1;
	s22 =	simm.s32 $0x0  }
0x35a: {  	v0 =	vld.idx.msk [tilespmem:v2+s22+$0x0], $0xffff;
	_ =	sdelay $0x4  }
0x35b: {  	vm0 =	vlt.s32 v0, $0x3E7  }
0x35c: {  	v0 =	vnsel vm0, $0x3E7, v0  }
0x35d: {  	v1 =	vmul.u32 $0x41, v0  }
0x35e: {  	s24 =	simm.s32 $0x7  }
0x35f: {  	s25 =	simm.s32 $0x1;
	v0 =	vadd.s32 s24, v1  }
0x360: {  	s26 =	simm.s32 $0x2;
	v2 =	vadd.s32 s25, v1  }
0x361: {  	s28 =	simm.s32 $0x3;
	v3 =	vadd.s32 s26, v1  }
0x362: {  	s29 =	simm.s32 $0x4;
	v4 =	vadd.s32 s28, v1  }
0x363: {  	s30 =	simm.s32 $0x5;
	v5 =	vadd.s32 s29, v1  }
0x364: {  	s31 =	simm.s32 $0x6;
	v6 =	vadd.s32 s30, v1;
	v0 =	vld.idx.msk [tilespmem:v0+s9+$0x0], $0xffff  }
0x365: {  	v7 =	vadd.s32 s31, v1;
	v2 =	vld.idx.msk [tilespmem:v2+s9+$0x0], $0xffff  }
0x366: {  	s24 =	simm.s32 $0xF;
	v8 =	vadd.s32 s22, v1;
	v3 =	vld.idx.msk [tilespmem:v3+s9+$0x0], $0xffff  }
0x367: {  	s26 =	simm.s32 $0xA;
	v9 =	vadd.s32 s24, v1;
	v10 =	vld.idx.msk [tilespmem:v4+s9+$0x0], $0xffff  }
0x368: {  	s25 =	simm.s32 $0x9;
	v15 =	vadd.s32 s26, v1;
	v14 =	vld.idx.msk [tilespmem:v5+s9+$0x0], $0xffff  }
0x369: {  	s22 =	simm.s32 $0x18440;
	s28 =	simm.s32 $0xB;
	v13 =	vadd.s32 s25, v1;
	v6 =	vld.idx.msk [tilespmem:v6+s9+$0x0], $0xffff  }
0x36a: {  	s29 =	simm.s32 $0xC;
	v11 =	vadd.s32 s28, v1;
	v5 =	vld.idx.msk [tilespmem:v7+s9+$0x0], $0xffff;
	[tilespmem:s22+$0x180] =	vst v0  }
0x36b: {  	s30 =	simm.s32 $0xD;
	v12 =	vadd.s32 s29, v1;
	v4 =	vld.idx.msk [tilespmem:v8+s9+$0x0], $0xffff;
	[tilespmem:s22+$0xFFFFFE80] =	vst v2  }
0x36c: {  	s31 =	simm.s32 $0xE;
	v2 =	vld.idx.msk [tilespmem:v9+s9+$0x0], $0xffff;
	[tilespmem:s22+$0xFFFFFF00] =	vst v3;
	v9 =	vadd.s32 s30, v1  }
0x36d: {  	s26 =	simm.s32 $0x8;
	v7 =	vld.idx.msk [tilespmem:v15+s9+$0x0], $0xffff;
	[tilespmem:s22+$0xFFFFFF80] =	vst v10;
	v10 =	vadd.s32 s31, v1  }
0x36e: {  	s23 =	simm.s32 $0x10;
	s25 =	simm.s32 $0x17;
	s24 =	simm.s32 $0x18;
	v8 =	vadd.s32 s26, v1;
	v3 =	vld.idx.msk [tilespmem:v13+s9+$0x0], $0xffff;
	[tilespmem:s22+$0x0] =	vst v14  }
.LBB2_31:
0x36f: {  	p0 =	slt.u32 s24, $0x38;
	s26 =	sadd.s32 $0x1, s23;
	v0 =	vadd.s32 s25, v1;
	v13 =	vld.idx.msk [tilespmem:v11+s9+$0x0], $0xffff;
	[tilespmem:s22+$0x80] =	vst v6  }
0x370: {  	s25 =	sadd.s32 $0x2, s23;
	v14 =	vadd.s32 s26, v1;
	v15 =	vld.idx.msk [tilespmem:v12+s9+$0x0], $0xffff;
	[tilespmem:s22+$0x100] =	vst v5  }
0x371: {  	v16 =	vadd.s32 s25, v1;
	s25 =	sadd.s32 $0x3, s23;
	v6 =	vld.idx.msk [tilespmem:v9+s9+$0x0], $0xffff;
	[tilespmem:s22+$0xFFFFFE00] =	vst v4;
	s22 =	sadd.s32 $0x400, s22  }
.Ltmp16:
0x372: {  	v11 =	vadd.s32 s25, v1;
	s25 =	sadd.s32 $0x4, s23;
	v5 =	vld.idx.msk [tilespmem:v10+s9+$0x0], $0xffff;
	[tilespmem:s22+$0x180] =	vst v2;
	(pc) =	sbr.rel @p0 .LBB2_31-.Ltmp16, $4  }
0x373: {  	v12 =	vadd.s32 s25, v1;
	s25 =	sadd.s32 $0x5, s23;
	v4 =	vld.idx.msk [tilespmem:v8+s9+$0x0], $0xffff;
	[tilespmem:s22+$0xFFFFFE80] =	vst v3  }
0x374: {  	v9 =	vadd.s32 s25, v1;
	s25 =	sadd.s32 $0x6, s23;
	v2 =	vld.idx.msk [tilespmem:v0+s9+$0x0], $0xffff;
	[tilespmem:s22+$0xFFFFFF00] =	vst v7  }
0x375: {  	v10 =	vadd.s32 s25, v1;
	v3 =	vld.idx.msk [tilespmem:v14+s9+$0x0], $0xffff;
	[tilespmem:s22+$0xFFFFFF80] =	vst v13  }
0x376: {  	v8 =	vadd.s32 s23, v1;
	s23 =	smov.u32 s24;
	s25 =	sadd.s32 $0x7, s24;
	s24 =	sadd.s32 $0x8, s24;
	v7 =	vld.idx.msk [tilespmem:v16+s9+$0x0], $0xffff;
	[tilespmem:s22+$0x0] =	vst v15  }
0x377: {  	_ =	sdelay $0x2  }
0x378: {  	[tilespmem:s22+$0x80] =	vst v6  }
0x379: {  	s24 =	sadd.s32 $0x1, s23;
	v0 =	vadd.s32 s25, v1;
	v6 =	vld.idx.msk [tilespmem:v11+s9+$0x0], $0xffff;
	[tilespmem:s22+$0x100] =	vst v5  }
0x37a: {  	s31 =	sadd.s32 $0x2, s23;
	v11 =	vld.idx.msk [tilespmem:v12+s9+$0x0], $0xffff;
	s25 =	sadd.s32 $0x400, s22;
	v5 =	vadd.s32 s24, v1;
	[tilespmem:s22+$0xFFFFFE00] =	vst v4  }
0x37b: {  	s26 =	sadd.s32 $0x3, s23;
	v9 =	vld.idx.msk [tilespmem:v9+s9+$0x0], $0xffff;
	v4 =	vadd.s32 s31, v1;
	[tilespmem:s25+$0x180] =	vst v2  }
0x37c: {  	s28 =	sadd.s32 $0x4, s23;
	v10 =	vld.idx.msk [tilespmem:v10+s9+$0x0], $0xffff;
	v2 =	vadd.s32 s26, v1;
	[tilespmem:s25+$0xFFFFFE80] =	vst v3  }
0x37d: {  	s29 =	sadd.s32 $0x5, s23;
	v8 =	vld.idx.msk [tilespmem:v8+s9+$0x0], $0xffff;
	v3 =	vadd.s32 s28, v1;
	[tilespmem:s25+$0xFFFFFF00] =	vst v7  }
0x37e: {  	s30 =	sadd.s32 $0x6, s23;
	v7 =	vadd.s32 s29, v1;
	v0 =	vld.idx.msk [tilespmem:v0+s9+$0x0], $0xffff;
	[tilespmem:s25+$0xFFFFFF80] =	vst v6  }
0x37f: {  	v6 =	vadd.s32 s30, v1;
	[tilespmem:s25+$0x0] =	vst v11;
	v5 =	vld.idx.msk [tilespmem:v5+s9+$0x0], $0xffff  }
0x380: {  	v1 =	vadd.s32 s23, v1;
	[tilespmem:s25+$0x80] =	vst v9;
	v4 =	vld.idx.msk [tilespmem:v4+s9+$0x0], $0xffff  }
0x381: {  	[tilespmem:s25+$0x100] =	vst v10;
	v2 =	vld.idx.msk [tilespmem:v2+s9+$0x0], $0xffff  }
0x382: {  	s22 =	sadd.s32 $0x400, s25;
	[tilespmem:s25+$0xFFFFFE00] =	vst v8;
	v3 =	vld.idx.msk [tilespmem:v3+s9+$0x0], $0xffff  }
0x383: {  	v7 =	vld.idx.msk [tilespmem:v7+s9+$0x0], $0xffff;
	[tilespmem:s22+$0x180] =	vst v0  }
0x384: {  	v0 =	vld.idx.msk [tilespmem:v6+s9+$0x0], $0xffff;
	[tilespmem:s22+$0xFFFFFE80] =	vst v5  }
0x385: {  	s31 =	sadd.s32 $0x3E81, s20;
	v1 =	vld.idx.msk [tilespmem:v1+s9+$0x0], $0xffff;
	[tilespmem:s22+$0xFFFFFF00] =	vst v4  }
0x386: {  	[tilespmem:s22+$0xFFFFFF80] =	vst v2;
	v2 =	vadd.s32 s31, v58  }
0x387: {  	[tilespmem:s22+$0x0] =	vst v3  }
0x388: {  	[tilespmem:s22+$0x80] =	vst v7  }
0x389: {  	[tilespmem:s22+$0x100] =	vst v0  }
0x38a: {  	[tilespmem:s22+$0xFFFFFE00] =	vst v1;
	s22 =	simm.s32 $0x0  }
0x38b: {  	v0 =	vld.idx.msk [tilespmem:v2+s22+$0x0], $0xffff;
	_ =	sdelay $0x4  }
0x38c: {  	vm0 =	vlt.s32 v0, $0x3E7  }
0x38d: {  	v0 =	vnsel vm0, $0x3E7, v0  }
0x38e: {  	v1 =	vmul.u32 $0x41, v0  }
0x38f: {  	s24 =	simm.s32 $0x7  }
0x390: {  	s25 =	simm.s32 $0x1;
	v0 =	vadd.s32 s24, v1  }
0x391: {  	s26 =	simm.s32 $0x2;
	v2 =	vadd.s32 s25, v1  }
0x392: {  	s28 =	simm.s32 $0x3;
	v3 =	vadd.s32 s26, v1  }
0x393: {  	s29 =	simm.s32 $0x4;
	v4 =	vadd.s32 s28, v1  }
0x394: {  	s30 =	simm.s32 $0x5;
	v5 =	vadd.s32 s29, v1  }
0x395: {  	s31 =	simm.s32 $0x6;
	v6 =	vadd.s32 s30, v1;
	v0 =	vld.idx.msk [tilespmem:v0+s9+$0x0], $0xffff  }
0x396: {  	v7 =	vadd.s32 s31, v1;
	v2 =	vld.idx.msk [tilespmem:v2+s9+$0x0], $0xffff  }
0x397: {  	s24 =	simm.s32 $0xF;
	v8 =	vadd.s32 s22, v1;
	v3 =	vld.idx.msk [tilespmem:v3+s9+$0x0], $0xffff  }
0x398: {  	s26 =	simm.s32 $0xA;
	v9 =	vadd.s32 s24, v1;
	v10 =	vld.idx.msk [tilespmem:v4+s9+$0x0], $0xffff  }
0x399: {  	s25 =	simm.s32 $0x9;
	v15 =	vadd.s32 s26, v1;
	v14 =	vld.idx.msk [tilespmem:v5+s9+$0x0], $0xffff  }
0x39a: {  	s22 =	simm.s32 $0x18450;
	s28 =	simm.s32 $0xB;
	v13 =	vadd.s32 s25, v1;
	v6 =	vld.idx.msk [tilespmem:v6+s9+$0x0], $0xffff  }
0x39b: {  	s29 =	simm.s32 $0xC;
	v11 =	vadd.s32 s28, v1;
	v5 =	vld.idx.msk [tilespmem:v7+s9+$0x0], $0xffff;
	[tilespmem:s22+$0x180] =	vst v0  }
0x39c: {  	s30 =	simm.s32 $0xD;
	v12 =	vadd.s32 s29, v1;
	v4 =	vld.idx.msk [tilespmem:v8+s9+$0x0], $0xffff;
	[tilespmem:s22+$0xFFFFFE80] =	vst v2  }
0x39d: {  	s31 =	simm.s32 $0xE;
	v2 =	vld.idx.msk [tilespmem:v9+s9+$0x0], $0xffff;
	[tilespmem:s22+$0xFFFFFF00] =	vst v3;
	v9 =	vadd.s32 s30, v1  }
0x39e: {  	s26 =	simm.s32 $0x8;
	v7 =	vld.idx.msk [tilespmem:v15+s9+$0x0], $0xffff;
	[tilespmem:s22+$0xFFFFFF80] =	vst v10;
	v10 =	vadd.s32 s31, v1  }
0x39f: {  	s23 =	simm.s32 $0x10;
	s25 =	simm.s32 $0x17;
	s24 =	simm.s32 $0x18;
	v8 =	vadd.s32 s26, v1;
	v3 =	vld.idx.msk [tilespmem:v13+s9+$0x0], $0xffff;
	[tilespmem:s22+$0x0] =	vst v14  }
.LBB2_33:
0x3a0: {  	p0 =	slt.u32 s24, $0x38;
	s26 =	sadd.s32 $0x1, s23;
	v0 =	vadd.s32 s25, v1;
	v13 =	vld.idx.msk [tilespmem:v11+s9+$0x0], $0xffff;
	[tilespmem:s22+$0x80] =	vst v6  }
0x3a1: {  	s25 =	sadd.s32 $0x2, s23;
	v14 =	vadd.s32 s26, v1;
	v15 =	vld.idx.msk [tilespmem:v12+s9+$0x0], $0xffff;
	[tilespmem:s22+$0x100] =	vst v5  }
0x3a2: {  	v16 =	vadd.s32 s25, v1;
	s25 =	sadd.s32 $0x3, s23;
	v6 =	vld.idx.msk [tilespmem:v9+s9+$0x0], $0xffff;
	[tilespmem:s22+$0xFFFFFE00] =	vst v4;
	s22 =	sadd.s32 $0x400, s22  }
.Ltmp17:
0x3a3: {  	v11 =	vadd.s32 s25, v1;
	s25 =	sadd.s32 $0x4, s23;
	v5 =	vld.idx.msk [tilespmem:v10+s9+$0x0], $0xffff;
	[tilespmem:s22+$0x180] =	vst v2;
	(pc) =	sbr.rel @p0 .LBB2_33-.Ltmp17, $4  }
0x3a4: {  	v12 =	vadd.s32 s25, v1;
	s25 =	sadd.s32 $0x5, s23;
	v4 =	vld.idx.msk [tilespmem:v8+s9+$0x0], $0xffff;
	[tilespmem:s22+$0xFFFFFE80] =	vst v3  }
0x3a5: {  	v9 =	vadd.s32 s25, v1;
	s25 =	sadd.s32 $0x6, s23;
	v2 =	vld.idx.msk [tilespmem:v0+s9+$0x0], $0xffff;
	[tilespmem:s22+$0xFFFFFF00] =	vst v7  }
0x3a6: {  	v10 =	vadd.s32 s25, v1;
	v3 =	vld.idx.msk [tilespmem:v14+s9+$0x0], $0xffff;
	[tilespmem:s22+$0xFFFFFF80] =	vst v13  }
0x3a7: {  	v8 =	vadd.s32 s23, v1;
	s23 =	smov.u32 s24;
	s25 =	sadd.s32 $0x7, s24;
	s24 =	sadd.s32 $0x8, s24;
	v7 =	vld.idx.msk [tilespmem:v16+s9+$0x0], $0xffff;
	[tilespmem:s22+$0x0] =	vst v15  }
0x3a8: {  	_ =	sdelay $0x2  }
0x3a9: {  	[tilespmem:s22+$0x80] =	vst v6  }
0x3aa: {  	s24 =	sadd.s32 $0x1, s23;
	v0 =	vadd.s32 s25, v1;
	v6 =	vld.idx.msk [tilespmem:v11+s9+$0x0], $0xffff;
	[tilespmem:s22+$0x100] =	vst v5  }
0x3ab: {  	s31 =	sadd.s32 $0x2, s23;
	v11 =	vld.idx.msk [tilespmem:v12+s9+$0x0], $0xffff;
	s25 =	sadd.s32 $0x400, s22;
	v5 =	vadd.s32 s24, v1;
	[tilespmem:s22+$0xFFFFFE00] =	vst v4  }
0x3ac: {  	s26 =	sadd.s32 $0x3, s23;
	v9 =	vld.idx.msk [tilespmem:v9+s9+$0x0], $0xffff;
	v4 =	vadd.s32 s31, v1;
	[tilespmem:s25+$0x180] =	vst v2  }
0x3ad: {  	s28 =	sadd.s32 $0x4, s23;
	v10 =	vld.idx.msk [tilespmem:v10+s9+$0x0], $0xffff;
	v2 =	vadd.s32 s26, v1;
	[tilespmem:s25+$0xFFFFFE80] =	vst v3  }
0x3ae: {  	s29 =	sadd.s32 $0x5, s23;
	v8 =	vld.idx.msk [tilespmem:v8+s9+$0x0], $0xffff;
	v3 =	vadd.s32 s28, v1;
	[tilespmem:s25+$0xFFFFFF00] =	vst v7  }
0x3af: {  	s30 =	sadd.s32 $0x6, s23;
	v7 =	vadd.s32 s29, v1;
	v0 =	vld.idx.msk [tilespmem:v0+s9+$0x0], $0xffff;
	[tilespmem:s25+$0xFFFFFF80] =	vst v6  }
0x3b0: {  	v6 =	vadd.s32 s30, v1;
	[tilespmem:s25+$0x0] =	vst v11;
	v5 =	vld.idx.msk [tilespmem:v5+s9+$0x0], $0xffff  }
0x3b1: {  	v1 =	vadd.s32 s23, v1;
	[tilespmem:s25+$0x80] =	vst v9;
	v4 =	vld.idx.msk [tilespmem:v4+s9+$0x0], $0xffff  }
0x3b2: {  	[tilespmem:s25+$0x100] =	vst v10;
	v2 =	vld.idx.msk [tilespmem:v2+s9+$0x0], $0xffff  }
0x3b3: {  	s22 =	sadd.s32 $0x400, s25;
	[tilespmem:s25+$0xFFFFFE00] =	vst v8;
	v3 =	vld.idx.msk [tilespmem:v3+s9+$0x0], $0xffff  }
0x3b4: {  	v7 =	vld.idx.msk [tilespmem:v7+s9+$0x0], $0xffff;
	[tilespmem:s22+$0x180] =	vst v0  }
0x3b5: {  	v0 =	vld.idx.msk [tilespmem:v6+s9+$0x0], $0xffff;
	[tilespmem:s22+$0xFFFFFE80] =	vst v5  }
0x3b6: {  	s31 =	sor.u32 $0x4B01, s20;
	v1 =	vld.idx.msk [tilespmem:v1+s9+$0x0], $0xffff;
	[tilespmem:s22+$0xFFFFFF00] =	vst v4  }
0x3b7: {  	[tilespmem:s22+$0xFFFFFF80] =	vst v2;
	v2 =	vadd.s32 s31, v58  }
0x3b8: {  	[tilespmem:s22+$0x0] =	vst v3  }
0x3b9: {  	[tilespmem:s22+$0x80] =	vst v7  }
0x3ba: {  	[tilespmem:s22+$0x100] =	vst v0  }
0x3bb: {  	[tilespmem:s22+$0xFFFFFE00] =	vst v1;
	s22 =	simm.s32 $0x0  }
0x3bc: {  	v0 =	vld.idx.msk [tilespmem:v2+s22+$0x0], $0xffff;
	_ =	sdelay $0x4  }
0x3bd: {  	vm0 =	vlt.s32 v0, $0x3E7  }
0x3be: {  	v0 =	vnsel vm0, $0x3E7, v0  }
0x3bf: {  	v1 =	vmul.u32 $0x41, v0  }
0x3c0: {  	s24 =	simm.s32 $0x7  }
0x3c1: {  	s25 =	simm.s32 $0x1;
	v0 =	vadd.s32 s24, v1  }
0x3c2: {  	s26 =	simm.s32 $0x2;
	v2 =	vadd.s32 s25, v1  }
0x3c3: {  	s28 =	simm.s32 $0x3;
	v3 =	vadd.s32 s26, v1  }
0x3c4: {  	s29 =	simm.s32 $0x4;
	v4 =	vadd.s32 s28, v1  }
0x3c5: {  	s30 =	simm.s32 $0x5;
	v5 =	vadd.s32 s29, v1  }
0x3c6: {  	s31 =	simm.s32 $0x6;
	v6 =	vadd.s32 s30, v1;
	v0 =	vld.idx.msk [tilespmem:v0+s9+$0x0], $0xffff  }
0x3c7: {  	v7 =	vadd.s32 s31, v1;
	v2 =	vld.idx.msk [tilespmem:v2+s9+$0x0], $0xffff  }
0x3c8: {  	s24 =	simm.s32 $0xF;
	v8 =	vadd.s32 s22, v1;
	v3 =	vld.idx.msk [tilespmem:v3+s9+$0x0], $0xffff  }
0x3c9: {  	s26 =	simm.s32 $0xA;
	v9 =	vadd.s32 s24, v1;
	v10 =	vld.idx.msk [tilespmem:v4+s9+$0x0], $0xffff  }
0x3ca: {  	s25 =	simm.s32 $0x9;
	v15 =	vadd.s32 s26, v1;
	v14 =	vld.idx.msk [tilespmem:v5+s9+$0x0], $0xffff  }
0x3cb: {  	s22 =	simm.s32 $0x18460;
	s28 =	simm.s32 $0xB;
	v13 =	vadd.s32 s25, v1;
	v6 =	vld.idx.msk [tilespmem:v6+s9+$0x0], $0xffff  }
0x3cc: {  	s29 =	simm.s32 $0xC;
	v11 =	vadd.s32 s28, v1;
	v5 =	vld.idx.msk [tilespmem:v7+s9+$0x0], $0xffff;
	[tilespmem:s22+$0x180] =	vst v0  }
0x3cd: {  	s30 =	simm.s32 $0xD;
	v12 =	vadd.s32 s29, v1;
	v4 =	vld.idx.msk [tilespmem:v8+s9+$0x0], $0xffff;
	[tilespmem:s22+$0xFFFFFE80] =	vst v2  }
0x3ce: {  	s31 =	simm.s32 $0xE;
	v2 =	vld.idx.msk [tilespmem:v9+s9+$0x0], $0xffff;
	[tilespmem:s22+$0xFFFFFF00] =	vst v3;
	v9 =	vadd.s32 s30, v1  }
0x3cf: {  	s26 =	simm.s32 $0x8;
	v7 =	vld.idx.msk [tilespmem:v15+s9+$0x0], $0xffff;
	[tilespmem:s22+$0xFFFFFF80] =	vst v10;
	v10 =	vadd.s32 s31, v1  }
0x3d0: {  	s23 =	simm.s32 $0x10;
	s25 =	simm.s32 $0x17;
	s24 =	simm.s32 $0x18;
	v8 =	vadd.s32 s26, v1;
	v3 =	vld.idx.msk [tilespmem:v13+s9+$0x0], $0xffff;
	[tilespmem:s22+$0x0] =	vst v14  }
.LBB2_35:
0x3d1: {  	p0 =	slt.u32 s24, $0x38;
	s26 =	sadd.s32 $0x1, s23;
	v0 =	vadd.s32 s25, v1;
	v13 =	vld.idx.msk [tilespmem:v11+s9+$0x0], $0xffff;
	[tilespmem:s22+$0x80] =	vst v6  }
0x3d2: {  	s25 =	sadd.s32 $0x2, s23;
	v14 =	vadd.s32 s26, v1;
	v15 =	vld.idx.msk [tilespmem:v12+s9+$0x0], $0xffff;
	[tilespmem:s22+$0x100] =	vst v5  }
0x3d3: {  	v16 =	vadd.s32 s25, v1;
	s25 =	sadd.s32 $0x3, s23;
	v6 =	vld.idx.msk [tilespmem:v9+s9+$0x0], $0xffff;
	[tilespmem:s22+$0xFFFFFE00] =	vst v4;
	s22 =	sadd.s32 $0x400, s22  }
.Ltmp18:
0x3d4: {  	v11 =	vadd.s32 s25, v1;
	s25 =	sadd.s32 $0x4, s23;
	v5 =	vld.idx.msk [tilespmem:v10+s9+$0x0], $0xffff;
	[tilespmem:s22+$0x180] =	vst v2;
	(pc) =	sbr.rel @p0 .LBB2_35-.Ltmp18, $4  }
0x3d5: {  	v12 =	vadd.s32 s25, v1;
	s25 =	sadd.s32 $0x5, s23;
	v4 =	vld.idx.msk [tilespmem:v8+s9+$0x0], $0xffff;
	[tilespmem:s22+$0xFFFFFE80] =	vst v3  }
0x3d6: {  	v9 =	vadd.s32 s25, v1;
	s25 =	sadd.s32 $0x6, s23;
	v2 =	vld.idx.msk [tilespmem:v0+s9+$0x0], $0xffff;
	[tilespmem:s22+$0xFFFFFF00] =	vst v7  }
0x3d7: {  	v10 =	vadd.s32 s25, v1;
	v3 =	vld.idx.msk [tilespmem:v14+s9+$0x0], $0xffff;
	[tilespmem:s22+$0xFFFFFF80] =	vst v13  }
0x3d8: {  	v8 =	vadd.s32 s23, v1;
	s23 =	smov.u32 s24;
	s25 =	sadd.s32 $0x7, s24;
	s24 =	sadd.s32 $0x8, s24;
	v7 =	vld.idx.msk [tilespmem:v16+s9+$0x0], $0xffff;
	[tilespmem:s22+$0x0] =	vst v15  }
0x3d9: {  	_ =	sdelay $0x2  }
0x3da: {  	[tilespmem:s22+$0x80] =	vst v6  }
0x3db: {  	s24 =	sadd.s32 $0x1, s23;
	v0 =	vadd.s32 s25, v1;
	v6 =	vld.idx.msk [tilespmem:v11+s9+$0x0], $0xffff;
	[tilespmem:s22+$0x100] =	vst v5  }
0x3dc: {  	s31 =	sadd.s32 $0x2, s23;
	v11 =	vld.idx.msk [tilespmem:v12+s9+$0x0], $0xffff;
	s25 =	sadd.s32 $0x400, s22;
	v5 =	vadd.s32 s24, v1;
	[tilespmem:s22+$0xFFFFFE00] =	vst v4  }
0x3dd: {  	s26 =	sadd.s32 $0x3, s23;
	v9 =	vld.idx.msk [tilespmem:v9+s9+$0x0], $0xffff;
	v4 =	vadd.s32 s31, v1;
	[tilespmem:s25+$0x180] =	vst v2  }
0x3de: {  	s28 =	sadd.s32 $0x4, s23;
	v10 =	vld.idx.msk [tilespmem:v10+s9+$0x0], $0xffff;
	v2 =	vadd.s32 s26, v1;
	[tilespmem:s25+$0xFFFFFE80] =	vst v3  }
0x3df: {  	s29 =	sadd.s32 $0x5, s23;
	v8 =	vld.idx.msk [tilespmem:v8+s9+$0x0], $0xffff;
	v3 =	vadd.s32 s28, v1;
	[tilespmem:s25+$0xFFFFFF00] =	vst v7  }
0x3e0: {  	s30 =	sadd.s32 $0x6, s23;
	v7 =	vadd.s32 s29, v1;
	v0 =	vld.idx.msk [tilespmem:v0+s9+$0x0], $0xffff;
	[tilespmem:s25+$0xFFFFFF80] =	vst v6  }
0x3e1: {  	v6 =	vadd.s32 s30, v1;
	[tilespmem:s25+$0x0] =	vst v11;
	v5 =	vld.idx.msk [tilespmem:v5+s9+$0x0], $0xffff  }
0x3e2: {  	v1 =	vadd.s32 s23, v1;
	[tilespmem:s25+$0x80] =	vst v9;
	v4 =	vld.idx.msk [tilespmem:v4+s9+$0x0], $0xffff  }
0x3e3: {  	[tilespmem:s25+$0x100] =	vst v10;
	v2 =	vld.idx.msk [tilespmem:v2+s9+$0x0], $0xffff  }
0x3e4: {  	s22 =	sadd.s32 $0x400, s25;
	[tilespmem:s25+$0xFFFFFE00] =	vst v8;
	v3 =	vld.idx.msk [tilespmem:v3+s9+$0x0], $0xffff  }
0x3e5: {  	v7 =	vld.idx.msk [tilespmem:v7+s9+$0x0], $0xffff;
	[tilespmem:s22+$0x180] =	vst v0  }
0x3e6: {  	v0 =	vld.idx.msk [tilespmem:v6+s9+$0x0], $0xffff;
	[tilespmem:s22+$0xFFFFFE80] =	vst v5  }
0x3e7: {  	s31 =	sadd.s32 $0x5781, s20;
	v1 =	vld.idx.msk [tilespmem:v1+s9+$0x0], $0xffff;
	[tilespmem:s22+$0xFFFFFF00] =	vst v4  }
0x3e8: {  	[tilespmem:s22+$0xFFFFFF80] =	vst v2;
	v2 =	vadd.s32 s31, v58  }
0x3e9: {  	[tilespmem:s22+$0x0] =	vst v3  }
0x3ea: {  	[tilespmem:s22+$0x80] =	vst v7  }
0x3eb: {  	[tilespmem:s22+$0x100] =	vst v0  }
0x3ec: {  	[tilespmem:s22+$0xFFFFFE00] =	vst v1;
	s22 =	simm.s32 $0x0  }
0x3ed: {  	v0 =	vld.idx.msk [tilespmem:v2+s22+$0x0], $0xffff;
	_ =	sdelay $0x4  }
0x3ee: {  	vm0 =	vlt.s32 v0, $0x3E7  }
0x3ef: {  	v0 =	vnsel vm0, $0x3E7, v0  }
0x3f0: {  	v1 =	vmul.u32 $0x41, v0  }
0x3f1: {  	s24 =	simm.s32 $0x7  }
0x3f2: {  	s25 =	simm.s32 $0x1;
	v0 =	vadd.s32 s24, v1  }
0x3f3: {  	s26 =	simm.s32 $0x2;
	v2 =	vadd.s32 s25, v1  }
0x3f4: {  	s28 =	simm.s32 $0x3;
	v3 =	vadd.s32 s26, v1  }
0x3f5: {  	s29 =	simm.s32 $0x4;
	v4 =	vadd.s32 s28, v1  }
0x3f6: {  	s30 =	simm.s32 $0x5;
	v5 =	vadd.s32 s29, v1  }
0x3f7: {  	s31 =	simm.s32 $0x6;
	v6 =	vadd.s32 s30, v1;
	v0 =	vld.idx.msk [tilespmem:v0+s9+$0x0], $0xffff  }
0x3f8: {  	v7 =	vadd.s32 s31, v1;
	v2 =	vld.idx.msk [tilespmem:v2+s9+$0x0], $0xffff  }
0x3f9: {  	s24 =	simm.s32 $0xF;
	v8 =	vadd.s32 s22, v1;
	v3 =	vld.idx.msk [tilespmem:v3+s9+$0x0], $0xffff  }
0x3fa: {  	s26 =	simm.s32 $0xA;
	v9 =	vadd.s32 s24, v1;
	v10 =	vld.idx.msk [tilespmem:v4+s9+$0x0], $0xffff  }
0x3fb: {  	s25 =	simm.s32 $0x9;
	v15 =	vadd.s32 s26, v1;
	v14 =	vld.idx.msk [tilespmem:v5+s9+$0x0], $0xffff  }
0x3fc: {  	s22 =	simm.s32 $0x18470;
	s28 =	simm.s32 $0xB;
	v13 =	vadd.s32 s25, v1;
	v6 =	vld.idx.msk [tilespmem:v6+s9+$0x0], $0xffff  }
0x3fd: {  	s29 =	simm.s32 $0xC;
	v11 =	vadd.s32 s28, v1;
	v5 =	vld.idx.msk [tilespmem:v7+s9+$0x0], $0xffff;
	[tilespmem:s22+$0x180] =	vst v0  }
0x3fe: {  	s30 =	simm.s32 $0xD;
	v12 =	vadd.s32 s29, v1;
	v4 =	vld.idx.msk [tilespmem:v8+s9+$0x0], $0xffff;
	[tilespmem:s22+$0xFFFFFE80] =	vst v2  }
0x3ff: {  	s31 =	simm.s32 $0xE;
	v2 =	vld.idx.msk [tilespmem:v9+s9+$0x0], $0xffff;
	[tilespmem:s22+$0xFFFFFF00] =	vst v3;
	v9 =	vadd.s32 s30, v1  }
0x400: {  	s26 =	simm.s32 $0x8;
	v7 =	vld.idx.msk [tilespmem:v15+s9+$0x0], $0xffff;
	[tilespmem:s22+$0xFFFFFF80] =	vst v10;
	v10 =	vadd.s32 s31, v1  }
0x401: {  	s23 =	simm.s32 $0x10;
	s25 =	simm.s32 $0x17;
	s24 =	simm.s32 $0x18;
	v8 =	vadd.s32 s26, v1;
	v3 =	vld.idx.msk [tilespmem:v13+s9+$0x0], $0xffff;
	[tilespmem:s22+$0x0] =	vst v14  }
.LBB2_37:
0x402: {  	p0 =	slt.u32 s24, $0x38;
	s26 =	sadd.s32 $0x1, s23;
	v0 =	vadd.s32 s25, v1;
	v13 =	vld.idx.msk [tilespmem:v11+s9+$0x0], $0xffff;
	[tilespmem:s22+$0x80] =	vst v6  }
0x403: {  	s25 =	sadd.s32 $0x2, s23;
	v14 =	vadd.s32 s26, v1;
	v15 =	vld.idx.msk [tilespmem:v12+s9+$0x0], $0xffff;
	[tilespmem:s22+$0x100] =	vst v5  }
0x404: {  	v16 =	vadd.s32 s25, v1;
	s25 =	sadd.s32 $0x3, s23;
	v6 =	vld.idx.msk [tilespmem:v9+s9+$0x0], $0xffff;
	[tilespmem:s22+$0xFFFFFE00] =	vst v4;
	s22 =	sadd.s32 $0x400, s22  }
.Ltmp19:
0x405: {  	v11 =	vadd.s32 s25, v1;
	s25 =	sadd.s32 $0x4, s23;
	v5 =	vld.idx.msk [tilespmem:v10+s9+$0x0], $0xffff;
	[tilespmem:s22+$0x180] =	vst v2;
	(pc) =	sbr.rel @p0 .LBB2_37-.Ltmp19, $4  }
0x406: {  	v12 =	vadd.s32 s25, v1;
	s25 =	sadd.s32 $0x5, s23;
	v4 =	vld.idx.msk [tilespmem:v8+s9+$0x0], $0xffff;
	[tilespmem:s22+$0xFFFFFE80] =	vst v3  }
0x407: {  	v9 =	vadd.s32 s25, v1;
	s25 =	sadd.s32 $0x6, s23;
	v2 =	vld.idx.msk [tilespmem:v0+s9+$0x0], $0xffff;
	[tilespmem:s22+$0xFFFFFF00] =	vst v7  }
0x408: {  	v10 =	vadd.s32 s25, v1;
	v3 =	vld.idx.msk [tilespmem:v14+s9+$0x0], $0xffff;
	[tilespmem:s22+$0xFFFFFF80] =	vst v13  }
0x409: {  	v8 =	vadd.s32 s23, v1;
	s23 =	smov.u32 s24;
	s25 =	sadd.s32 $0x7, s24;
	s24 =	sadd.s32 $0x8, s24;
	v7 =	vld.idx.msk [tilespmem:v16+s9+$0x0], $0xffff;
	[tilespmem:s22+$0x0] =	vst v15  }
0x40a: {  	_ =	sdelay $0x2  }
0x40b: {  	[tilespmem:s22+$0x80] =	vst v6  }
0x40c: {  	v0 =	vadd.s32 s25, v1;
	v53 =	vld.idx.msk [tilespmem:v11+s9+$0x0], $0xffff;
	[tilespmem:s22+$0x100] =	vst v5  }
0x40d: {  	s24 =	sadd.s32 $0x1, s23;
	v55 =	vld.idx.msk [tilespmem:v12+s9+$0x0], $0xffff;
	s26 =	sadd.s32 $0x400, s22;
	v62 =	vadd.s32 s23, v1;
	[tilespmem:s22+$0xFFFFFE00] =	vst v4  }
0x40e: {  	s25 =	sadd.s32 $0x2, s23;
	v9 =	vld.idx.msk [tilespmem:v9+s9+$0x0], $0xffff;
	v54 =	vadd.s32 s24, v1;
	[tilespmem:s26+$0x180] =	vst v2  }
0x40f: {  	s28 =	sadd.s32 $0x3, s23;
	v10 =	vld.idx.msk [tilespmem:v10+s9+$0x0], $0xffff;
	v56 =	vadd.s32 s25, v1;
	[tilespmem:s26+$0xFFFFFE80] =	vst v3  }
0x410: {  	s29 =	sadd.s32 $0x4, s23;
	v8 =	vld.idx.msk [tilespmem:v8+s9+$0x0], $0xffff;
	v57 =	vadd.s32 s28, v1;
	[tilespmem:s26+$0xFFFFFF00] =	vst v7  }
0x411: {  	s30 =	sadd.s32 $0x5, s23;
	s31 =	sadd.s32 $0x6, s23;
	v59 =	vadd.s32 s29, v1;
	v0 =	vld.idx.msk [tilespmem:v0+s9+$0x0], $0xffff;
	[tilespmem:s26+$0xFFFFFF80] =	vst v53  }
0x412: {  	v60 =	vadd.s32 s30, v1;
	v61 =	vadd.s32 s31, v1;
	[tilespmem:s26+$0x0] =	vst v55;
	v1 =	vld.idx.msk [tilespmem:v62+s9+$0x0], $0xffff  }
0x413: {  	[tilespmem:s26+$0x80] =	vst v9;
	v5 =	vld.idx.msk [tilespmem:v54+s9+$0x0], $0xffff  }
0x414: {  	[tilespmem:s26+$0x100] =	vst v10;
	v4 =	vld.idx.msk [tilespmem:v56+s9+$0x0], $0xffff  }
0x415: {  	s22 =	sadd.s32 $0x400, s26;
	[tilespmem:s26+$0xFFFFFE00] =	vst v8;
	v2 =	vld.idx.msk [tilespmem:v57+s9+$0x0], $0xffff  }
0x416: {  	v3 =	vld.idx.msk [tilespmem:v59+s9+$0x0], $0xffff;
	[tilespmem:s22+$0x180] =	vst v0  }
0x417: {  	v7 =	vld.idx.msk [tilespmem:v60+s9+$0x0], $0xffff;
	[tilespmem:s22+$0xFFFFFE00] =	vst v1  }
0x418: {  	v63 =	vld.idx.msk [tilespmem:v61+s9+$0x0], $0xffff;
	[tilespmem:s22+$0xFFFFFE80] =	vst v5  }
0x419: {  	[tilespmem:s22+$0xFFFFFF00] =	vst v4  }
0x41a: {  	s21 =	sshll.u32 s21, $0x12;
	[tilespmem:s22+$0xFFFFFF80] =	vst v2  }
0x41b: {  	s21 =	sor.u32 s6, s21;
	[tilespmem:s22+$0x0] =	vst v3  }
0x41c: {  	p0 =	seq.s32 s19, $0x63;
	s21 =	sshrl.u32 s21, $0x3;
	[tilespmem:s22+$0x80] =	vst v7  }
.Ltmp20:
0x41d: {  	s21 =	sadd.s32 s3, s21;
	[tilespmem:s22+$0x100] =	vst v63;
	(pc) =	sbr.rel @p0 .LBB2_56-.Ltmp20, $4  }
0x41e: {  	[hbm4b:s21+s11] =	stream.strided.scatter [tilespmem:s14], [sflag:$0x2], $0x2000, s12, s11, $0x38;
	[tilespmem:$0x1A200] =	vst v63  }
0x41f: {  	_ =	swait.ge [sflag:s15], $0x2000  }
0x420: {  	[sflag:s15] =	ssyncset.done $0x0  }
0x421: {  	[sflag:s15] =	ssyncadd.s32 $0xFFFFE000  }
0x422: {  	s21 =	sadd.s32 $0x2, s20  }
0x423: {  	v0 =	vadd.s32 s21, v58;
	_ =	sdelay $0x3  }
0x424: {  	s22 =	simm.s32 $0x0  }
0x425: {  	v0 =	vld.idx.msk [tilespmem:v0+s22+$0x0], $0xffff;
	_ =	sdelay $0x4  }
0x426: {  	vm0 =	vlt.s32 v0, $0x3E7  }
0x427: {  	v0 =	vnsel vm0, $0x3E7, v0  }
0x428: {  	v1 =	vmul.u32 $0x41, v0  }
0x429: {  	s23 =	simm.s32 $0x7  }
0x42a: {  	s24 =	simm.s32 $0x1;
	v0 =	vadd.s32 s23, v1  }
0x42b: {  	s26 =	simm.s32 $0x2;
	v2 =	vadd.s32 s24, v1  }
0x42c: {  	s28 =	simm.s32 $0x3;
	v3 =	vadd.s32 s26, v1  }
0x42d: {  	s29 =	simm.s32 $0x4;
	v4 =	vadd.s32 s28, v1  }
0x42e: {  	s30 =	simm.s32 $0x5;
	v5 =	vadd.s32 s29, v1  }
0x42f: {  	s31 =	simm.s32 $0x6;
	v6 =	vadd.s32 s30, v1;
	v0 =	vld.idx.msk [tilespmem:v0+s9+$0x0], $0xffff  }
0x430: {  	v7 =	vadd.s32 s31, v1;
	v2 =	vld.idx.msk [tilespmem:v2+s9+$0x0], $0xffff  }
0x431: {  	s24 =	simm.s32 $0xF;
	v8 =	vadd.s32 s22, v1;
	v3 =	vld.idx.msk [tilespmem:v3+s9+$0x0], $0xffff  }
0x432: {  	s26 =	simm.s32 $0xA;
	v9 =	vadd.s32 s24, v1;
	v10 =	vld.idx.msk [tilespmem:v4+s9+$0x0], $0xffff  }
0x433: {  	s25 =	simm.s32 $0x9;
	v15 =	vadd.s32 s26, v1;
	v14 =	vld.idx.msk [tilespmem:v5+s9+$0x0], $0xffff  }
0x434: {  	v13 =	vadd.s32 s25, v1;
	s22 =	simm.s32 $0x16400;
	s28 =	simm.s32 $0xB;
	v6 =	vld.idx.msk [tilespmem:v6+s9+$0x0], $0xffff  }
0x435: {  	s29 =	simm.s32 $0xC;
	v11 =	vadd.s32 s28, v1;
	v5 =	vld.idx.msk [tilespmem:v7+s9+$0x0], $0xffff;
	[tilespmem:s22+$0x180] =	vst v0  }
0x436: {  	s30 =	simm.s32 $0xD;
	v12 =	vadd.s32 s29, v1;
	v4 =	vld.idx.msk [tilespmem:v8+s9+$0x0], $0xffff;
	[tilespmem:s22+$0xFFFFFE80] =	vst v2  }
0x437: {  	s31 =	simm.s32 $0xE;
	v2 =	vld.idx.msk [tilespmem:v9+s9+$0x0], $0xffff;
	[tilespmem:s22+$0xFFFFFF00] =	vst v3;
	v9 =	vadd.s32 s30, v1  }
0x438: {  	s26 =	simm.s32 $0x8;
	v7 =	vld.idx.msk [tilespmem:v15+s9+$0x0], $0xffff;
	[tilespmem:s22+$0xFFFFFF80] =	vst v10;
	v10 =	vadd.s32 s31, v1  }
0x439: {  	s23 =	simm.s32 $0x10;
	s25 =	simm.s32 $0x17;
	s24 =	simm.s32 $0x18;
	v8 =	vadd.s32 s26, v1;
	v3 =	vld.idx.msk [tilespmem:v13+s9+$0x0], $0xffff;
	[tilespmem:s22+$0x0] =	vst v14  }
.LBB2_40:
0x43a: {  	p0 =	slt.u32 s24, $0x38;
	s26 =	sadd.s32 $0x1, s23;
	v0 =	vadd.s32 s25, v1;
	v13 =	vld.idx.msk [tilespmem:v11+s9+$0x0], $0xffff;
	[tilespmem:s22+$0x80] =	vst v6  }
0x43b: {  	s25 =	sadd.s32 $0x2, s23;
	v14 =	vadd.s32 s26, v1;
	v15 =	vld.idx.msk [tilespmem:v12+s9+$0x0], $0xffff;
	[tilespmem:s22+$0x100] =	vst v5  }
0x43c: {  	v16 =	vadd.s32 s25, v1;
	s25 =	sadd.s32 $0x3, s23;
	v6 =	vld.idx.msk [tilespmem:v9+s9+$0x0], $0xffff;
	[tilespmem:s22+$0xFFFFFE00] =	vst v4;
	s22 =	sadd.s32 $0x400, s22  }
.Ltmp21:
0x43d: {  	v11 =	vadd.s32 s25, v1;
	s25 =	sadd.s32 $0x4, s23;
	v5 =	vld.idx.msk [tilespmem:v10+s9+$0x0], $0xffff;
	[tilespmem:s22+$0x180] =	vst v2;
	(pc) =	sbr.rel @p0 .LBB2_40-.Ltmp21, $4  }
0x43e: {  	v12 =	vadd.s32 s25, v1;
	s25 =	sadd.s32 $0x5, s23;
	v4 =	vld.idx.msk [tilespmem:v8+s9+$0x0], $0xffff;
	[tilespmem:s22+$0xFFFFFE80] =	vst v3  }
0x43f: {  	v9 =	vadd.s32 s25, v1;
	s25 =	sadd.s32 $0x6, s23;
	v2 =	vld.idx.msk [tilespmem:v0+s9+$0x0], $0xffff;
	[tilespmem:s22+$0xFFFFFF00] =	vst v7  }
0x440: {  	v10 =	vadd.s32 s25, v1;
	v3 =	vld.idx.msk [tilespmem:v14+s9+$0x0], $0xffff;
	[tilespmem:s22+$0xFFFFFF80] =	vst v13  }
0x441: {  	v8 =	vadd.s32 s23, v1;
	s23 =	smov.u32 s24;
	s25 =	sadd.s32 $0x7, s24;
	s24 =	sadd.s32 $0x8, s24;
	v7 =	vld.idx.msk [tilespmem:v16+s9+$0x0], $0xffff;
	[tilespmem:s22+$0x0] =	vst v15  }
0x442: {  	_ =	sdelay $0x2  }
0x443: {  	[tilespmem:s22+$0x80] =	vst v6  }
0x444: {  	s24 =	sadd.s32 $0x1, s23;
	v0 =	vadd.s32 s25, v1;
	v6 =	vld.idx.msk [tilespmem:v11+s9+$0x0], $0xffff;
	[tilespmem:s22+$0x100] =	vst v5  }
0x445: {  	s31 =	sadd.s32 $0x2, s23;
	v11 =	vld.idx.msk [tilespmem:v12+s9+$0x0], $0xffff;
	s25 =	sadd.s32 $0x400, s22;
	v5 =	vadd.s32 s24, v1;
	[tilespmem:s22+$0xFFFFFE00] =	vst v4  }
0x446: {  	s26 =	sadd.s32 $0x3, s23;
	v9 =	vld.idx.msk [tilespmem:v9+s9+$0x0], $0xffff;
	v4 =	vadd.s32 s31, v1;
	[tilespmem:s25+$0x180] =	vst v2  }
0x447: {  	s28 =	sadd.s32 $0x4, s23;
	v10 =	vld.idx.msk [tilespmem:v10+s9+$0x0], $0xffff;
	v2 =	vadd.s32 s26, v1;
	[tilespmem:s25+$0xFFFFFE80] =	vst v3  }
0x448: {  	s29 =	sadd.s32 $0x5, s23;
	v8 =	vld.idx.msk [tilespmem:v8+s9+$0x0], $0xffff;
	v3 =	vadd.s32 s28, v1;
	[tilespmem:s25+$0xFFFFFF00] =	vst v7  }
0x449: {  	s30 =	sadd.s32 $0x6, s23;
	v7 =	vadd.s32 s29, v1;
	v0 =	vld.idx.msk [tilespmem:v0+s9+$0x0], $0xffff;
	[tilespmem:s25+$0xFFFFFF80] =	vst v6  }
0x44a: {  	v6 =	vadd.s32 s30, v1;
	[tilespmem:s25+$0x0] =	vst v11;
	v5 =	vld.idx.msk [tilespmem:v5+s9+$0x0], $0xffff  }
0x44b: {  	v1 =	vadd.s32 s23, v1;
	[tilespmem:s25+$0x80] =	vst v9;
	v4 =	vld.idx.msk [tilespmem:v4+s9+$0x0], $0xffff  }
0x44c: {  	[tilespmem:s25+$0x100] =	vst v10;
	v2 =	vld.idx.msk [tilespmem:v2+s9+$0x0], $0xffff  }
0x44d: {  	s22 =	sadd.s32 $0x400, s25;
	[tilespmem:s25+$0xFFFFFE00] =	vst v8;
	v3 =	vld.idx.msk [tilespmem:v3+s9+$0x0], $0xffff  }
0x44e: {  	v7 =	vld.idx.msk [tilespmem:v7+s9+$0x0], $0xffff;
	[tilespmem:s22+$0x180] =	vst v0  }
0x44f: {  	v0 =	vld.idx.msk [tilespmem:v6+s9+$0x0], $0xffff;
	[tilespmem:s22+$0xFFFFFE80] =	vst v5  }
0x450: {  	s31 =	sadd.s32 $0xC82, s20;
	v1 =	vld.idx.msk [tilespmem:v1+s9+$0x0], $0xffff;
	[tilespmem:s22+$0xFFFFFF00] =	vst v4  }
0x451: {  	[tilespmem:s22+$0xFFFFFF80] =	vst v2;
	v2 =	vadd.s32 s31, v58  }
0x452: {  	[tilespmem:s22+$0x0] =	vst v3  }
0x453: {  	[tilespmem:s22+$0x80] =	vst v7  }
0x454: {  	[tilespmem:s22+$0x100] =	vst v0  }
0x455: {  	[tilespmem:s22+$0xFFFFFE00] =	vst v1;
	s22 =	simm.s32 $0x0  }
0x456: {  	v0 =	vld.idx.msk [tilespmem:v2+s22+$0x0], $0xffff;
	_ =	sdelay $0x4  }
0x457: {  	vm0 =	vlt.s32 v0, $0x3E7  }
0x458: {  	v0 =	vnsel vm0, $0x3E7, v0  }
0x459: {  	v1 =	vmul.u32 $0x41, v0  }
0x45a: {  	s24 =	simm.s32 $0x7  }
0x45b: {  	s25 =	simm.s32 $0x1;
	v0 =	vadd.s32 s24, v1  }
0x45c: {  	s26 =	simm.s32 $0x2;
	v2 =	vadd.s32 s25, v1  }
0x45d: {  	s28 =	simm.s32 $0x3;
	v3 =	vadd.s32 s26, v1  }
0x45e: {  	s29 =	simm.s32 $0x4;
	v4 =	vadd.s32 s28, v1  }
0x45f: {  	s30 =	simm.s32 $0x5;
	v5 =	vadd.s32 s29, v1  }
0x460: {  	s31 =	simm.s32 $0x6;
	v6 =	vadd.s32 s30, v1;
	v0 =	vld.idx.msk [tilespmem:v0+s9+$0x0], $0xffff  }
0x461: {  	v7 =	vadd.s32 s31, v1;
	v2 =	vld.idx.msk [tilespmem:v2+s9+$0x0], $0xffff  }
0x462: {  	s24 =	simm.s32 $0xF;
	v8 =	vadd.s32 s22, v1;
	v3 =	vld.idx.msk [tilespmem:v3+s9+$0x0], $0xffff  }
0x463: {  	s26 =	simm.s32 $0xA;
	v9 =	vadd.s32 s24, v1;
	v10 =	vld.idx.msk [tilespmem:v4+s9+$0x0], $0xffff  }
0x464: {  	s25 =	simm.s32 $0x9;
	v15 =	vadd.s32 s26, v1;
	v14 =	vld.idx.msk [tilespmem:v5+s9+$0x0], $0xffff  }
0x465: {  	s22 =	simm.s32 $0x16410;
	s28 =	simm.s32 $0xB;
	v13 =	vadd.s32 s25, v1;
	v6 =	vld.idx.msk [tilespmem:v6+s9+$0x0], $0xffff  }
0x466: {  	s29 =	simm.s32 $0xC;
	v11 =	vadd.s32 s28, v1;
	v5 =	vld.idx.msk [tilespmem:v7+s9+$0x0], $0xffff;
	[tilespmem:s22+$0x180] =	vst v0  }
0x467: {  	s30 =	simm.s32 $0xD;
	v12 =	vadd.s32 s29, v1;
	v4 =	vld.idx.msk [tilespmem:v8+s9+$0x0], $0xffff;
	[tilespmem:s22+$0xFFFFFE80] =	vst v2  }
0x468: {  	s31 =	simm.s32 $0xE;
	v2 =	vld.idx.msk [tilespmem:v9+s9+$0x0], $0xffff;
	[tilespmem:s22+$0xFFFFFF00] =	vst v3;
	v9 =	vadd.s32 s30, v1  }
0x469: {  	s26 =	simm.s32 $0x8;
	v7 =	vld.idx.msk [tilespmem:v15+s9+$0x0], $0xffff;
	[tilespmem:s22+$0xFFFFFF80] =	vst v10;
	v10 =	vadd.s32 s31, v1  }
0x46a: {  	s23 =	simm.s32 $0x10;
	s25 =	simm.s32 $0x17;
	s24 =	simm.s32 $0x18;
	v8 =	vadd.s32 s26, v1;
	v3 =	vld.idx.msk [tilespmem:v13+s9+$0x0], $0xffff;
	[tilespmem:s22+$0x0] =	vst v14  }
.LBB2_42:
0x46b: {  	p0 =	slt.u32 s24, $0x38;
	s26 =	sadd.s32 $0x1, s23;
	v0 =	vadd.s32 s25, v1;
	v13 =	vld.idx.msk [tilespmem:v11+s9+$0x0], $0xffff;
	[tilespmem:s22+$0x80] =	vst v6  }
0x46c: {  	s25 =	sadd.s32 $0x2, s23;
	v14 =	vadd.s32 s26, v1;
	v15 =	vld.idx.msk [tilespmem:v12+s9+$0x0], $0xffff;
	[tilespmem:s22+$0x100] =	vst v5  }
0x46d: {  	v16 =	vadd.s32 s25, v1;
	s25 =	sadd.s32 $0x3, s23;
	v6 =	vld.idx.msk [tilespmem:v9+s9+$0x0], $0xffff;
	[tilespmem:s22+$0xFFFFFE00] =	vst v4;
	s22 =	sadd.s32 $0x400, s22  }
.Ltmp22:
0x46e: {  	v11 =	vadd.s32 s25, v1;
	s25 =	sadd.s32 $0x4, s23;
	v5 =	vld.idx.msk [tilespmem:v10+s9+$0x0], $0xffff;
	[tilespmem:s22+$0x180] =	vst v2;
	(pc) =	sbr.rel @p0 .LBB2_42-.Ltmp22, $4  }
0x46f: {  	v12 =	vadd.s32 s25, v1;
	s25 =	sadd.s32 $0x5, s23;
	v4 =	vld.idx.msk [tilespmem:v8+s9+$0x0], $0xffff;
	[tilespmem:s22+$0xFFFFFE80] =	vst v3  }
0x470: {  	v9 =	vadd.s32 s25, v1;
	s25 =	sadd.s32 $0x6, s23;
	v2 =	vld.idx.msk [tilespmem:v0+s9+$0x0], $0xffff;
	[tilespmem:s22+$0xFFFFFF00] =	vst v7  }
0x471: {  	v10 =	vadd.s32 s25, v1;
	v3 =	vld.idx.msk [tilespmem:v14+s9+$0x0], $0xffff;
	[tilespmem:s22+$0xFFFFFF80] =	vst v13  }
0x472: {  	v8 =	vadd.s32 s23, v1;
	s23 =	smov.u32 s24;
	s25 =	sadd.s32 $0x7, s24;
	s24 =	sadd.s32 $0x8, s24;
	v7 =	vld.idx.msk [tilespmem:v16+s9+$0x0], $0xffff;
	[tilespmem:s22+$0x0] =	vst v15  }
0x473: {  	_ =	sdelay $0x2  }
0x474: {  	[tilespmem:s22+$0x80] =	vst v6  }
0x475: {  	s24 =	sadd.s32 $0x1, s23;
	v0 =	vadd.s32 s25, v1;
	v6 =	vld.idx.msk [tilespmem:v11+s9+$0x0], $0xffff;
	[tilespmem:s22+$0x100] =	vst v5  }
0x476: {  	s31 =	sadd.s32 $0x2, s23;
	v11 =	vld.idx.msk [tilespmem:v12+s9+$0x0], $0xffff;
	s25 =	sadd.s32 $0x400, s22;
	v5 =	vadd.s32 s24, v1;
	[tilespmem:s22+$0xFFFFFE00] =	vst v4  }
0x477: {  	s26 =	sadd.s32 $0x3, s23;
	v9 =	vld.idx.msk [tilespmem:v9+s9+$0x0], $0xffff;
	v4 =	vadd.s32 s31, v1;
	[tilespmem:s25+$0x180] =	vst v2  }
0x478: {  	s28 =	sadd.s32 $0x4, s23;
	v10 =	vld.idx.msk [tilespmem:v10+s9+$0x0], $0xffff;
	v2 =	vadd.s32 s26, v1;
	[tilespmem:s25+$0xFFFFFE80] =	vst v3  }
0x479: {  	s29 =	sadd.s32 $0x5, s23;
	v8 =	vld.idx.msk [tilespmem:v8+s9+$0x0], $0xffff;
	v3 =	vadd.s32 s28, v1;
	[tilespmem:s25+$0xFFFFFF00] =	vst v7  }
0x47a: {  	s30 =	sadd.s32 $0x6, s23;
	v7 =	vadd.s32 s29, v1;
	v0 =	vld.idx.msk [tilespmem:v0+s9+$0x0], $0xffff;
	[tilespmem:s25+$0xFFFFFF80] =	vst v6  }
0x47b: {  	v6 =	vadd.s32 s30, v1;
	[tilespmem:s25+$0x0] =	vst v11;
	v5 =	vld.idx.msk [tilespmem:v5+s9+$0x0], $0xffff  }
0x47c: {  	v1 =	vadd.s32 s23, v1;
	[tilespmem:s25+$0x80] =	vst v9;
	v4 =	vld.idx.msk [tilespmem:v4+s9+$0x0], $0xffff  }
0x47d: {  	[tilespmem:s25+$0x100] =	vst v10;
	v2 =	vld.idx.msk [tilespmem:v2+s9+$0x0], $0xffff  }
0x47e: {  	s22 =	sadd.s32 $0x400, s25;
	[tilespmem:s25+$0xFFFFFE00] =	vst v8;
	v3 =	vld.idx.msk [tilespmem:v3+s9+$0x0], $0xffff  }
0x47f: {  	v7 =	vld.idx.msk [tilespmem:v7+s9+$0x0], $0xffff;
	[tilespmem:s22+$0x180] =	vst v0  }
0x480: {  	v0 =	vld.idx.msk [tilespmem:v6+s9+$0x0], $0xffff;
	[tilespmem:s22+$0xFFFFFE80] =	vst v5  }
0x481: {  	s31 =	sadd.s32 $0x1902, s20;
	v1 =	vld.idx.msk [tilespmem:v1+s9+$0x0], $0xffff;
	[tilespmem:s22+$0xFFFFFF00] =	vst v4  }
0x482: {  	[tilespmem:s22+$0xFFFFFF80] =	vst v2;
	v2 =	vadd.s32 s31, v58  }
0x483: {  	[tilespmem:s22+$0x0] =	vst v3  }
0x484: {  	[tilespmem:s22+$0x80] =	vst v7  }
0x485: {  	[tilespmem:s22+$0x100] =	vst v0  }
0x486: {  	[tilespmem:s22+$0xFFFFFE00] =	vst v1;
	s22 =	simm.s32 $0x0  }
0x487: {  	v0 =	vld.idx.msk [tilespmem:v2+s22+$0x0], $0xffff;
	_ =	sdelay $0x4  }
0x488: {  	vm0 =	vlt.s32 v0, $0x3E7  }
0x489: {  	v0 =	vnsel vm0, $0x3E7, v0  }
0x48a: {  	v1 =	vmul.u32 $0x41, v0  }
0x48b: {  	s24 =	simm.s32 $0x7  }
0x48c: {  	s25 =	simm.s32 $0x1;
	v0 =	vadd.s32 s24, v1  }
0x48d: {  	s26 =	simm.s32 $0x2;
	v2 =	vadd.s32 s25, v1  }
0x48e: {  	s28 =	simm.s32 $0x3;
	v3 =	vadd.s32 s26, v1  }
0x48f: {  	s29 =	simm.s32 $0x4;
	v4 =	vadd.s32 s28, v1  }
0x490: {  	s30 =	simm.s32 $0x5;
	v5 =	vadd.s32 s29, v1  }
0x491: {  	s31 =	simm.s32 $0x6;
	v6 =	vadd.s32 s30, v1;
	v0 =	vld.idx.msk [tilespmem:v0+s9+$0x0], $0xffff  }
0x492: {  	v7 =	vadd.s32 s31, v1;
	v2 =	vld.idx.msk [tilespmem:v2+s9+$0x0], $0xffff  }
0x493: {  	s24 =	simm.s32 $0xF;
	v8 =	vadd.s32 s22, v1;
	v3 =	vld.idx.msk [tilespmem:v3+s9+$0x0], $0xffff  }
0x494: {  	s26 =	simm.s32 $0xA;
	v9 =	vadd.s32 s24, v1;
	v10 =	vld.idx.msk [tilespmem:v4+s9+$0x0], $0xffff  }
0x495: {  	s25 =	simm.s32 $0x9;
	v15 =	vadd.s32 s26, v1;
	v14 =	vld.idx.msk [tilespmem:v5+s9+$0x0], $0xffff  }
0x496: {  	s22 =	simm.s32 $0x16420;
	s28 =	simm.s32 $0xB;
	v13 =	vadd.s32 s25, v1;
	v6 =	vld.idx.msk [tilespmem:v6+s9+$0x0], $0xffff  }
0x497: {  	s29 =	simm.s32 $0xC;
	v11 =	vadd.s32 s28, v1;
	v5 =	vld.idx.msk [tilespmem:v7+s9+$0x0], $0xffff;
	[tilespmem:s22+$0x180] =	vst v0  }
0x498: {  	s30 =	simm.s32 $0xD;
	v12 =	vadd.s32 s29, v1;
	v4 =	vld.idx.msk [tilespmem:v8+s9+$0x0], $0xffff;
	[tilespmem:s22+$0xFFFFFE80] =	vst v2  }
0x499: {  	s31 =	simm.s32 $0xE;
	v2 =	vld.idx.msk [tilespmem:v9+s9+$0x0], $0xffff;
	[tilespmem:s22+$0xFFFFFF00] =	vst v3;
	v9 =	vadd.s32 s30, v1  }
0x49a: {  	s26 =	simm.s32 $0x8;
	v7 =	vld.idx.msk [tilespmem:v15+s9+$0x0], $0xffff;
	[tilespmem:s22+$0xFFFFFF80] =	vst v10;
	v10 =	vadd.s32 s31, v1  }
0x49b: {  	s23 =	simm.s32 $0x10;
	s25 =	simm.s32 $0x17;
	s24 =	simm.s32 $0x18;
	v8 =	vadd.s32 s26, v1;
	v3 =	vld.idx.msk [tilespmem:v13+s9+$0x0], $0xffff;
	[tilespmem:s22+$0x0] =	vst v14  }
.LBB2_44:
0x49c: {  	p0 =	slt.u32 s24, $0x38;
	s26 =	sadd.s32 $0x1, s23;
	v0 =	vadd.s32 s25, v1;
	v13 =	vld.idx.msk [tilespmem:v11+s9+$0x0], $0xffff;
	[tilespmem:s22+$0x80] =	vst v6  }
0x49d: {  	s25 =	sadd.s32 $0x2, s23;
	v14 =	vadd.s32 s26, v1;
	v15 =	vld.idx.msk [tilespmem:v12+s9+$0x0], $0xffff;
	[tilespmem:s22+$0x100] =	vst v5  }
0x49e: {  	v16 =	vadd.s32 s25, v1;
	s25 =	sadd.s32 $0x3, s23;
	v6 =	vld.idx.msk [tilespmem:v9+s9+$0x0], $0xffff;
	[tilespmem:s22+$0xFFFFFE00] =	vst v4;
	s22 =	sadd.s32 $0x400, s22  }
.Ltmp23:
0x49f: {  	v11 =	vadd.s32 s25, v1;
	s25 =	sadd.s32 $0x4, s23;
	v5 =	vld.idx.msk [tilespmem:v10+s9+$0x0], $0xffff;
	[tilespmem:s22+$0x180] =	vst v2;
	(pc) =	sbr.rel @p0 .LBB2_44-.Ltmp23, $4  }
0x4a0: {  	v12 =	vadd.s32 s25, v1;
	s25 =	sadd.s32 $0x5, s23;
	v4 =	vld.idx.msk [tilespmem:v8+s9+$0x0], $0xffff;
	[tilespmem:s22+$0xFFFFFE80] =	vst v3  }
0x4a1: {  	v9 =	vadd.s32 s25, v1;
	s25 =	sadd.s32 $0x6, s23;
	v2 =	vld.idx.msk [tilespmem:v0+s9+$0x0], $0xffff;
	[tilespmem:s22+$0xFFFFFF00] =	vst v7  }
0x4a2: {  	v10 =	vadd.s32 s25, v1;
	v3 =	vld.idx.msk [tilespmem:v14+s9+$0x0], $0xffff;
	[tilespmem:s22+$0xFFFFFF80] =	vst v13  }
0x4a3: {  	v8 =	vadd.s32 s23, v1;
	s23 =	smov.u32 s24;
	s25 =	sadd.s32 $0x7, s24;
	s24 =	sadd.s32 $0x8, s24;
	v7 =	vld.idx.msk [tilespmem:v16+s9+$0x0], $0xffff;
	[tilespmem:s22+$0x0] =	vst v15  }
0x4a4: {  	_ =	sdelay $0x2  }
0x4a5: {  	[tilespmem:s22+$0x80] =	vst v6  }
0x4a6: {  	s24 =	sadd.s32 $0x1, s23;
	v0 =	vadd.s32 s25, v1;
	v6 =	vld.idx.msk [tilespmem:v11+s9+$0x0], $0xffff;
	[tilespmem:s22+$0x100] =	vst v5  }
0x4a7: {  	s31 =	sadd.s32 $0x2, s23;
	v11 =	vld.idx.msk [tilespmem:v12+s9+$0x0], $0xffff;
	s25 =	sadd.s32 $0x400, s22;
	v5 =	vadd.s32 s24, v1;
	[tilespmem:s22+$0xFFFFFE00] =	vst v4  }
0x4a8: {  	s26 =	sadd.s32 $0x3, s23;
	v9 =	vld.idx.msk [tilespmem:v9+s9+$0x0], $0xffff;
	v4 =	vadd.s32 s31, v1;
	[tilespmem:s25+$0x180] =	vst v2  }
0x4a9: {  	s28 =	sadd.s32 $0x4, s23;
	v10 =	vld.idx.msk [tilespmem:v10+s9+$0x0], $0xffff;
	v2 =	vadd.s32 s26, v1;
	[tilespmem:s25+$0xFFFFFE80] =	vst v3  }
0x4aa: {  	s29 =	sadd.s32 $0x5, s23;
	v8 =	vld.idx.msk [tilespmem:v8+s9+$0x0], $0xffff;
	v3 =	vadd.s32 s28, v1;
	[tilespmem:s25+$0xFFFFFF00] =	vst v7  }
0x4ab: {  	s30 =	sadd.s32 $0x6, s23;
	v7 =	vadd.s32 s29, v1;
	v0 =	vld.idx.msk [tilespmem:v0+s9+$0x0], $0xffff;
	[tilespmem:s25+$0xFFFFFF80] =	vst v6  }
0x4ac: {  	v6 =	vadd.s32 s30, v1;
	[tilespmem:s25+$0x0] =	vst v11;
	v5 =	vld.idx.msk [tilespmem:v5+s9+$0x0], $0xffff  }
0x4ad: {  	v1 =	vadd.s32 s23, v1;
	[tilespmem:s25+$0x80] =	vst v9;
	v4 =	vld.idx.msk [tilespmem:v4+s9+$0x0], $0xffff  }
0x4ae: {  	[tilespmem:s25+$0x100] =	vst v10;
	v2 =	vld.idx.msk [tilespmem:v2+s9+$0x0], $0xffff  }
0x4af: {  	s22 =	sadd.s32 $0x400, s25;
	[tilespmem:s25+$0xFFFFFE00] =	vst v8;
	v3 =	vld.idx.msk [tilespmem:v3+s9+$0x0], $0xffff  }
0x4b0: {  	v7 =	vld.idx.msk [tilespmem:v7+s9+$0x0], $0xffff;
	[tilespmem:s22+$0x180] =	vst v0  }
0x4b1: {  	v0 =	vld.idx.msk [tilespmem:v6+s9+$0x0], $0xffff;
	[tilespmem:s22+$0xFFFFFE80] =	vst v5  }
0x4b2: {  	s31 =	sadd.s32 $0x2582, s20;
	v1 =	vld.idx.msk [tilespmem:v1+s9+$0x0], $0xffff;
	[tilespmem:s22+$0xFFFFFF00] =	vst v4  }
0x4b3: {  	[tilespmem:s22+$0xFFFFFF80] =	vst v2;
	v2 =	vadd.s32 s31, v58  }
0x4b4: {  	[tilespmem:s22+$0x0] =	vst v3  }
0x4b5: {  	[tilespmem:s22+$0x80] =	vst v7  }
0x4b6: {  	[tilespmem:s22+$0x100] =	vst v0  }
0x4b7: {  	[tilespmem:s22+$0xFFFFFE00] =	vst v1;
	s22 =	simm.s32 $0x0  }
0x4b8: {  	v0 =	vld.idx.msk [tilespmem:v2+s22+$0x0], $0xffff;
	_ =	sdelay $0x4  }
0x4b9: {  	vm0 =	vlt.s32 v0, $0x3E7  }
0x4ba: {  	v0 =	vnsel vm0, $0x3E7, v0  }
0x4bb: {  	v1 =	vmul.u32 $0x41, v0  }
0x4bc: {  	s24 =	simm.s32 $0x7  }
0x4bd: {  	s25 =	simm.s32 $0x1;
	v0 =	vadd.s32 s24, v1  }
0x4be: {  	s26 =	simm.s32 $0x2;
	v2 =	vadd.s32 s25, v1  }
0x4bf: {  	s28 =	simm.s32 $0x3;
	v3 =	vadd.s32 s26, v1  }
0x4c0: {  	s29 =	simm.s32 $0x4;
	v4 =	vadd.s32 s28, v1  }
0x4c1: {  	s30 =	simm.s32 $0x5;
	v5 =	vadd.s32 s29, v1  }
0x4c2: {  	s31 =	simm.s32 $0x6;
	v6 =	vadd.s32 s30, v1;
	v0 =	vld.idx.msk [tilespmem:v0+s9+$0x0], $0xffff  }
0x4c3: {  	v7 =	vadd.s32 s31, v1;
	v2 =	vld.idx.msk [tilespmem:v2+s9+$0x0], $0xffff  }
0x4c4: {  	s24 =	simm.s32 $0xF;
	v8 =	vadd.s32 s22, v1;
	v3 =	vld.idx.msk [tilespmem:v3+s9+$0x0], $0xffff  }
0x4c5: {  	s26 =	simm.s32 $0xA;
	v9 =	vadd.s32 s24, v1;
	v10 =	vld.idx.msk [tilespmem:v4+s9+$0x0], $0xffff  }
0x4c6: {  	s25 =	simm.s32 $0x9;
	v15 =	vadd.s32 s26, v1;
	v14 =	vld.idx.msk [tilespmem:v5+s9+$0x0], $0xffff  }
0x4c7: {  	s22 =	simm.s32 $0x16430;
	s28 =	simm.s32 $0xB;
	v13 =	vadd.s32 s25, v1;
	v6 =	vld.idx.msk [tilespmem:v6+s9+$0x0], $0xffff  }
0x4c8: {  	s29 =	simm.s32 $0xC;
	v11 =	vadd.s32 s28, v1;
	v5 =	vld.idx.msk [tilespmem:v7+s9+$0x0], $0xffff;
	[tilespmem:s22+$0x180] =	vst v0  }
0x4c9: {  	s30 =	simm.s32 $0xD;
	v12 =	vadd.s32 s29, v1;
	v4 =	vld.idx.msk [tilespmem:v8+s9+$0x0], $0xffff;
	[tilespmem:s22+$0xFFFFFE80] =	vst v2  }
0x4ca: {  	s31 =	simm.s32 $0xE;
	v2 =	vld.idx.msk [tilespmem:v9+s9+$0x0], $0xffff;
	[tilespmem:s22+$0xFFFFFF00] =	vst v3;
	v9 =	vadd.s32 s30, v1  }
0x4cb: {  	s26 =	simm.s32 $0x8;
	v7 =	vld.idx.msk [tilespmem:v15+s9+$0x0], $0xffff;
	[tilespmem:s22+$0xFFFFFF80] =	vst v10;
	v10 =	vadd.s32 s31, v1  }
0x4cc: {  	s23 =	simm.s32 $0x10;
	s25 =	simm.s32 $0x17;
	s24 =	simm.s32 $0x18;
	v8 =	vadd.s32 s26, v1;
	v3 =	vld.idx.msk [tilespmem:v13+s9+$0x0], $0xffff;
	[tilespmem:s22+$0x0] =	vst v14  }
.LBB2_46:
0x4cd: {  	p0 =	slt.u32 s24, $0x38;
	s26 =	sadd.s32 $0x1, s23;
	v0 =	vadd.s32 s25, v1;
	v13 =	vld.idx.msk [tilespmem:v11+s9+$0x0], $0xffff;
	[tilespmem:s22+$0x80] =	vst v6  }
0x4ce: {  	s25 =	sadd.s32 $0x2, s23;
	v14 =	vadd.s32 s26, v1;
	v15 =	vld.idx.msk [tilespmem:v12+s9+$0x0], $0xffff;
	[tilespmem:s22+$0x100] =	vst v5  }
0x4cf: {  	v16 =	vadd.s32 s25, v1;
	s25 =	sadd.s32 $0x3, s23;
	v6 =	vld.idx.msk [tilespmem:v9+s9+$0x0], $0xffff;
	[tilespmem:s22+$0xFFFFFE00] =	vst v4;
	s22 =	sadd.s32 $0x400, s22  }
.Ltmp24:
0x4d0: {  	v11 =	vadd.s32 s25, v1;
	s25 =	sadd.s32 $0x4, s23;
	v5 =	vld.idx.msk [tilespmem:v10+s9+$0x0], $0xffff;
	[tilespmem:s22+$0x180] =	vst v2;
	(pc) =	sbr.rel @p0 .LBB2_46-.Ltmp24, $4  }
0x4d1: {  	v12 =	vadd.s32 s25, v1;
	s25 =	sadd.s32 $0x5, s23;
	v4 =	vld.idx.msk [tilespmem:v8+s9+$0x0], $0xffff;
	[tilespmem:s22+$0xFFFFFE80] =	vst v3  }
0x4d2: {  	v9 =	vadd.s32 s25, v1;
	s25 =	sadd.s32 $0x6, s23;
	v2 =	vld.idx.msk [tilespmem:v0+s9+$0x0], $0xffff;
	[tilespmem:s22+$0xFFFFFF00] =	vst v7  }
0x4d3: {  	v10 =	vadd.s32 s25, v1;
	v3 =	vld.idx.msk [tilespmem:v14+s9+$0x0], $0xffff;
	[tilespmem:s22+$0xFFFFFF80] =	vst v13  }
0x4d4: {  	v8 =	vadd.s32 s23, v1;
	s23 =	smov.u32 s24;
	s25 =	sadd.s32 $0x7, s24;
	s24 =	sadd.s32 $0x8, s24;
	v7 =	vld.idx.msk [tilespmem:v16+s9+$0x0], $0xffff;
	[tilespmem:s22+$0x0] =	vst v15  }
0x4d5: {  	_ =	sdelay $0x2  }
0x4d6: {  	[tilespmem:s22+$0x80] =	vst v6  }
0x4d7: {  	s24 =	sadd.s32 $0x1, s23;
	v0 =	vadd.s32 s25, v1;
	v6 =	vld.idx.msk [tilespmem:v11+s9+$0x0], $0xffff;
	[tilespmem:s22+$0x100] =	vst v5  }
0x4d8: {  	s31 =	sadd.s32 $0x2, s23;
	v11 =	vld.idx.msk [tilespmem:v12+s9+$0x0], $0xffff;
	s25 =	sadd.s32 $0x400, s22;
	v5 =	vadd.s32 s24, v1;
	[tilespmem:s22+$0xFFFFFE00] =	vst v4  }
0x4d9: {  	s26 =	sadd.s32 $0x3, s23;
	v9 =	vld.idx.msk [tilespmem:v9+s9+$0x0], $0xffff;
	v4 =	vadd.s32 s31, v1;
	[tilespmem:s25+$0x180] =	vst v2  }
0x4da: {  	s28 =	sadd.s32 $0x4, s23;
	v10 =	vld.idx.msk [tilespmem:v10+s9+$0x0], $0xffff;
	v2 =	vadd.s32 s26, v1;
	[tilespmem:s25+$0xFFFFFE80] =	vst v3  }
0x4db: {  	s29 =	sadd.s32 $0x5, s23;
	v8 =	vld.idx.msk [tilespmem:v8+s9+$0x0], $0xffff;
	v3 =	vadd.s32 s28, v1;
	[tilespmem:s25+$0xFFFFFF00] =	vst v7  }
0x4dc: {  	s30 =	sadd.s32 $0x6, s23;
	v7 =	vadd.s32 s29, v1;
	v0 =	vld.idx.msk [tilespmem:v0+s9+$0x0], $0xffff;
	[tilespmem:s25+$0xFFFFFF80] =	vst v6  }
0x4dd: {  	v6 =	vadd.s32 s30, v1;
	[tilespmem:s25+$0x0] =	vst v11;
	v5 =	vld.idx.msk [tilespmem:v5+s9+$0x0], $0xffff  }
0x4de: {  	v1 =	vadd.s32 s23, v1;
	[tilespmem:s25+$0x80] =	vst v9;
	v4 =	vld.idx.msk [tilespmem:v4+s9+$0x0], $0xffff  }
0x4df: {  	[tilespmem:s25+$0x100] =	vst v10;
	v2 =	vld.idx.msk [tilespmem:v2+s9+$0x0], $0xffff  }
0x4e0: {  	s22 =	sadd.s32 $0x400, s25;
	[tilespmem:s25+$0xFFFFFE00] =	vst v8;
	v3 =	vld.idx.msk [tilespmem:v3+s9+$0x0], $0xffff  }
0x4e1: {  	v7 =	vld.idx.msk [tilespmem:v7+s9+$0x0], $0xffff;
	[tilespmem:s22+$0x180] =	vst v0  }
0x4e2: {  	v0 =	vld.idx.msk [tilespmem:v6+s9+$0x0], $0xffff;
	[tilespmem:s22+$0xFFFFFE80] =	vst v5  }
0x4e3: {  	s31 =	sadd.s32 $0x3202, s20;
	v1 =	vld.idx.msk [tilespmem:v1+s9+$0x0], $0xffff;
	[tilespmem:s22+$0xFFFFFF00] =	vst v4  }
0x4e4: {  	[tilespmem:s22+$0xFFFFFF80] =	vst v2;
	v2 =	vadd.s32 s31, v58  }
0x4e5: {  	[tilespmem:s22+$0x0] =	vst v3  }
0x4e6: {  	[tilespmem:s22+$0x80] =	vst v7  }
0x4e7: {  	[tilespmem:s22+$0x100] =	vst v0  }
0x4e8: {  	[tilespmem:s22+$0xFFFFFE00] =	vst v1;
	s22 =	simm.s32 $0x0  }
0x4e9: {  	v0 =	vld.idx.msk [tilespmem:v2+s22+$0x0], $0xffff;
	_ =	sdelay $0x4  }
0x4ea: {  	vm0 =	vlt.s32 v0, $0x3E7  }
0x4eb: {  	v0 =	vnsel vm0, $0x3E7, v0  }
0x4ec: {  	v1 =	vmul.u32 $0x41, v0  }
0x4ed: {  	s24 =	simm.s32 $0x7  }
0x4ee: {  	s25 =	simm.s32 $0x1;
	v0 =	vadd.s32 s24, v1  }
0x4ef: {  	s26 =	simm.s32 $0x2;
	v2 =	vadd.s32 s25, v1  }
0x4f0: {  	s28 =	simm.s32 $0x3;
	v3 =	vadd.s32 s26, v1  }
0x4f1: {  	s29 =	simm.s32 $0x4;
	v4 =	vadd.s32 s28, v1  }
0x4f2: {  	s30 =	simm.s32 $0x5;
	v5 =	vadd.s32 s29, v1  }
0x4f3: {  	s31 =	simm.s32 $0x6;
	v6 =	vadd.s32 s30, v1;
	v0 =	vld.idx.msk [tilespmem:v0+s9+$0x0], $0xffff  }
0x4f4: {  	v7 =	vadd.s32 s31, v1;
	v2 =	vld.idx.msk [tilespmem:v2+s9+$0x0], $0xffff  }
0x4f5: {  	s24 =	simm.s32 $0xF;
	v8 =	vadd.s32 s22, v1;
	v3 =	vld.idx.msk [tilespmem:v3+s9+$0x0], $0xffff  }
0x4f6: {  	s26 =	simm.s32 $0xA;
	v9 =	vadd.s32 s24, v1;
	v10 =	vld.idx.msk [tilespmem:v4+s9+$0x0], $0xffff  }
0x4f7: {  	s25 =	simm.s32 $0x9;
	v15 =	vadd.s32 s26, v1;
	v14 =	vld.idx.msk [tilespmem:v5+s9+$0x0], $0xffff  }
0x4f8: {  	s22 =	simm.s32 $0x16440;
	s28 =	simm.s32 $0xB;
	v13 =	vadd.s32 s25, v1;
	v6 =	vld.idx.msk [tilespmem:v6+s9+$0x0], $0xffff  }
0x4f9: {  	s29 =	simm.s32 $0xC;
	v11 =	vadd.s32 s28, v1;
	v5 =	vld.idx.msk [tilespmem:v7+s9+$0x0], $0xffff;
	[tilespmem:s22+$0x180] =	vst v0  }
0x4fa: {  	s30 =	simm.s32 $0xD;
	v12 =	vadd.s32 s29, v1;
	v4 =	vld.idx.msk [tilespmem:v8+s9+$0x0], $0xffff;
	[tilespmem:s22+$0xFFFFFE80] =	vst v2  }
0x4fb: {  	s31 =	simm.s32 $0xE;
	v2 =	vld.idx.msk [tilespmem:v9+s9+$0x0], $0xffff;
	[tilespmem:s22+$0xFFFFFF00] =	vst v3;
	v9 =	vadd.s32 s30, v1  }
0x4fc: {  	s26 =	simm.s32 $0x8;
	v7 =	vld.idx.msk [tilespmem:v15+s9+$0x0], $0xffff;
	[tilespmem:s22+$0xFFFFFF80] =	vst v10;
	v10 =	vadd.s32 s31, v1  }
0x4fd: {  	s23 =	simm.s32 $0x10;
	s25 =	simm.s32 $0x17;
	s24 =	simm.s32 $0x18;
	v8 =	vadd.s32 s26, v1;
	v3 =	vld.idx.msk [tilespmem:v13+s9+$0x0], $0xffff;
	[tilespmem:s22+$0x0] =	vst v14  }
.LBB2_48:
0x4fe: {  	p0 =	slt.u32 s24, $0x38;
	s26 =	sadd.s32 $0x1, s23;
	v0 =	vadd.s32 s25, v1;
	v13 =	vld.idx.msk [tilespmem:v11+s9+$0x0], $0xffff;
	[tilespmem:s22+$0x80] =	vst v6  }
0x4ff: {  	s25 =	sadd.s32 $0x2, s23;
	v14 =	vadd.s32 s26, v1;
	v15 =	vld.idx.msk [tilespmem:v12+s9+$0x0], $0xffff;
	[tilespmem:s22+$0x100] =	vst v5  }
0x500: {  	v16 =	vadd.s32 s25, v1;
	s25 =	sadd.s32 $0x3, s23;
	v6 =	vld.idx.msk [tilespmem:v9+s9+$0x0], $0xffff;
	[tilespmem:s22+$0xFFFFFE00] =	vst v4;
	s22 =	sadd.s32 $0x400, s22  }
.Ltmp25:
0x501: {  	v11 =	vadd.s32 s25, v1;
	s25 =	sadd.s32 $0x4, s23;
	v5 =	vld.idx.msk [tilespmem:v10+s9+$0x0], $0xffff;
	[tilespmem:s22+$0x180] =	vst v2;
	(pc) =	sbr.rel @p0 .LBB2_48-.Ltmp25, $4  }
0x502: {  	v12 =	vadd.s32 s25, v1;
	s25 =	sadd.s32 $0x5, s23;
	v4 =	vld.idx.msk [tilespmem:v8+s9+$0x0], $0xffff;
	[tilespmem:s22+$0xFFFFFE80] =	vst v3  }
0x503: {  	v9 =	vadd.s32 s25, v1;
	s25 =	sadd.s32 $0x6, s23;
	v2 =	vld.idx.msk [tilespmem:v0+s9+$0x0], $0xffff;
	[tilespmem:s22+$0xFFFFFF00] =	vst v7  }
0x504: {  	v10 =	vadd.s32 s25, v1;
	v3 =	vld.idx.msk [tilespmem:v14+s9+$0x0], $0xffff;
	[tilespmem:s22+$0xFFFFFF80] =	vst v13  }
0x505: {  	v8 =	vadd.s32 s23, v1;
	s23 =	smov.u32 s24;
	s25 =	sadd.s32 $0x7, s24;
	s24 =	sadd.s32 $0x8, s24;
	v7 =	vld.idx.msk [tilespmem:v16+s9+$0x0], $0xffff;
	[tilespmem:s22+$0x0] =	vst v15  }
0x506: {  	_ =	sdelay $0x2  }
0x507: {  	[tilespmem:s22+$0x80] =	vst v6  }
0x508: {  	s24 =	sadd.s32 $0x1, s23;
	v0 =	vadd.s32 s25, v1;
	v6 =	vld.idx.msk [tilespmem:v11+s9+$0x0], $0xffff;
	[tilespmem:s22+$0x100] =	vst v5  }
0x509: {  	s31 =	sadd.s32 $0x2, s23;
	v11 =	vld.idx.msk [tilespmem:v12+s9+$0x0], $0xffff;
	s25 =	sadd.s32 $0x400, s22;
	v5 =	vadd.s32 s24, v1;
	[tilespmem:s22+$0xFFFFFE00] =	vst v4  }
0x50a: {  	s26 =	sadd.s32 $0x3, s23;
	v9 =	vld.idx.msk [tilespmem:v9+s9+$0x0], $0xffff;
	v4 =	vadd.s32 s31, v1;
	[tilespmem:s25+$0x180] =	vst v2  }
0x50b: {  	s28 =	sadd.s32 $0x4, s23;
	v10 =	vld.idx.msk [tilespmem:v10+s9+$0x0], $0xffff;
	v2 =	vadd.s32 s26, v1;
	[tilespmem:s25+$0xFFFFFE80] =	vst v3  }
0x50c: {  	s29 =	sadd.s32 $0x5, s23;
	v8 =	vld.idx.msk [tilespmem:v8+s9+$0x0], $0xffff;
	v3 =	vadd.s32 s28, v1;
	[tilespmem:s25+$0xFFFFFF00] =	vst v7  }
0x50d: {  	s30 =	sadd.s32 $0x6, s23;
	v7 =	vadd.s32 s29, v1;
	v0 =	vld.idx.msk [tilespmem:v0+s9+$0x0], $0xffff;
	[tilespmem:s25+$0xFFFFFF80] =	vst v6  }
0x50e: {  	v6 =	vadd.s32 s30, v1;
	[tilespmem:s25+$0x0] =	vst v11;
	v5 =	vld.idx.msk [tilespmem:v5+s9+$0x0], $0xffff  }
0x50f: {  	v1 =	vadd.s32 s23, v1;
	[tilespmem:s25+$0x80] =	vst v9;
	v4 =	vld.idx.msk [tilespmem:v4+s9+$0x0], $0xffff  }
0x510: {  	[tilespmem:s25+$0x100] =	vst v10;
	v2 =	vld.idx.msk [tilespmem:v2+s9+$0x0], $0xffff  }
0x511: {  	s22 =	sadd.s32 $0x400, s25;
	[tilespmem:s25+$0xFFFFFE00] =	vst v8;
	v3 =	vld.idx.msk [tilespmem:v3+s9+$0x0], $0xffff  }
0x512: {  	v7 =	vld.idx.msk [tilespmem:v7+s9+$0x0], $0xffff;
	[tilespmem:s22+$0x180] =	vst v0  }
0x513: {  	v0 =	vld.idx.msk [tilespmem:v6+s9+$0x0], $0xffff;
	[tilespmem:s22+$0xFFFFFE80] =	vst v5  }
0x514: {  	s31 =	sadd.s32 $0x3E82, s20;
	v1 =	vld.idx.msk [tilespmem:v1+s9+$0x0], $0xffff;
	[tilespmem:s22+$0xFFFFFF00] =	vst v4  }
0x515: {  	[tilespmem:s22+$0xFFFFFF80] =	vst v2;
	v2 =	vadd.s32 s31, v58  }
0x516: {  	[tilespmem:s22+$0x0] =	vst v3  }
0x517: {  	[tilespmem:s22+$0x80] =	vst v7  }
0x518: {  	[tilespmem:s22+$0x100] =	vst v0  }
0x519: {  	[tilespmem:s22+$0xFFFFFE00] =	vst v1;
	s22 =	simm.s32 $0x0  }
0x51a: {  	v0 =	vld.idx.msk [tilespmem:v2+s22+$0x0], $0xffff;
	_ =	sdelay $0x4  }
0x51b: {  	vm0 =	vlt.s32 v0, $0x3E7  }
0x51c: {  	v0 =	vnsel vm0, $0x3E7, v0  }
0x51d: {  	v1 =	vmul.u32 $0x41, v0  }
0x51e: {  	s24 =	simm.s32 $0x7  }
0x51f: {  	s25 =	simm.s32 $0x1;
	v0 =	vadd.s32 s24, v1  }
0x520: {  	s26 =	simm.s32 $0x2;
	v2 =	vadd.s32 s25, v1  }
0x521: {  	s28 =	simm.s32 $0x3;
	v3 =	vadd.s32 s26, v1  }
0x522: {  	s29 =	simm.s32 $0x4;
	v4 =	vadd.s32 s28, v1  }
0x523: {  	s30 =	simm.s32 $0x5;
	v5 =	vadd.s32 s29, v1  }
0x524: {  	s31 =	simm.s32 $0x6;
	v6 =	vadd.s32 s30, v1;
	v0 =	vld.idx.msk [tilespmem:v0+s9+$0x0], $0xffff  }
0x525: {  	v7 =	vadd.s32 s31, v1;
	v2 =	vld.idx.msk [tilespmem:v2+s9+$0x0], $0xffff  }
0x526: {  	s24 =	simm.s32 $0xF;
	v8 =	vadd.s32 s22, v1;
	v3 =	vld.idx.msk [tilespmem:v3+s9+$0x0], $0xffff  }
0x527: {  	s26 =	simm.s32 $0xA;
	v9 =	vadd.s32 s24, v1;
	v10 =	vld.idx.msk [tilespmem:v4+s9+$0x0], $0xffff  }
0x528: {  	s25 =	simm.s32 $0x9;
	v15 =	vadd.s32 s26, v1;
	v14 =	vld.idx.msk [tilespmem:v5+s9+$0x0], $0xffff  }
0x529: {  	s22 =	simm.s32 $0x16450;
	s28 =	simm.s32 $0xB;
	v13 =	vadd.s32 s25, v1;
	v6 =	vld.idx.msk [tilespmem:v6+s9+$0x0], $0xffff  }
0x52a: {  	s29 =	simm.s32 $0xC;
	v11 =	vadd.s32 s28, v1;
	v5 =	vld.idx.msk [tilespmem:v7+s9+$0x0], $0xffff;
	[tilespmem:s22+$0x180] =	vst v0  }
0x52b: {  	s30 =	simm.s32 $0xD;
	v12 =	vadd.s32 s29, v1;
	v4 =	vld.idx.msk [tilespmem:v8+s9+$0x0], $0xffff;
	[tilespmem:s22+$0xFFFFFE80] =	vst v2  }
0x52c: {  	s31 =	simm.s32 $0xE;
	v2 =	vld.idx.msk [tilespmem:v9+s9+$0x0], $0xffff;
	[tilespmem:s22+$0xFFFFFF00] =	vst v3;
	v9 =	vadd.s32 s30, v1  }
0x52d: {  	s26 =	simm.s32 $0x8;
	v7 =	vld.idx.msk [tilespmem:v15+s9+$0x0], $0xffff;
	[tilespmem:s22+$0xFFFFFF80] =	vst v10;
	v10 =	vadd.s32 s31, v1  }
0x52e: {  	s23 =	simm.s32 $0x10;
	s25 =	simm.s32 $0x17;
	s24 =	simm.s32 $0x18;
	v8 =	vadd.s32 s26, v1;
	v3 =	vld.idx.msk [tilespmem:v13+s9+$0x0], $0xffff;
	[tilespmem:s22+$0x0] =	vst v14  }
.LBB2_50:
0x52f: {  	p0 =	slt.u32 s24, $0x38;
	s26 =	sadd.s32 $0x1, s23;
	v0 =	vadd.s32 s25, v1;
	v13 =	vld.idx.msk [tilespmem:v11+s9+$0x0], $0xffff;
	[tilespmem:s22+$0x80] =	vst v6  }
0x530: {  	s25 =	sadd.s32 $0x2, s23;
	v14 =	vadd.s32 s26, v1;
	v15 =	vld.idx.msk [tilespmem:v12+s9+$0x0], $0xffff;
	[tilespmem:s22+$0x100] =	vst v5  }
0x531: {  	v16 =	vadd.s32 s25, v1;
	s25 =	sadd.s32 $0x3, s23;
	v6 =	vld.idx.msk [tilespmem:v9+s9+$0x0], $0xffff;
	[tilespmem:s22+$0xFFFFFE00] =	vst v4;
	s22 =	sadd.s32 $0x400, s22  }
.Ltmp26:
0x532: {  	v11 =	vadd.s32 s25, v1;
	s25 =	sadd.s32 $0x4, s23;
	v5 =	vld.idx.msk [tilespmem:v10+s9+$0x0], $0xffff;
	[tilespmem:s22+$0x180] =	vst v2;
	(pc) =	sbr.rel @p0 .LBB2_50-.Ltmp26, $4  }
0x533: {  	v12 =	vadd.s32 s25, v1;
	s25 =	sadd.s32 $0x5, s23;
	v4 =	vld.idx.msk [tilespmem:v8+s9+$0x0], $0xffff;
	[tilespmem:s22+$0xFFFFFE80] =	vst v3  }
0x534: {  	v9 =	vadd.s32 s25, v1;
	s25 =	sadd.s32 $0x6, s23;
	v2 =	vld.idx.msk [tilespmem:v0+s9+$0x0], $0xffff;
	[tilespmem:s22+$0xFFFFFF00] =	vst v7  }
0x535: {  	v10 =	vadd.s32 s25, v1;
	v3 =	vld.idx.msk [tilespmem:v14+s9+$0x0], $0xffff;
	[tilespmem:s22+$0xFFFFFF80] =	vst v13  }
0x536: {  	v8 =	vadd.s32 s23, v1;
	s23 =	smov.u32 s24;
	s25 =	sadd.s32 $0x7, s24;
	s24 =	sadd.s32 $0x8, s24;
	v7 =	vld.idx.msk [tilespmem:v16+s9+$0x0], $0xffff;
	[tilespmem:s22+$0x0] =	vst v15  }
0x537: {  	_ =	sdelay $0x2  }
0x538: {  	[tilespmem:s22+$0x80] =	vst v6  }
0x539: {  	s24 =	sadd.s32 $0x1, s23;
	v0 =	vadd.s32 s25, v1;
	v6 =	vld.idx.msk [tilespmem:v11+s9+$0x0], $0xffff;
	[tilespmem:s22+$0x100] =	vst v5  }
0x53a: {  	s31 =	sadd.s32 $0x2, s23;
	v11 =	vld.idx.msk [tilespmem:v12+s9+$0x0], $0xffff;
	s25 =	sadd.s32 $0x400, s22;
	v5 =	vadd.s32 s24, v1;
	[tilespmem:s22+$0xFFFFFE00] =	vst v4  }
0x53b: {  	s26 =	sadd.s32 $0x3, s23;
	v9 =	vld.idx.msk [tilespmem:v9+s9+$0x0], $0xffff;
	v4 =	vadd.s32 s31, v1;
	[tilespmem:s25+$0x180] =	vst v2  }
0x53c: {  	s28 =	sadd.s32 $0x4, s23;
	v10 =	vld.idx.msk [tilespmem:v10+s9+$0x0], $0xffff;
	v2 =	vadd.s32 s26, v1;
	[tilespmem:s25+$0xFFFFFE80] =	vst v3  }
0x53d: {  	s29 =	sadd.s32 $0x5, s23;
	v8 =	vld.idx.msk [tilespmem:v8+s9+$0x0], $0xffff;
	v3 =	vadd.s32 s28, v1;
	[tilespmem:s25+$0xFFFFFF00] =	vst v7  }
0x53e: {  	s30 =	sadd.s32 $0x6, s23;
	v7 =	vadd.s32 s29, v1;
	v0 =	vld.idx.msk [tilespmem:v0+s9+$0x0], $0xffff;
	[tilespmem:s25+$0xFFFFFF80] =	vst v6  }
0x53f: {  	v6 =	vadd.s32 s30, v1;
	[tilespmem:s25+$0x0] =	vst v11;
	v5 =	vld.idx.msk [tilespmem:v5+s9+$0x0], $0xffff  }
0x540: {  	v1 =	vadd.s32 s23, v1;
	[tilespmem:s25+$0x80] =	vst v9;
	v4 =	vld.idx.msk [tilespmem:v4+s9+$0x0], $0xffff  }
0x541: {  	[tilespmem:s25+$0x100] =	vst v10;
	v2 =	vld.idx.msk [tilespmem:v2+s9+$0x0], $0xffff  }
0x542: {  	s22 =	sadd.s32 $0x400, s25;
	[tilespmem:s25+$0xFFFFFE00] =	vst v8;
	v3 =	vld.idx.msk [tilespmem:v3+s9+$0x0], $0xffff  }
0x543: {  	v7 =	vld.idx.msk [tilespmem:v7+s9+$0x0], $0xffff;
	[tilespmem:s22+$0x180] =	vst v0  }
0x544: {  	v0 =	vld.idx.msk [tilespmem:v6+s9+$0x0], $0xffff;
	[tilespmem:s22+$0xFFFFFE80] =	vst v5  }
0x545: {  	s31 =	sadd.s32 $0x4B02, s20;
	v1 =	vld.idx.msk [tilespmem:v1+s9+$0x0], $0xffff;
	[tilespmem:s22+$0xFFFFFF00] =	vst v4  }
0x546: {  	[tilespmem:s22+$0xFFFFFF80] =	vst v2;
	v2 =	vadd.s32 s31, v58  }
0x547: {  	[tilespmem:s22+$0x0] =	vst v3  }
0x548: {  	[tilespmem:s22+$0x80] =	vst v7  }
0x549: {  	[tilespmem:s22+$0x100] =	vst v0  }
0x54a: {  	[tilespmem:s22+$0xFFFFFE00] =	vst v1;
	s22 =	simm.s32 $0x0  }
0x54b: {  	v0 =	vld.idx.msk [tilespmem:v2+s22+$0x0], $0xffff;
	_ =	sdelay $0x4  }
0x54c: {  	vm0 =	vlt.s32 v0, $0x3E7  }
0x54d: {  	v0 =	vnsel vm0, $0x3E7, v0  }
0x54e: {  	v1 =	vmul.u32 $0x41, v0  }
0x54f: {  	s24 =	simm.s32 $0x7  }
0x550: {  	s25 =	simm.s32 $0x1;
	v0 =	vadd.s32 s24, v1  }
0x551: {  	s26 =	simm.s32 $0x2;
	v2 =	vadd.s32 s25, v1  }
0x552: {  	s28 =	simm.s32 $0x3;
	v3 =	vadd.s32 s26, v1  }
0x553: {  	s29 =	simm.s32 $0x4;
	v4 =	vadd.s32 s28, v1  }
0x554: {  	s30 =	simm.s32 $0x5;
	v5 =	vadd.s32 s29, v1  }
0x555: {  	s31 =	simm.s32 $0x6;
	v6 =	vadd.s32 s30, v1;
	v0 =	vld.idx.msk [tilespmem:v0+s9+$0x0], $0xffff  }
0x556: {  	v7 =	vadd.s32 s31, v1;
	v2 =	vld.idx.msk [tilespmem:v2+s9+$0x0], $0xffff  }
0x557: {  	s24 =	simm.s32 $0xF;
	v8 =	vadd.s32 s22, v1;
	v3 =	vld.idx.msk [tilespmem:v3+s9+$0x0], $0xffff  }
0x558: {  	s26 =	simm.s32 $0xA;
	v9 =	vadd.s32 s24, v1;
	v10 =	vld.idx.msk [tilespmem:v4+s9+$0x0], $0xffff  }
0x559: {  	s25 =	simm.s32 $0x9;
	v15 =	vadd.s32 s26, v1;
	v14 =	vld.idx.msk [tilespmem:v5+s9+$0x0], $0xffff  }
0x55a: {  	s22 =	simm.s32 $0x16460;
	s28 =	simm.s32 $0xB;
	v13 =	vadd.s32 s25, v1;
	v6 =	vld.idx.msk [tilespmem:v6+s9+$0x0], $0xffff  }
0x55b: {  	s29 =	simm.s32 $0xC;
	v11 =	vadd.s32 s28, v1;
	v5 =	vld.idx.msk [tilespmem:v7+s9+$0x0], $0xffff;
	[tilespmem:s22+$0x180] =	vst v0  }
0x55c: {  	s30 =	simm.s32 $0xD;
	v12 =	vadd.s32 s29, v1;
	v4 =	vld.idx.msk [tilespmem:v8+s9+$0x0], $0xffff;
	[tilespmem:s22+$0xFFFFFE80] =	vst v2  }
0x55d: {  	s31 =	simm.s32 $0xE;
	v2 =	vld.idx.msk [tilespmem:v9+s9+$0x0], $0xffff;
	[tilespmem:s22+$0xFFFFFF00] =	vst v3;
	v9 =	vadd.s32 s30, v1  }
0x55e: {  	s26 =	simm.s32 $0x8;
	v7 =	vld.idx.msk [tilespmem:v15+s9+$0x0], $0xffff;
	[tilespmem:s22+$0xFFFFFF80] =	vst v10;
	v10 =	vadd.s32 s31, v1  }
0x55f: {  	s23 =	simm.s32 $0x10;
	s25 =	simm.s32 $0x17;
	s24 =	simm.s32 $0x18;
	v8 =	vadd.s32 s26, v1;
	v3 =	vld.idx.msk [tilespmem:v13+s9+$0x0], $0xffff;
	[tilespmem:s22+$0x0] =	vst v14  }
.LBB2_52:
0x560: {  	p0 =	slt.u32 s24, $0x38;
	s26 =	sadd.s32 $0x1, s23;
	v0 =	vadd.s32 s25, v1;
	v13 =	vld.idx.msk [tilespmem:v11+s9+$0x0], $0xffff;
	[tilespmem:s22+$0x80] =	vst v6  }
0x561: {  	s25 =	sadd.s32 $0x2, s23;
	v14 =	vadd.s32 s26, v1;
	v15 =	vld.idx.msk [tilespmem:v12+s9+$0x0], $0xffff;
	[tilespmem:s22+$0x100] =	vst v5  }
0x562: {  	v16 =	vadd.s32 s25, v1;
	s25 =	sadd.s32 $0x3, s23;
	v6 =	vld.idx.msk [tilespmem:v9+s9+$0x0], $0xffff;
	[tilespmem:s22+$0xFFFFFE00] =	vst v4;
	s22 =	sadd.s32 $0x400, s22  }
.Ltmp27:
0x563: {  	v11 =	vadd.s32 s25, v1;
	s25 =	sadd.s32 $0x4, s23;
	v5 =	vld.idx.msk [tilespmem:v10+s9+$0x0], $0xffff;
	[tilespmem:s22+$0x180] =	vst v2;
	(pc) =	sbr.rel @p0 .LBB2_52-.Ltmp27, $4  }
0x564: {  	v12 =	vadd.s32 s25, v1;
	s25 =	sadd.s32 $0x5, s23;
	v4 =	vld.idx.msk [tilespmem:v8+s9+$0x0], $0xffff;
	[tilespmem:s22+$0xFFFFFE80] =	vst v3  }
0x565: {  	v9 =	vadd.s32 s25, v1;
	s25 =	sadd.s32 $0x6, s23;
	v2 =	vld.idx.msk [tilespmem:v0+s9+$0x0], $0xffff;
	[tilespmem:s22+$0xFFFFFF00] =	vst v7  }
0x566: {  	v10 =	vadd.s32 s25, v1;
	v3 =	vld.idx.msk [tilespmem:v14+s9+$0x0], $0xffff;
	[tilespmem:s22+$0xFFFFFF80] =	vst v13  }
0x567: {  	v8 =	vadd.s32 s23, v1;
	s23 =	smov.u32 s24;
	s25 =	sadd.s32 $0x7, s24;
	s24 =	sadd.s32 $0x8, s24;
	v7 =	vld.idx.msk [tilespmem:v16+s9+$0x0], $0xffff;
	[tilespmem:s22+$0x0] =	vst v15  }
0x568: {  	_ =	sdelay $0x2  }
0x569: {  	[tilespmem:s22+$0x80] =	vst v6  }
0x56a: {  	s24 =	sadd.s32 $0x1, s23;
	v0 =	vadd.s32 s25, v1;
	v6 =	vld.idx.msk [tilespmem:v11+s9+$0x0], $0xffff;
	[tilespmem:s22+$0x100] =	vst v5  }
0x56b: {  	s25 =	sadd.s32 $0x2, s23;
	v11 =	vld.idx.msk [tilespmem:v12+s9+$0x0], $0xffff;
	s26 =	sadd.s32 $0x400, s22;
	v5 =	vadd.s32 s24, v1;
	[tilespmem:s22+$0xFFFFFE00] =	vst v4  }
0x56c: {  	s28 =	sadd.s32 $0x3, s23;
	v9 =	vld.idx.msk [tilespmem:v9+s9+$0x0], $0xffff;
	v4 =	vadd.s32 s25, v1;
	[tilespmem:s26+$0x180] =	vst v2  }
0x56d: {  	s29 =	sadd.s32 $0x4, s23;
	v10 =	vld.idx.msk [tilespmem:v10+s9+$0x0], $0xffff;
	v2 =	vadd.s32 s28, v1;
	[tilespmem:s26+$0xFFFFFE80] =	vst v3  }
0x56e: {  	s30 =	sadd.s32 $0x5, s23;
	v8 =	vld.idx.msk [tilespmem:v8+s9+$0x0], $0xffff;
	v3 =	vadd.s32 s29, v1;
	[tilespmem:s26+$0xFFFFFF00] =	vst v7  }
0x56f: {  	s31 =	sadd.s32 $0x6, s23;
	v7 =	vadd.s32 s30, v1;
	v0 =	vld.idx.msk [tilespmem:v0+s9+$0x0], $0xffff;
	[tilespmem:s26+$0xFFFFFF80] =	vst v6  }
0x570: {  	v6 =	vadd.s32 s31, v1;
	[tilespmem:s26+$0x0] =	vst v11;
	v5 =	vld.idx.msk [tilespmem:v5+s9+$0x0], $0xffff  }
0x571: {  	v1 =	vadd.s32 s23, v1;
	[tilespmem:s26+$0x80] =	vst v9;
	v4 =	vld.idx.msk [tilespmem:v4+s9+$0x0], $0xffff  }
0x572: {  	[tilespmem:s26+$0x100] =	vst v10;
	v2 =	vld.idx.msk [tilespmem:v2+s9+$0x0], $0xffff  }
0x573: {  	s22 =	sadd.s32 $0x400, s26;
	[tilespmem:s26+$0xFFFFFE00] =	vst v8;
	v3 =	vld.idx.msk [tilespmem:v3+s9+$0x0], $0xffff  }
0x574: {  	v7 =	vld.idx.msk [tilespmem:v7+s9+$0x0], $0xffff;
	[tilespmem:s22+$0x180] =	vst v0  }
0x575: {  	v0 =	vld.idx.msk [tilespmem:v6+s9+$0x0], $0xffff;
	[tilespmem:s22+$0xFFFFFE80] =	vst v5  }
0x576: {  	s20 =	sadd.s32 $0x5782, s20;
	v1 =	vld.idx.msk [tilespmem:v1+s9+$0x0], $0xffff;
	[tilespmem:s22+$0xFFFFFF00] =	vst v4  }
0x577: {  	[tilespmem:s22+$0xFFFFFF80] =	vst v2;
	v2 =	vadd.s32 s20, v58  }
0x578: {  	[tilespmem:s22+$0x0] =	vst v3  }
0x579: {  	[tilespmem:s22+$0x80] =	vst v7  }
0x57a: {  	[tilespmem:s22+$0x100] =	vst v0  }
0x57b: {  	s20 =	simm.s32 $0x0;
	[tilespmem:s22+$0xFFFFFE00] =	vst v1  }
0x57c: {  	v0 =	vld.idx.msk [tilespmem:v2+s20+$0x0], $0xffff;
	_ =	sdelay $0x4  }
0x57d: {  	vm0 =	vlt.s32 v0, $0x3E7  }
0x57e: {  	v0 =	vnsel vm0, $0x3E7, v0  }
0x57f: {  	v1 =	vmul.u32 $0x41, v0  }
0x580: {  	s24 =	simm.s32 $0x7  }
0x581: {  	s25 =	simm.s32 $0x1;
	v0 =	vadd.s32 s24, v1  }
0x582: {  	s26 =	simm.s32 $0x2;
	v2 =	vadd.s32 s25, v1  }
0x583: {  	s28 =	simm.s32 $0x3;
	v3 =	vadd.s32 s26, v1  }
0x584: {  	s29 =	simm.s32 $0x4;
	v4 =	vadd.s32 s28, v1  }
0x585: {  	s30 =	simm.s32 $0x5;
	v5 =	vadd.s32 s29, v1  }
0x586: {  	s31 =	simm.s32 $0x6;
	v6 =	vadd.s32 s30, v1;
	v0 =	vld.idx.msk [tilespmem:v0+s9+$0x0], $0xffff  }
0x587: {  	v7 =	vadd.s32 s31, v1;
	v2 =	vld.idx.msk [tilespmem:v2+s9+$0x0], $0xffff  }
0x588: {  	s23 =	simm.s32 $0xF;
	v8 =	vadd.s32 s20, v1;
	v3 =	vld.idx.msk [tilespmem:v3+s9+$0x0], $0xffff  }
0x589: {  	v9 =	vadd.s32 s23, v1;
	s25 =	simm.s32 $0xA;
	v10 =	vld.idx.msk [tilespmem:v4+s9+$0x0], $0xffff  }
0x58a: {  	s24 =	simm.s32 $0x9;
	v15 =	vadd.s32 s25, v1;
	v14 =	vld.idx.msk [tilespmem:v5+s9+$0x0], $0xffff  }
0x58b: {  	s20 =	simm.s32 $0x16470;
	s26 =	simm.s32 $0xB;
	v13 =	vadd.s32 s24, v1;
	v6 =	vld.idx.msk [tilespmem:v6+s9+$0x0], $0xffff  }
0x58c: {  	s28 =	simm.s32 $0xC;
	v11 =	vadd.s32 s26, v1;
	v5 =	vld.idx.msk [tilespmem:v7+s9+$0x0], $0xffff;
	[tilespmem:s20+$0x180] =	vst v0  }
0x58d: {  	s29 =	simm.s32 $0xD;
	v12 =	vadd.s32 s28, v1;
	v4 =	vld.idx.msk [tilespmem:v8+s9+$0x0], $0xffff;
	[tilespmem:s20+$0xFFFFFE80] =	vst v2  }
0x58e: {  	s31 =	simm.s32 $0xE;
	v2 =	vld.idx.msk [tilespmem:v9+s9+$0x0], $0xffff;
	[tilespmem:s20+$0xFFFFFF00] =	vst v3;
	v9 =	vadd.s32 s29, v1  }
0x58f: {  	s30 =	simm.s32 $0x8;
	v7 =	vld.idx.msk [tilespmem:v15+s9+$0x0], $0xffff;
	[tilespmem:s20+$0xFFFFFF80] =	vst v10;
	v10 =	vadd.s32 s31, v1  }
0x590: {  	s22 =	simm.s32 $0x10;
	s23 =	simm.s32 $0x18;
	s24 =	simm.s32 $0x17;
	v8 =	vadd.s32 s30, v1;
	v3 =	vld.idx.msk [tilespmem:v13+s9+$0x0], $0xffff;
	[tilespmem:s20+$0x0] =	vst v14  }
.LBB2_54:
0x591: {  	p0 =	slt.u32 s23, $0x38;
	s25 =	sadd.s32 $0x1, s22;
	v0 =	vadd.s32 s24, v1;
	v13 =	vld.idx.msk [tilespmem:v11+s9+$0x0], $0xffff;
	[tilespmem:s20+$0x80] =	vst v6  }
0x592: {  	s24 =	sadd.s32 $0x2, s22;
	v14 =	vadd.s32 s25, v1;
	v15 =	vld.idx.msk [tilespmem:v12+s9+$0x0], $0xffff;
	[tilespmem:s20+$0x100] =	vst v5  }
0x593: {  	v16 =	vadd.s32 s24, v1;
	s24 =	sadd.s32 $0x3, s22;
	v6 =	vld.idx.msk [tilespmem:v9+s9+$0x0], $0xffff;
	[tilespmem:s20+$0xFFFFFE00] =	vst v4;
	s20 =	sadd.s32 $0x400, s20  }
.Ltmp28:
0x594: {  	v11 =	vadd.s32 s24, v1;
	s24 =	sadd.s32 $0x4, s22;
	v5 =	vld.idx.msk [tilespmem:v10+s9+$0x0], $0xffff;
	[tilespmem:s20+$0x180] =	vst v2;
	(pc) =	sbr.rel @p0 .LBB2_54-.Ltmp28, $4  }
0x595: {  	v12 =	vadd.s32 s24, v1;
	s24 =	sadd.s32 $0x5, s22;
	v4 =	vld.idx.msk [tilespmem:v8+s9+$0x0], $0xffff;
	[tilespmem:s20+$0xFFFFFE80] =	vst v3  }
0x596: {  	v9 =	vadd.s32 s24, v1;
	s24 =	sadd.s32 $0x6, s22;
	v2 =	vld.idx.msk [tilespmem:v0+s9+$0x0], $0xffff;
	[tilespmem:s20+$0xFFFFFF00] =	vst v7  }
0x597: {  	v10 =	vadd.s32 s24, v1;
	v3 =	vld.idx.msk [tilespmem:v14+s9+$0x0], $0xffff;
	[tilespmem:s20+$0xFFFFFF80] =	vst v13  }
0x598: {  	v8 =	vadd.s32 s22, v1;
	s22 =	smov.u32 s23;
	s24 =	sadd.s32 $0x7, s23;
	s23 =	sadd.s32 $0x8, s23;
	v7 =	vld.idx.msk [tilespmem:v16+s9+$0x0], $0xffff;
	[tilespmem:s20+$0x0] =	vst v15  }
0x599: {  	_ =	sdelay $0x2  }
0x59a: {  	[tilespmem:s20+$0x80] =	vst v6  }
0x59b: {  	v0 =	vadd.s32 s24, v1;
	v53 =	vld.idx.msk [tilespmem:v11+s9+$0x0], $0xffff;
	[tilespmem:s20+$0x100] =	vst v5  }
0x59c: {  	s23 =	sadd.s32 $0x1, s22;
	v55 =	vld.idx.msk [tilespmem:v12+s9+$0x0], $0xffff;
	s25 =	sadd.s32 $0x400, s20;
	v62 =	vadd.s32 s22, v1;
	[tilespmem:s20+$0xFFFFFE00] =	vst v4  }
0x59d: {  	s24 =	sadd.s32 $0x2, s22;
	v9 =	vld.idx.msk [tilespmem:v9+s9+$0x0], $0xffff;
	v54 =	vadd.s32 s23, v1;
	[tilespmem:s25+$0x180] =	vst v2  }
0x59e: {  	s26 =	sadd.s32 $0x3, s22;
	v10 =	vld.idx.msk [tilespmem:v10+s9+$0x0], $0xffff;
	v56 =	vadd.s32 s24, v1;
	[tilespmem:s25+$0xFFFFFE80] =	vst v3  }
0x59f: {  	s28 =	sadd.s32 $0x4, s22;
	v8 =	vld.idx.msk [tilespmem:v8+s9+$0x0], $0xffff;
	v57 =	vadd.s32 s26, v1;
	[tilespmem:s25+$0xFFFFFF00] =	vst v7  }
0x5a0: {  	s29 =	sadd.s32 $0x5, s22;
	s30 =	sadd.s32 $0x6, s22;
	v59 =	vadd.s32 s28, v1;
	v0 =	vld.idx.msk [tilespmem:v0+s9+$0x0], $0xffff;
	[tilespmem:s25+$0xFFFFFF80] =	vst v53  }
0x5a1: {  	v60 =	vadd.s32 s29, v1;
	v61 =	vadd.s32 s30, v1;
	[tilespmem:s25+$0x0] =	vst v55;
	v1 =	vld.idx.msk [tilespmem:v62+s9+$0x0], $0xffff  }
0x5a2: {  	[tilespmem:s25+$0x80] =	vst v9;
	v5 =	vld.idx.msk [tilespmem:v54+s9+$0x0], $0xffff  }
0x5a3: {  	[tilespmem:s25+$0x100] =	vst v10;
	v4 =	vld.idx.msk [tilespmem:v56+s9+$0x0], $0xffff  }
0x5a4: {  	s20 =	sadd.s32 $0x400, s25;
	[tilespmem:s25+$0xFFFFFE00] =	vst v8;
	v2 =	vld.idx.msk [tilespmem:v57+s9+$0x0], $0xffff  }
0x5a5: {  	v3 =	vld.idx.msk [tilespmem:v59+s9+$0x0], $0xffff;
	[tilespmem:s20+$0x180] =	vst v0  }
0x5a6: {  	v7 =	vld.idx.msk [tilespmem:v60+s9+$0x0], $0xffff;
	[tilespmem:s20+$0xFFFFFE00] =	vst v1  }
0x5a7: {  	v63 =	vld.idx.msk [tilespmem:v61+s9+$0x0], $0xffff;
	[tilespmem:s20+$0xFFFFFE80] =	vst v5  }
0x5a8: {  	[tilespmem:s20+$0xFFFFFF00] =	vst v4  }
.Ltmp29:
0x5a9: {  	s21 =	sshll.u32 s21, $0x12;
	[tilespmem:s20+$0xFFFFFF80] =	vst v2;
	(pc) =	sbr.rel .LBB2_22-.Ltmp29, $4  }
0x5aa: {  	s21 =	sor.u32 s6, s21;
	[tilespmem:s20+$0x0] =	vst v3  }
0x5ab: {  	s21 =	sshrl.u32 s21, $0x3;
	[tilespmem:s20+$0x80] =	vst v7  }
0x5ac: {  	s19 =	sadd.s32 $0x1, s19;
	s31 =	sadd.s32 s3, s21;
	[tilespmem:s20+$0x100] =	vst v63  }
0x5ad: {  	[hbm4b:s31+s11] =	stream.strided.scatter [tilespmem:s13], [sflag:$0x1], $0x2000, s12, s11, $0x38;
	[tilespmem:$0x1A200] =	vst v63  }
.LBB2_57:
0x5ae: {  	_ =	sfence.sel $0x180000  }
0x5af: {  	[bflag:$0x0] =	sbarrier.arrive $0xFFFF  }
0x5b0: {  	p0 =	sne.s32 s0, $0x0;
	_ =	strace $0x90000047  }
0x5b1: {  	s0 =	sadd.s32 @!p0 $0x100000, s1;
	[bflag:$0x2] =	sbarrier.arrive $0xFFFF  }
0x5b2: {  	[sflag:s0] =	ssyncadd.tile.s32 @!p0 $0x1;
	_ =	shalt  }
.Lfunc_end2:
_tile_overlayer_lowered:
.L_overlay_start_2:
0x5b3: {  	(tag) =	ssettag $0x2  }
0x5b4: {  	s0 =	rddreg [dreg:$0x0];
	s2 =	stileid.u32  }
0x5b5: {  	s1 =	rddreg [dreg:$0x1];
	p0 =	sne.s32 s2, $0x0  }
0x5b6: {  	s3 =	rddreg [dreg:$0x2];
	[bflag:$0x3] =	sbarrier.arrive $0xFFFF;
	s2 =	simm.s32 @!p0 $0x1C03  }
0x5b7: {  	[timem:s3], [sflag:s2] =	dma.local @!p0 [hbm:s0], s1  }
0x5b8: {  	s0 =	simm.s32 @!p0 $0x3  }
0x5b9: {  	_ =	swait.ge @!p0 [sflag:s0], s1  }
0x5ba: {  	s1 =	ssub.s32 @!p0 $0x0, s1;
	[sflag:s0] =	ssyncset.done @!p0 $0x0  }
0x5bb: {  	[sflag:s0] =	ssyncadd.s32 @!p0 s1  }
0x5bc: {  	[bflag:$0x3] =	sbarrier.arrive $0xFFFF  }
0x5bd: {  	_ =	shalt  }

</sc_bundles>
